<compile_context>
chip_gen: v7x
topology: tpu7x:2x2x1
jax: 0.10.2.dev20260603
libtpu: 0.0.44.dev20260713+nightly
codegen_flags: <defaults>
</compile_context>

<pallas_src>
import functools

import jax
import jax.numpy as jnp
from jax import lax
from jax.experimental import pallas as pl
from jax.experimental.pallas import tpu as pltpu
from jax.experimental.pallas import tpu_sc as plsc

_K = 256
_N = 32768
_ROWS = 64
_L = 16
_B1 = 4096
_B2 = 1024
_B3 = 1024

_HROW = _B1 + _B2 + _B3
_HTOT = 2 * _HROW

_NC = 2
_NS = 16
_NW = _NC * _NS
_RPW = _ROWS // _NW


def _f2key(v):
    i = lax.bitcast_convert_type(v, jnp.int32)
    return i ^ ((i >> 31) & jnp.int32(0x7FFFFFFF))


_GB = 256


def _scan_top(hist_ref, base, nbuckets, target, lanes):
    ngroups = nbuckets // _GB

    def gcond(c):
        j, acc, _ = c
        return (j < ngroups) & (acc < target)

    def gbody(c):
        j, acc, _ = c
        gb = base + nbuckets - (j + 1) * _GB
        h = hist_ref[pl.ds(gb, _L)]
        for t in range(1, _GB // _L):
            h = h + hist_ref[pl.ds(gb + t * _L, _L)]
        return j + 1, acc + jnp.sum(h), acc

    jg_end, _, acc_g = lax.while_loop(
        gcond, gbody, (jnp.int32(0), jnp.int32(0), jnp.int32(0)))
    gbase = base + nbuckets - jg_end * _GB

    def ccond(c):
        j, acc, _ = c
        return (j < _GB // _L) & (acc < target)

    def cbody(c):
        j, acc, _ = c
        h = hist_ref[pl.ds(gbase + _GB - (j + 1) * _L, _L)]
        return j + 1, acc + jnp.sum(h), h

    jc_end, acc_end, hc = lax.while_loop(
        ccond, cbody, (jnp.int32(0), acc_g, jnp.zeros((_L,), jnp.int32)))
    jc = jc_end - 1
    hr = lax.rev(hc, (0,))
    cs = plsc.cumsum(hr) + (acc_end - jnp.sum(hr))
    crossed = cs >= target
    fpos = jnp.min(jnp.where(crossed, lanes, jnp.int32(_L)))
    above = jnp.sum(jnp.where(lanes == fpos, cs - hr, 0))
    bucket = (gbase - base) + _GB - 1 - (jc * _L + fpos)
    return bucket, above


def _do_row(row_v, pend_v, hist_v, hb):
    lanes = lax.iota(jnp.int32, _L)
    kk = jnp.int32(_K)
    ones = jnp.ones((_L,), jnp.int32)

    @plsc.parallel_loop(0, _N, _L, unroll=8)
    def _hb1(i):
        k = _f2key(row_v[pl.ds(i, _L)])
        plsc.addupdate_scatter(hist_v, [(k >> 20) + (_B1 // 2 + hb)], ones)

    b1, gab1 = _scan_top(hist_v, hb, _B1, kk, lanes)
    pfx1 = b1 - _B1 // 2

    @plsc.parallel_loop(0, _N, _L, unroll=8)
    def _hb2(i):
        k = _f2key(row_v[pl.ds(i, _L)])
        m = (k >> 20) == pfx1
        plsc.addupdate_scatter(
            hist_v, [((k >> 10) & (_B2 - 1)) + (hb + _B1)], ones, mask=m)

    r2 = kk - gab1
    b2, gab2 = _scan_top(hist_v, hb + _B1, _B2, r2, lanes)
    pfx2 = (pfx1 << 10) | b2

    @plsc.parallel_loop(0, _N, _L, unroll=8,
                        carry=jnp.zeros((_L,), jnp.int32))
    def off_v(i, off):
        v = row_v[pl.ds(i, _L)]
        k = _f2key(v)
        hi = k >> 10
        m = hi == pfx2
        plsc.addupdate_scatter(
            hist_v, [(k & (_B3 - 1)) + (hb + _B1 + _B2)], ones, mask=m)
        pc = plsc.cumsum(m.astype(jnp.int32))
        plsc.store_scatter(pend_v, [off + pc - 1], i + lanes, mask=m)
        row_v[pl.ds(i, _L)] = jnp.where(hi >= pfx2, v, jnp.float32(0))
        return off + plsc.all_reduce_population_count(m)

    npend = jnp.max(off_v)
    r3 = r2 - gab2
    b3, gab3 = _scan_top(hist_v, hb + _B1 + _B2, _B3, r3, lanes)
    tfull = (pfx2 << 10) | b3
    need = r3 - gab3

    fzeros = jnp.zeros((_L,), jnp.float32)

    def pf(j, eoff_v):
        idxs = pend_v[pl.ds(j * _L, _L)]
        valid = (j * _L + lanes) < npend
        vals = plsc.load_gather(row_v, [idxs], mask=valid)
        k = _f2key(vals)
        eq = valid & (k == tfull)
        pc = plsc.cumsum(eq.astype(jnp.int32))
        keepeq = eq & ((eoff_v + pc) <= need)
        drop = valid & jnp.logical_not((k > tfull) | keepeq)
        plsc.store_scatter(row_v, [idxs], fzeros, mask=drop)
        return eoff_v + plsc.all_reduce_population_count(eq)

    lax.fori_loop(0, (npend + _L - 1) // _L, pf, jnp.zeros((_L,), jnp.int32))


@functools.lru_cache(maxsize=1)
def _build():
    @functools.partial(
        pl.kernel,
        out_type=jax.ShapeDtypeStruct((_ROWS, _N), jnp.float32),
        mesh=plsc.VectorSubcoreMesh(
            core_axis_name="c", subcore_axis_name="s",
            num_cores=_NC, num_subcores=_NS),
        scratch_types=[
            pltpu.VMEM((_N,), jnp.float32),
            pltpu.VMEM((_N,), jnp.float32),
            pltpu.VMEM((_N,), jnp.int32),
            pltpu.VMEM((_HTOT,), jnp.int32),
            pltpu.SemaphoreType.DMA,
            pltpu.SemaphoreType.DMA,
        ],
        compiler_params=pltpu.CompilerParams(needs_layout_passes=False),
    )
    def _sc_topk(x_hbm, o_hbm, row_a, row_b, pend_v, hist_v,
                 sem_in, sem_out):
        wid = lax.axis_index("s") * _NC + lax.axis_index("c")
        r0 = wid * _RPW
        cp_in0 = pltpu.async_copy(x_hbm.at[r0], row_a, sem_in)
        zeros = jnp.zeros((_L,), jnp.int32)

        @plsc.parallel_loop(0, _HTOT, _L, unroll=8)
        def _z(i):
            hist_v[pl.ds(i, _L)] = zeros

        cp_in0.wait()
        cp_in1 = pltpu.async_copy(x_hbm.at[r0 + 1], row_b, sem_in)
        _do_row(row_a, pend_v, hist_v, 0)
        cp_out0 = pltpu.async_copy(row_a, o_hbm.at[r0], sem_out)
        cp_in1.wait()
        _do_row(row_b, pend_v, hist_v, _HROW)
        cp_out0.wait()
        pltpu.sync_copy(row_b, o_hbm.at[r0 + 1])

    return _sc_topk


def kernel(x):
    return _build()(x)

# --- scband reference (transcript-rebuilt; emitter-appended) ---
"""Pipeline reference for scband-top-k-63127429317014 (READ-ONLY COPY).

The authoritative reference and input builder live on the scoring server;
editing this copy changes nothing except your own understanding.
"""

import jax, jax.numpy as jnp
import numpy as np

K = 256

def setup_inputs(seed: int = 0) -> dict:
    key = jax.random.key(seed)
    x = jax.random.normal(key, (64, 32768), dtype=jnp.float32)
    return {"x": x}

def reference(x):
    # topk along dim=1
    _, indices = jax.lax.top_k(x, K)
    # scatter ones into a zero mask at topk indices (per row)
    row_idx = jnp.arange(x.shape[0])[:, None]
    top_k_mask = jnp.zeros_like(x).at[row_idx, indices].set(1.0)
    return x * top_k_mask

if __name__ == "__main__":
    import jax
    _d = setup_inputs()
    print(jax.jit(kernel)(*tuple(_d.values())))

</pallas_src>

<mosaic_0001>
#map = affine_map<(d0, d1) -> (0, 0)>
module attributes {stable_mosaic.version = 14 : i64} {
  func.func @_sc_topk(%arg0: i32, %arg1: i32, %arg2: memref<64x32768xf32, #tpu.memory_space<hbm>>, %arg3: memref<64x32768xf32, #tpu.memory_space<hbm>>, %arg4: memref<32768xf32, #tpu.memory_space<vmem>>, %arg5: memref<32768xf32, #tpu.memory_space<vmem>>, %arg6: memref<32768xi32, #tpu.memory_space<vmem>>, %arg7: memref<12288xi32, #tpu.memory_space<vmem>>, %arg8: memref<!tpu.dma_semaphore, #tpu.memory_space<semaphore_mem>>, %arg9: memref<!tpu.dma_semaphore, #tpu.memory_space<semaphore_mem>>) attributes {dimension_semantics = [#tpu.dimension_semantics<core_parallel>, #tpu.dimension_semantics<subcore_parallel>], iteration_bounds = array<i64: 2, 16>, scalar_prefetch = 0 : i64, scratch_operands = 6 : i64, tpu.core_type = #tpu.core_type<sc_vector_subcore>, window_params = [{transform_indices = #map}, {transform_indices = #map}]} {
    %mul3A = arith.constant 2 : i32
    %mul3A_0 = arith.muli %arg1, %mul3A : i32
    %add3A = arith.addi %mul3A_0, %arg0 : i32
    %mul3A_1 = arith.constant 2 : i32
    %mul3A_2 = arith.muli %add3A, %mul3A_1 : i32
    %dma_start3A = arith.constant 0 : i32
    %dma_start3A_3 = tpu.memref_slice %arg2[%mul3A_2, %dma_start3A] : memref<64x32768xf32, #tpu.memory_space<hbm>> -> memref<1x32768xf32, #tpu.memory_space<hbm>>
    %dma_start3A_4 = tpu.memref_squeeze %dma_start3A_3 : memref<1x32768xf32, #tpu.memory_space<hbm>> -> memref<32768xf32, #tpu.memory_space<hbm>>
    %dma_start3A_5 = arith.constant 0 : i32
    %dma_start3A_6 = tpu.memref_slice %arg2[%mul3A_2, %dma_start3A_5] : memref<64x32768xf32, #tpu.memory_space<hbm>> -> memref<1x32768xf32, #tpu.memory_space<hbm>>
    %dma_start3A_7 = tpu.memref_squeeze %dma_start3A_6 : memref<1x32768xf32, #tpu.memory_space<hbm>> -> memref<32768xf32, #tpu.memory_space<hbm>>
    tpu.enqueue_dma source(%dma_start3A_7 : memref<32768xf32, #tpu.memory_space<hbm>>) target(%arg4 : memref<32768xf32, #tpu.memory_space<vmem>>) target_semaphore(%arg8 : memref<!tpu.dma_semaphore, #tpu.memory_space<semaphore_mem>>)
    %broadcast_in_dim3A = arith.constant 0 : i32
    %broadcast_in_dim3A_8 = vector.broadcast %broadcast_in_dim3A : i32 to vector<16xi32>
    %parallel_loop3A = arith.constant 0 : i32
    %parallel_loop3A_9 = arith.constant 12288 : i32
    %parallel_loop3A_10 = arith.constant 16 : i32
    scf.for %parallel_loop3A_559 = %parallel_loop3A to %parallel_loop3A_9 step %parallel_loop3A_10  : i32 {
      %parallel_loop3A_560 = arith.index_cast %parallel_loop3A_559 : i32 to index
      %parallel_loop3A_561 = tpu.vector_load %arg7[%parallel_loop3A_560] {strides = array<i32>} : memref<12288xi32, #tpu.memory_space<vmem>>, vector<16xi32>,
      tpu.vector_store %arg7[%parallel_loop3A_560], %broadcast_in_dim3A_8 {strides = array<i32>} : memref<12288xi32, #tpu.memory_space<vmem>>, vector<16xi32>,
    } {sc.loop_unroll_factor = 8 : i64, sc.parallel_access}
    %dma_wait3A = arith.constant 0 : i32
    %dma_wait3A_11 = tpu.memref_slice %arg2[%mul3A_2, %dma_wait3A] : memref<64x32768xf32, #tpu.memory_space<hbm>> -> memref<1x32768xf32, #tpu.memory_space<hbm>>
    %dma_wait3A_12 = tpu.memref_squeeze %dma_wait3A_11 : memref<1x32768xf32, #tpu.memory_space<hbm>> -> memref<32768xf32, #tpu.memory_space<hbm>>
    %dma_wait3A_13 = arith.constant 0 : i32
    %dma_wait3A_14 = tpu.memref_slice %arg2[%mul3A_2, %dma_wait3A_13] : memref<64x32768xf32, #tpu.memory_space<hbm>> -> memref<1x32768xf32, #tpu.memory_space<hbm>>
    %dma_wait3A_15 = tpu.memref_squeeze %dma_wait3A_14 : memref<1x32768xf32, #tpu.memory_space<hbm>> -> memref<32768xf32, #tpu.memory_space<hbm>>
    tpu.wait_dma2 semaphore(%arg8 : memref<!tpu.dma_semaphore, #tpu.memory_space<semaphore_mem>>) src(%dma_wait3A_15 : memref<32768xf32, #tpu.memory_space<hbm>>) dst(%arg4 : memref<32768xf32, #tpu.memory_space<vmem>>)
    %add3A_16 = arith.constant 1 : i32
    %add3A_17 = arith.addi %mul3A_2, %add3A_16 : i32
    %dma_start3A_18 = arith.constant 0 : i32
    %dma_start3A_19 = tpu.memref_slice %arg2[%add3A_17, %dma_start3A_18] : memref<64x32768xf32, #tpu.memory_space<hbm>> -> memref<1x32768xf32, #tpu.memory_space<hbm>>
    %dma_start3A_20 = tpu.memref_squeeze %dma_start3A_19 : memref<1x32768xf32, #tpu.memory_space<hbm>> -> memref<32768xf32, #tpu.memory_space<hbm>>
    %dma_start3A_21 = arith.constant 0 : i32
    %dma_start3A_22 = tpu.memref_slice %arg2[%add3A_17, %dma_start3A_21] : memref<64x32768xf32, #tpu.memory_space<hbm>> -> memref<1x32768xf32, #tpu.memory_space<hbm>>
    %dma_start3A_23 = tpu.memref_squeeze %dma_start3A_22 : memref<1x32768xf32, #tpu.memory_space<hbm>> -> memref<32768xf32, #tpu.memory_space<hbm>>
    tpu.enqueue_dma source(%dma_start3A_23 : memref<32768xf32, #tpu.memory_space<hbm>>) target(%arg5 : memref<32768xf32, #tpu.memory_space<vmem>>) target_semaphore(%arg8 : memref<!tpu.dma_semaphore, #tpu.memory_space<semaphore_mem>>)
    %iota3A = tpu.iota {dimensions = array<i32: 0>} : vector<16xi32>
    %broadcast_in_dim3A_24 = arith.constant 1 : i32
    %broadcast_in_dim3A_25 = vector.broadcast %broadcast_in_dim3A_24 : i32 to vector<16xi32>
    %parallel_loop3A_26 = arith.constant 0 : i32
    %parallel_loop3A_27 = arith.constant 32768 : i32
    %parallel_loop3A_28 = arith.constant 16 : i32
    scf.for %parallel_loop3A_559 = %parallel_loop3A_26 to %parallel_loop3A_27 step %parallel_loop3A_28  : i32 {
      %parallel_loop3A_560 = arith.index_cast %parallel_loop3A_559 : i32 to index
      %parallel_loop3A_561 = tpu.vector_load %arg4[%parallel_loop3A_560] {strides = array<i32>} : memref<32768xf32, #tpu.memory_space<vmem>>, vector<16xf32>,
      %parallel_loop3A_562 = tpu.bitcast %parallel_loop3A_561 : vector<16xf32> -> vector<16xi32>
      %parallel_loop3A_563 = arith.constant 31 : i32
      %parallel_loop3A_564 = vector.broadcast %parallel_loop3A_563 : i32 to vector<16xi32>
      %parallel_loop3A_565 = arith.shrsi %parallel_loop3A_562, %parallel_loop3A_564 : vector<16xi32>
      %parallel_loop3A_566 = arith.constant 2147483647 : i32
      %parallel_loop3A_567 = vector.broadcast %parallel_loop3A_566 : i32 to vector<16xi32>
      %parallel_loop3A_568 = arith.andi %parallel_loop3A_565, %parallel_loop3A_567 : vector<16xi32>
      %parallel_loop3A_569 = arith.xori %parallel_loop3A_562, %parallel_loop3A_568 : vector<16xi32>
      %parallel_loop3A_570 = arith.constant 20 : i32
      %parallel_loop3A_571 = vector.broadcast %parallel_loop3A_570 : i32 to vector<16xi32>
      %parallel_loop3A_572 = arith.shrsi %parallel_loop3A_569, %parallel_loop3A_571 : vector<16xi32>
      %parallel_loop3A_573 = arith.constant 2048 : i32
      %parallel_loop3A_574 = vector.broadcast %parallel_loop3A_573 : i32 to vector<16xi32>
      %parallel_loop3A_575 = arith.addi %parallel_loop3A_572, %parallel_loop3A_574 : vector<16xi32>
      tpu.vector_store_idx %arg7[%parallel_loop3A_575], %broadcast_in_dim3A_25 {add = true} : memref<12288xi32, #tpu.memory_space<vmem>>[vector<16xi32>], vector<16xi32>,
    } {sc.loop_unroll_factor = 8 : i64, sc.parallel_access}
    %while3A = arith.constant 256 : i32
    %while3A_29 = arith.constant 0 : i32
    %while3A_30 = arith.constant 0 : i32
    %while3A_31 = arith.constant 0 : i32
    %while3A_32:3 = scf.while (%while3A_559 = %while3A_29, %while3A_560 = %while3A_30, %while3A_561 = %while3A_31) : (i32, i32, i32) -> (i32, i32, i32) {
      %lt3A = arith.constant 16 : i32
      %lt3A_562 = arith.cmpi slt, %while3A_559, %lt3A : i32
      %lt3A_563 = arith.cmpi slt, %while3A_560, %while3A : i32
      %and3A_564 = arith.andi %lt3A_562, %lt3A_563 : i1
      scf.condition(%and3A_564) %while3A_559, %while3A_560, %while3A_561 : i32, i32, i32
    } do {
    ^bb0(%while3A_559: i32, %while3A_560: i32, %while3A_561: i32):
      %add3A_562 = arith.constant 1 : i32
      %add3A_563 = arith.addi %while3A_559, %add3A_562 : i32
      %mul3A_564 = arith.constant 256 : i32
      %mul3A_565 = arith.muli %add3A_563, %mul3A_564 : i32
      %sub3A_566 = arith.constant 4096 : i32
      %sub3A_567 = arith.subi %sub3A_566, %mul3A_565 : i32
      %get3A = arith.index_cast %sub3A_567 : i32 to index
      %get3A_568 = tpu.vector_load %arg7[%get3A] {strides = array<i32>} : memref<12288xi32, #tpu.memory_space<vmem>>, vector<16xi32>,
      %add3A_569 = arith.constant 16 : i32
      %add3A_570 = arith.addi %sub3A_567, %add3A_569 : i32
      %get3A_571 = arith.index_cast %add3A_570 : i32 to index
      %get3A_572 = tpu.vector_load %arg7[%get3A_571] {strides = array<i32>} : memref<12288xi32, #tpu.memory_space<vmem>>, vector<16xi32>,
      %add3A_573 = arith.addi %get3A_568, %get3A_572 : vector<16xi32>
      %add3A_574 = arith.constant 32 : i32
      %add3A_575 = arith.addi %sub3A_567, %add3A_574 : i32
      %get3A_576 = arith.index_cast %add3A_575 : i32 to index
      %get3A_577 = tpu.vector_load %arg7[%get3A_576] {strides = array<i32>} : memref<12288xi32, #tpu.memory_space<vmem>>, vector<16xi32>,
      %add3A_578 = arith.addi %add3A_573, %get3A_577 : vector<16xi32>
      %add3A_579 = arith.constant 48 : i32
      %add3A_580 = arith.addi %sub3A_567, %add3A_579 : i32
      %get3A_581 = arith.index_cast %add3A_580 : i32 to index
      %get3A_582 = tpu.vector_load %arg7[%get3A_581] {strides = array<i32>} : memref<12288xi32, #tpu.memory_space<vmem>>, vector<16xi32>,
      %add3A_583 = arith.addi %add3A_578, %get3A_582 : vector<16xi32>
      %add3A_584 = arith.constant 64 : i32
      %add3A_585 = arith.addi %sub3A_567, %add3A_584 : i32
      %get3A_586 = arith.index_cast %add3A_585 : i32 to index
      %get3A_587 = tpu.vector_load %arg7[%get3A_586] {strides = array<i32>} : memref<12288xi32, #tpu.memory_space<vmem>>, vector<16xi32>,
      %add3A_588 = arith.addi %add3A_583, %get3A_587 : vector<16xi32>
      %add3A_589 = arith.constant 80 : i32
      %add3A_590 = arith.addi %sub3A_567, %add3A_589 : i32
      %get3A_591 = arith.index_cast %add3A_590 : i32 to index
      %get3A_592 = tpu.vector_load %arg7[%get3A_591] {strides = array<i32>} : memref<12288xi32, #tpu.memory_space<vmem>>, vector<16xi32>,
      %add3A_593 = arith.addi %add3A_588, %get3A_592 : vector<16xi32>
      %add3A_594 = arith.constant 96 : i32
      %add3A_595 = arith.addi %sub3A_567, %add3A_594 : i32
      %get3A_596 = arith.index_cast %add3A_595 : i32 to index
      %get3A_597 = tpu.vector_load %arg7[%get3A_596] {strides = array<i32>} : memref<12288xi32, #tpu.memory_space<vmem>>, vector<16xi32>,
      %add3A_598 = arith.addi %add3A_593, %get3A_597 : vector<16xi32>
      %add3A_599 = arith.constant 112 : i32
      %add3A_600 = arith.addi %sub3A_567, %add3A_599 : i32
      %get3A_601 = arith.index_cast %add3A_600 : i32 to index
      %get3A_602 = tpu.vector_load %arg7[%get3A_601] {strides = array<i32>} : memref<12288xi32, #tpu.memory_space<vmem>>, vector<16xi32>,
      %add3A_603 = arith.addi %add3A_598, %get3A_602 : vector<16xi32>
      %add3A_604 = arith.constant 128 : i32
      %add3A_605 = arith.addi %sub3A_567, %add3A_604 : i32
      %get3A_606 = arith.index_cast %add3A_605 : i32 to index
      %get3A_607 = tpu.vector_load %arg7[%get3A_606] {strides = array<i32>} : memref<12288xi32, #tpu.memory_space<vmem>>, vector<16xi32>,
      %add3A_608 = arith.addi %add3A_603, %get3A_607 : vector<16xi32>
      %add3A_609 = arith.constant 144 : i32
      %add3A_610 = arith.addi %sub3A_567, %add3A_609 : i32
      %get3A_611 = arith.index_cast %add3A_610 : i32 to index
      %get3A_612 = tpu.vector_load %arg7[%get3A_611] {strides = array<i32>} : memref<12288xi32, #tpu.memory_space<vmem>>, vector<16xi32>,
      %add3A_613 = arith.addi %add3A_608, %get3A_612 : vector<16xi32>
      %add3A_614 = arith.constant 160 : i32
      %add3A_615 = arith.addi %sub3A_567, %add3A_614 : i32
      %get3A_616 = arith.index_cast %add3A_615 : i32 to index
      %get3A_617 = tpu.vector_load %arg7[%get3A_616] {strides = array<i32>} : memref<12288xi32, #tpu.memory_space<vmem>>, vector<16xi32>,
      %add3A_618 = arith.addi %add3A_613, %get3A_617 : vector<16xi32>
      %add3A_619 = arith.constant 176 : i32
      %add3A_620 = arith.addi %sub3A_567, %add3A_619 : i32
      %get3A_621 = arith.index_cast %add3A_620 : i32 to index
      %get3A_622 = tpu.vector_load %arg7[%get3A_621] {strides = array<i32>} : memref<12288xi32, #tpu.memory_space<vmem>>, vector<16xi32>,
      %add3A_623 = arith.addi %add3A_618, %get3A_622 : vector<16xi32>
      %add3A_624 = arith.constant 192 : i32
      %add3A_625 = arith.addi %sub3A_567, %add3A_624 : i32
      %get3A_626 = arith.index_cast %add3A_625 : i32 to index
      %get3A_627 = tpu.vector_load %arg7[%get3A_626] {strides = array<i32>} : memref<12288xi32, #tpu.memory_space<vmem>>, vector<16xi32>,
      %add3A_628 = arith.addi %add3A_623, %get3A_627 : vector<16xi32>
      %add3A_629 = arith.constant 208 : i32
      %add3A_630 = arith.addi %sub3A_567, %add3A_629 : i32
      %get3A_631 = arith.index_cast %add3A_630 : i32 to index
      %get3A_632 = tpu.vector_load %arg7[%get3A_631] {strides = array<i32>} : memref<12288xi32, #tpu.memory_space<vmem>>, vector<16xi32>,
      %add3A_633 = arith.addi %add3A_628, %get3A_632 : vector<16xi32>
      %add3A_634 = arith.constant 224 : i32
      %add3A_635 = arith.addi %sub3A_567, %add3A_634 : i32
      %get3A_636 = arith.index_cast %add3A_635 : i32 to index
      %get3A_637 = tpu.vector_load %arg7[%get3A_636] {strides = array<i32>} : memref<12288xi32, #tpu.memory_space<vmem>>, vector<16xi32>,
      %add3A_638 = arith.addi %add3A_633, %get3A_637 : vector<16xi32>
      %add3A_639 = arith.constant 240 : i32
      %add3A_640 = arith.addi %sub3A_567, %add3A_639 : i32
      %get3A_641 = arith.index_cast %add3A_640 : i32 to index
      %get3A_642 = tpu.vector_load %arg7[%get3A_641] {strides = array<i32>} : memref<12288xi32, #tpu.memory_space<vmem>>, vector<16xi32>,
      %add3A_643 = arith.addi %add3A_638, %get3A_642 : vector<16xi32>
      %add3A_644 = arith.constant 1 : i32
      %add3A_645 = arith.addi %while3A_559, %add3A_644 : i32
      %reduce_sum3A_646 = arith.constant true
      %reduce_sum3A_647 = vector.broadcast %reduce_sum3A_646 : i1 to vector<16xi1>
      %reduce_sum3A_648 = tpu.scan <sum>, %add3A_643 masked %reduce_sum3A_647 : vector<16xi32>, vector<16xi1> -> vector<16xi32>
      %reduce_sum3A_649 = vector.extract %reduce_sum3A_648[15] : i32 from vector<16xi32>
      %add3A_650 = arith.addi %while3A_560, %reduce_sum3A_649 : i32
      scf.yield %add3A_645, %add3A_650, %while3A_560 : i32, i32, i32
    }
    %mul3A_33 = arith.constant 256 : i32
    %mul3A_34 = arith.muli %while3A_32#0, %mul3A_33 : i32
    %sub3A = arith.constant 4096 : i32
    %sub3A_35 = arith.subi %sub3A, %mul3A_34 : i32
    %broadcast_in_dim3A_36 = arith.constant 0 : i32
    %broadcast_in_dim3A_37 = vector.broadcast %broadcast_in_dim3A_36 : i32 to vector<16xi32>
    %while3A_38 = arith.constant 256 : i32
    %while3A_39 = arith.constant 0 : i32
    %while3A_40:3 = scf.while (%while3A_559 = %while3A_39, %while3A_560 = %while3A_32#2, %while3A_561 = %broadcast_in_dim3A_37) : (i32, i32, vector<16xi32>) -> (i32, i32, vector<16xi32>) {
      %lt3A = arith.constant 16 : i32
      %lt3A_562 = arith.cmpi slt, %while3A_559, %lt3A : i32
      %lt3A_563 = arith.cmpi slt, %while3A_560, %while3A_38 : i32
      %and3A_564 = arith.andi %lt3A_562, %lt3A_563 : i1
      scf.condition(%and3A_564) %while3A_559, %while3A_560, %while3A_561 : i32, i32, vector<16xi32>
    } do {
    ^bb0(%while3A_559: i32, %while3A_560: i32, %while3A_561: vector<16xi32>):
      %add3A_562 = arith.constant 256 : i32
      %add3A_563 = arith.addi %sub3A_35, %add3A_562 : i32
      %add3A_564 = arith.constant 1 : i32
      %add3A_565 = arith.addi %while3A_559, %add3A_564 : i32
      %mul3A_566 = arith.constant 16 : i32
      %mul3A_567 = arith.muli %add3A_565, %mul3A_566 : i32
      %sub3A_568 = arith.subi %add3A_563, %mul3A_567 : i32
      %get3A = arith.index_cast %sub3A_568 : i32 to index
      %get3A_569 = tpu.vector_load %arg7[%get3A] {strides = array<i32>} : memref<12288xi32, #tpu.memory_space<vmem>>, vector<16xi32>,
      %add3A_570 = arith.constant 1 : i32
      %add3A_571 = arith.addi %while3A_559, %add3A_570 : i32
      %reduce_sum3A_572 = arith.constant true
      %reduce_sum3A_573 = vector.broadcast %reduce_sum3A_572 : i1 to vector<16xi1>
      %reduce_sum3A_574 = tpu.scan <sum>, %get3A_569 masked %reduce_sum3A_573 : vector<16xi32>, vector<16xi1> -> vector<16xi32>
      %reduce_sum3A_575 = vector.extract %reduce_sum3A_574[15] : i32 from vector<16xi32>
      %add3A_576 = arith.addi %while3A_560, %reduce_sum3A_575 : i32
      scf.yield %add3A_571, %add3A_576, %get3A_569 : i32, i32, vector<16xi32>
    }
    %sub3A_41 = arith.constant 1 : i32
    %sub3A_42 = arith.subi %while3A_40#0, %sub3A_41 : i32
    %rev3A = arith.constant 15 : i32
    %rev3A_43 = vector.broadcast %rev3A : i32 to vector<16xi32>
    %rev3A_44 = tpu.iota {dimensions = array<i32: 0>} : vector<16xi32>
    %rev3A_45 = arith.subi %rev3A_43, %rev3A_44 : vector<16xi32>
    %rev3A_46 = tpu.dynamic_gather %while3A_40#2[%rev3A_45] in [0] : vector<16xi32>, vector<16xi32> -> vector<16xi32>
    %broadcast_in_dim3A_47 = arith.constant true
    %broadcast_in_dim3A_48 = vector.broadcast %broadcast_in_dim3A_47 : i1 to vector<16xi1>
    %masked_cumsum3A = tpu.scan <sum>, %rev3A_46 masked %broadcast_in_dim3A_48 : vector<16xi32>, vector<16xi1> -> vector<16xi32>
    %reduce_sum3A = arith.constant true
    %reduce_sum3A_49 = vector.broadcast %reduce_sum3A : i1 to vector<16xi1>
    %reduce_sum3A_50 = tpu.scan <sum>, %rev3A_46 masked %reduce_sum3A_49 : vector<16xi32>, vector<16xi1> -> vector<16xi32>
    %reduce_sum3A_51 = vector.extract %reduce_sum3A_50[15] : i32 from vector<16xi32>
    %sub3A_52 = arith.subi %while3A_40#1, %reduce_sum3A_51 : i32
    %add3A_53 = vector.broadcast %sub3A_52 : i32 to vector<16xi32>
    %add3A_54 = arith.addi %masked_cumsum3A, %add3A_53 : vector<16xi32>
    %ge3A = arith.constant 256 : i32
    %ge3A_55 = vector.broadcast %ge3A : i32 to vector<16xi32>
    %ge3A_56 = arith.cmpi sge, %add3A_54, %ge3A_55 : vector<16xi32>
    %jit3A = arith.constant 16 : i32
    %broadcast_in_dim3A_57 = vector.broadcast %jit3A : i32 to vector<16xi32>
    %select_n3A = arith.select %ge3A_56, %iota3A, %broadcast_in_dim3A_57 : vector<16xi1>, vector<16xi32>
    %reduce_min3A = arith.constant true
    %reduce_min3A_58 = vector.broadcast %reduce_min3A : i1 to vector<16xi1>
    %reduce_min3A_59 = arith.constant -2147483648 : i32
    %reduce_min3A_60 = vector.broadcast %reduce_min3A_59 : i32 to vector<16xi32>
    %reduce_min3A_61 = arith.xori %select_n3A, %reduce_min3A_60 : vector<16xi32>
    %reduce_min3A_62 = tpu.scan <min>, %reduce_min3A_61 masked %reduce_min3A_58 : vector<16xi32>, vector<16xi1> -> vector<16xi32>
    %reduce_min3A_63 = arith.xori %reduce_min3A_62, %reduce_min3A_60 : vector<16xi32>
    %reduce_min3A_64 = vector.extract %reduce_min3A_63[15] : i32 from vector<16xi32>
    %eq3A = vector.broadcast %reduce_min3A_64 : i32 to vector<16xi32>
    %eq3A_65 = arith.cmpi eq, %iota3A, %eq3A : vector<16xi32>
    %sub3A_66 = arith.subi %add3A_54, %rev3A_46 : vector<16xi32>
    %jit3A_67 = arith.constant 0 : i32
    %broadcast_in_dim3A_68 = vector.broadcast %jit3A_67 : i32 to vector<16xi32>
    %select_n3A_69 = arith.select %eq3A_65, %sub3A_66, %broadcast_in_dim3A_68 : vector<16xi1>, vector<16xi32>
    %reduce_sum3A_70 = arith.constant true
    %reduce_sum3A_71 = vector.broadcast %reduce_sum3A_70 : i1 to vector<16xi1>
    %reduce_sum3A_72 = tpu.scan <sum>, %select_n3A_69 masked %reduce_sum3A_71 : vector<16xi32>, vector<16xi1> -> vector<16xi32>
    %reduce_sum3A_73 = vector.extract %reduce_sum3A_72[15] : i32 from vector<16xi32>
    %sub3A_74 = arith.constant 0 : i32
    %sub3A_75 = arith.subi %sub3A_35, %sub3A_74 : i32
    %add3A_76 = arith.constant 256 : i32
    %add3A_77 = arith.addi %sub3A_75, %add3A_76 : i32
    %sub3A_78 = arith.constant 1 : i32
    %sub3A_79 = arith.subi %add3A_77, %sub3A_78 : i32
    %mul3A_80 = arith.constant 16 : i32
    %mul3A_81 = arith.muli %sub3A_42, %mul3A_80 : i32
    %add3A_82 = arith.addi %mul3A_81, %reduce_min3A_64 : i32
    %sub3A_83 = arith.subi %sub3A_79, %add3A_82 : i32
    %sub3A_84 = arith.constant 2048 : i32
    %sub3A_85 = arith.subi %sub3A_83, %sub3A_84 : i32
    %parallel_loop3A_86 = arith.constant 0 : i32
    %parallel_loop3A_87 = arith.constant 32768 : i32
    %parallel_loop3A_88 = arith.constant 16 : i32
    scf.for %parallel_loop3A_559 = %parallel_loop3A_86 to %parallel_loop3A_87 step %parallel_loop3A_88  : i32 {
      %parallel_loop3A_560 = arith.index_cast %parallel_loop3A_559 : i32 to index
      %parallel_loop3A_561 = tpu.vector_load %arg4[%parallel_loop3A_560] {strides = array<i32>} : memref<32768xf32, #tpu.memory_space<vmem>>, vector<16xf32>,
      %parallel_loop3A_562 = tpu.bitcast %parallel_loop3A_561 : vector<16xf32> -> vector<16xi32>
      %parallel_loop3A_563 = arith.constant 31 : i32
      %parallel_loop3A_564 = vector.broadcast %parallel_loop3A_563 : i32 to vector<16xi32>
      %parallel_loop3A_565 = arith.shrsi %parallel_loop3A_562, %parallel_loop3A_564 : vector<16xi32>
      %parallel_loop3A_566 = arith.constant 2147483647 : i32
      %parallel_loop3A_567 = vector.broadcast %parallel_loop3A_566 : i32 to vector<16xi32>
      %parallel_loop3A_568 = arith.andi %parallel_loop3A_565, %parallel_loop3A_567 : vector<16xi32>
      %parallel_loop3A_569 = arith.xori %parallel_loop3A_562, %parallel_loop3A_568 : vector<16xi32>
      %parallel_loop3A_570 = arith.constant 20 : i32
      %parallel_loop3A_571 = vector.broadcast %parallel_loop3A_570 : i32 to vector<16xi32>
      %parallel_loop3A_572 = arith.shrsi %parallel_loop3A_569, %parallel_loop3A_571 : vector<16xi32>
      %parallel_loop3A_573 = vector.broadcast %sub3A_85 : i32 to vector<16xi32>
      %parallel_loop3A_574 = arith.cmpi eq, %parallel_loop3A_572, %parallel_loop3A_573 : vector<16xi32>
      %parallel_loop3A_575 = arith.constant 10 : i32
      %parallel_loop3A_576 = vector.broadcast %parallel_loop3A_575 : i32 to vector<16xi32>
      %parallel_loop3A_577 = arith.shrsi %parallel_loop3A_569, %parallel_loop3A_576 : vector<16xi32>
      %parallel_loop3A_578 = arith.constant 1023 : i32
      %parallel_loop3A_579 = vector.broadcast %parallel_loop3A_578 : i32 to vector<16xi32>
      %parallel_loop3A_580 = arith.andi %parallel_loop3A_577, %parallel_loop3A_579 : vector<16xi32>
      %parallel_loop3A_581 = arith.constant 4096 : i32
      %parallel_loop3A_582 = vector.broadcast %parallel_loop3A_581 : i32 to vector<16xi32>
      %parallel_loop3A_583 = arith.addi %parallel_loop3A_580, %parallel_loop3A_582 : vector<16xi32>
      tpu.vector_store_idx %arg7[%parallel_loop3A_583], %broadcast_in_dim3A_25 masked %parallel_loop3A_574 {add = true} : memref<12288xi32, #tpu.memory_space<vmem>>[vector<16xi32>], vector<16xi32>, vector<16xi1>
    } {sc.loop_unroll_factor = 8 : i64, sc.parallel_access}
    %sub3A_89 = arith.constant 256 : i32
    %sub3A_90 = arith.subi %sub3A_89, %reduce_sum3A_73 : i32
    %while3A_91 = arith.constant 0 : i32
    %while3A_92 = arith.constant 0 : i32
    %while3A_93 = arith.constant 0 : i32
    %while3A_94:3 = scf.while (%while3A_559 = %while3A_91, %while3A_560 = %while3A_92, %while3A_561 = %while3A_93) : (i32, i32, i32) -> (i32, i32, i32) {
      %lt3A = arith.constant 4 : i32
      %lt3A_562 = arith.cmpi slt, %while3A_559, %lt3A : i32
      %lt3A_563 = arith.cmpi slt, %while3A_560, %sub3A_90 : i32
      %and3A_564 = arith.andi %lt3A_562, %lt3A_563 : i1
      scf.condition(%and3A_564) %while3A_559, %while3A_560, %while3A_561 : i32, i32, i32
    } do {
    ^bb0(%while3A_559: i32, %while3A_560: i32, %while3A_561: i32):
      %add3A_562 = arith.constant 1 : i32
      %add3A_563 = arith.addi %while3A_559, %add3A_562 : i32
      %mul3A_564 = arith.constant 256 : i32
      %mul3A_565 = arith.muli %add3A_563, %mul3A_564 : i32
      %sub3A_566 = arith.constant 5120 : i32
      %sub3A_567 = arith.subi %sub3A_566, %mul3A_565 : i32
      %get3A = arith.index_cast %sub3A_567 : i32 to index
      %get3A_568 = tpu.vector_load %arg7[%get3A] {strides = array<i32>} : memref<12288xi32, #tpu.memory_space<vmem>>, vector<16xi32>,
      %add3A_569 = arith.constant 16 : i32
      %add3A_570 = arith.addi %sub3A_567, %add3A_569 : i32
      %get3A_571 = arith.index_cast %add3A_570 : i32 to index
      %get3A_572 = tpu.vector_load %arg7[%get3A_571] {strides = array<i32>} : memref<12288xi32, #tpu.memory_space<vmem>>, vector<16xi32>,
      %add3A_573 = arith.addi %get3A_568, %get3A_572 : vector<16xi32>
      %add3A_574 = arith.constant 32 : i32
      %add3A_575 = arith.addi %sub3A_567, %add3A_574 : i32
      %get3A_576 = arith.index_cast %add3A_575 : i32 to index
      %get3A_577 = tpu.vector_load %arg7[%get3A_576] {strides = array<i32>} : memref<12288xi32, #tpu.memory_space<vmem>>, vector<16xi32>,
      %add3A_578 = arith.addi %add3A_573, %get3A_577 : vector<16xi32>
      %add3A_579 = arith.constant 48 : i32
      %add3A_580 = arith.addi %sub3A_567, %add3A_579 : i32
      %get3A_581 = arith.index_cast %add3A_580 : i32 to index
      %get3A_582 = tpu.vector_load %arg7[%get3A_581] {strides = array<i32>} : memref<12288xi32, #tpu.memory_space<vmem>>, vector<16xi32>,
      %add3A_583 = arith.addi %add3A_578, %get3A_582 : vector<16xi32>
      %add3A_584 = arith.constant 64 : i32
      %add3A_585 = arith.addi %sub3A_567, %add3A_584 : i32
      %get3A_586 = arith.index_cast %add3A_585 : i32 to index
      %get3A_587 = tpu.vector_load %arg7[%get3A_586] {strides = array<i32>} : memref<12288xi32, #tpu.memory_space<vmem>>, vector<16xi32>,
      %add3A_588 = arith.addi %add3A_583, %get3A_587 : vector<16xi32>
      %add3A_589 = arith.constant 80 : i32
      %add3A_590 = arith.addi %sub3A_567, %add3A_589 : i32
      %get3A_591 = arith.index_cast %add3A_590 : i32 to index
      %get3A_592 = tpu.vector_load %arg7[%get3A_591] {strides = array<i32>} : memref<12288xi32, #tpu.memory_space<vmem>>, vector<16xi32>,
      %add3A_593 = arith.addi %add3A_588, %get3A_592 : vector<16xi32>
      %add3A_594 = arith.constant 96 : i32
      %add3A_595 = arith.addi %sub3A_567, %add3A_594 : i32
      %get3A_596 = arith.index_cast %add3A_595 : i32 to index
      %get3A_597 = tpu.vector_load %arg7[%get3A_596] {strides = array<i32>} : memref<12288xi32, #tpu.memory_space<vmem>>, vector<16xi32>,
      %add3A_598 = arith.addi %add3A_593, %get3A_597 : vector<16xi32>
      %add3A_599 = arith.constant 112 : i32
      %add3A_600 = arith.addi %sub3A_567, %add3A_599 : i32
      %get3A_601 = arith.index_cast %add3A_600 : i32 to index
      %get3A_602 = tpu.vector_load %arg7[%get3A_601] {strides = array<i32>} : memref<12288xi32, #tpu.memory_space<vmem>>, vector<16xi32>,
      %add3A_603 = arith.addi %add3A_598, %get3A_602 : vector<16xi32>
      %add3A_604 = arith.constant 128 : i32
      %add3A_605 = arith.addi %sub3A_567, %add3A_604 : i32
      %get3A_606 = arith.index_cast %add3A_605 : i32 to index
      %get3A_607 = tpu.vector_load %arg7[%get3A_606] {strides = array<i32>} : memref<12288xi32, #tpu.memory_space<vmem>>, vector<16xi32>,
      %add3A_608 = arith.addi %add3A_603, %get3A_607 : vector<16xi32>
      %add3A_609 = arith.constant 144 : i32
      %add3A_610 = arith.addi %sub3A_567, %add3A_609 : i32
      %get3A_611 = arith.index_cast %add3A_610 : i32 to index
      %get3A_612 = tpu.vector_load %arg7[%get3A_611] {strides = array<i32>} : memref<12288xi32, #tpu.memory_space<vmem>>, vector<16xi32>,
      %add3A_613 = arith.addi %add3A_608, %get3A_612 : vector<16xi32>
      %add3A_614 = arith.constant 160 : i32
      %add3A_615 = arith.addi %sub3A_567, %add3A_614 : i32
      %get3A_616 = arith.index_cast %add3A_615 : i32 to index
      %get3A_617 = tpu.vector_load %arg7[%get3A_616] {strides = array<i32>} : memref<12288xi32, #tpu.memory_space<vmem>>, vector<16xi32>,
      %add3A_618 = arith.addi %add3A_613, %get3A_617 : vector<16xi32>
      %add3A_619 = arith.constant 176 : i32
      %add3A_620 = arith.addi %sub3A_567, %add3A_619 : i32
      %get3A_621 = arith.index_cast %add3A_620 : i32 to index
      %get3A_622 = tpu.vector_load %arg7[%get3A_621] {strides = array<i32>} : memref<12288xi32, #tpu.memory_space<vmem>>, vector<16xi32>,
      %add3A_623 = arith.addi %add3A_618, %get3A_622 : vector<16xi32>
      %add3A_624 = arith.constant 192 : i32
      %add3A_625 = arith.addi %sub3A_567, %add3A_624 : i32
      %get3A_626 = arith.index_cast %add3A_625 : i32 to index
      %get3A_627 = tpu.vector_load %arg7[%get3A_626] {strides = array<i32>} : memref<12288xi32, #tpu.memory_space<vmem>>, vector<16xi32>,
      %add3A_628 = arith.addi %add3A_623, %get3A_627 : vector<16xi32>
      %add3A_629 = arith.constant 208 : i32
      %add3A_630 = arith.addi %sub3A_567, %add3A_629 : i32
      %get3A_631 = arith.index_cast %add3A_630 : i32 to index
      %get3A_632 = tpu.vector_load %arg7[%get3A_631] {strides = array<i32>} : memref<12288xi32, #tpu.memory_space<vmem>>, vector<16xi32>,
      %add3A_633 = arith.addi %add3A_628, %get3A_632 : vector<16xi32>
      %add3A_634 = arith.constant 224 : i32
      %add3A_635 = arith.addi %sub3A_567, %add3A_634 : i32
      %get3A_636 = arith.index_cast %add3A_635 : i32 to index
      %get3A_637 = tpu.vector_load %arg7[%get3A_636] {strides = array<i32>} : memref<12288xi32, #tpu.memory_space<vmem>>, vector<16xi32>,
      %add3A_638 = arith.addi %add3A_633, %get3A_637 : vector<16xi32>
      %add3A_639 = arith.constant 240 : i32
      %add3A_640 = arith.addi %sub3A_567, %add3A_639 : i32
      %get3A_641 = arith.index_cast %add3A_640 : i32 to index
      %get3A_642 = tpu.vector_load %arg7[%get3A_641] {strides = array<i32>} : memref<12288xi32, #tpu.memory_space<vmem>>, vector<16xi32>,
      %add3A_643 = arith.addi %add3A_638, %get3A_642 : vector<16xi32>
      %add3A_644 = arith.constant 1 : i32
      %add3A_645 = arith.addi %while3A_559, %add3A_644 : i32
      %reduce_sum3A_646 = arith.constant true
      %reduce_sum3A_647 = vector.broadcast %reduce_sum3A_646 : i1 to vector<16xi1>
      %reduce_sum3A_648 = tpu.scan <sum>, %add3A_643 masked %reduce_sum3A_647 : vector<16xi32>, vector<16xi1> -> vector<16xi32>
      %reduce_sum3A_649 = vector.extract %reduce_sum3A_648[15] : i32 from vector<16xi32>
      %add3A_650 = arith.addi %while3A_560, %reduce_sum3A_649 : i32
      scf.yield %add3A_645, %add3A_650, %while3A_560 : i32, i32, i32
    }
    %mul3A_95 = arith.constant 256 : i32
    %mul3A_96 = arith.muli %while3A_94#0, %mul3A_95 : i32
    %sub3A_97 = arith.constant 5120 : i32
    %sub3A_98 = arith.subi %sub3A_97, %mul3A_96 : i32
    %broadcast_in_dim3A_99 = arith.constant 0 : i32
    %broadcast_in_dim3A_100 = vector.broadcast %broadcast_in_dim3A_99 : i32 to vector<16xi32>
    %while3A_101 = arith.constant 0 : i32
    %while3A_102:3 = scf.while (%while3A_559 = %while3A_101, %while3A_560 = %while3A_94#2, %while3A_561 = %broadcast_in_dim3A_100) : (i32, i32, vector<16xi32>) -> (i32, i32, vector<16xi32>) {
      %lt3A = arith.constant 16 : i32
      %lt3A_562 = arith.cmpi slt, %while3A_559, %lt3A : i32
      %lt3A_563 = arith.cmpi slt, %while3A_560, %sub3A_90 : i32
      %and3A_564 = arith.andi %lt3A_562, %lt3A_563 : i1
      scf.condition(%and3A_564) %while3A_559, %while3A_560, %while3A_561 : i32, i32, vector<16xi32>
    } do {
    ^bb0(%while3A_559: i32, %while3A_560: i32, %while3A_561: vector<16xi32>):
      %add3A_562 = arith.constant 256 : i32
      %add3A_563 = arith.addi %sub3A_98, %add3A_562 : i32
      %add3A_564 = arith.constant 1 : i32
      %add3A_565 = arith.addi %while3A_559, %add3A_564 : i32
      %mul3A_566 = arith.constant 16 : i32
      %mul3A_567 = arith.muli %add3A_565, %mul3A_566 : i32
      %sub3A_568 = arith.subi %add3A_563, %mul3A_567 : i32
      %get3A = arith.index_cast %sub3A_568 : i32 to index
      %get3A_569 = tpu.vector_load %arg7[%get3A] {strides = array<i32>} : memref<12288xi32, #tpu.memory_space<vmem>>, vector<16xi32>,
      %add3A_570 = arith.constant 1 : i32
      %add3A_571 = arith.addi %while3A_559, %add3A_570 : i32
      %reduce_sum3A_572 = arith.constant true
      %reduce_sum3A_573 = vector.broadcast %reduce_sum3A_572 : i1 to vector<16xi1>
      %reduce_sum3A_574 = tpu.scan <sum>, %get3A_569 masked %reduce_sum3A_573 : vector<16xi32>, vector<16xi1> -> vector<16xi32>
      %reduce_sum3A_575 = vector.extract %reduce_sum3A_574[15] : i32 from vector<16xi32>
      %add3A_576 = arith.addi %while3A_560, %reduce_sum3A_575 : i32
      scf.yield %add3A_571, %add3A_576, %get3A_569 : i32, i32, vector<16xi32>
    }
    %sub3A_103 = arith.constant 1 : i32
    %sub3A_104 = arith.subi %while3A_102#0, %sub3A_103 : i32
    %rev3A_105 = arith.constant 15 : i32
    %rev3A_106 = vector.broadcast %rev3A_105 : i32 to vector<16xi32>
    %rev3A_107 = tpu.iota {dimensions = array<i32: 0>} : vector<16xi32>
    %rev3A_108 = arith.subi %rev3A_106, %rev3A_107 : vector<16xi32>
    %rev3A_109 = tpu.dynamic_gather %while3A_102#2[%rev3A_108] in [0] : vector<16xi32>, vector<16xi32> -> vector<16xi32>
    %broadcast_in_dim3A_110 = arith.constant true
    %broadcast_in_dim3A_111 = vector.broadcast %broadcast_in_dim3A_110 : i1 to vector<16xi1>
    %masked_cumsum3A_112 = tpu.scan <sum>, %rev3A_109 masked %broadcast_in_dim3A_111 : vector<16xi32>, vector<16xi1> -> vector<16xi32>
    %reduce_sum3A_113 = arith.constant true
    %reduce_sum3A_114 = vector.broadcast %reduce_sum3A_113 : i1 to vector<16xi1>
    %reduce_sum3A_115 = tpu.scan <sum>, %rev3A_109 masked %reduce_sum3A_114 : vector<16xi32>, vector<16xi1> -> vector<16xi32>
    %reduce_sum3A_116 = vector.extract %reduce_sum3A_115[15] : i32 from vector<16xi32>
    %sub3A_117 = arith.subi %while3A_102#1, %reduce_sum3A_116 : i32
    %add3A_118 = vector.broadcast %sub3A_117 : i32 to vector<16xi32>
    %add3A_119 = arith.addi %masked_cumsum3A_112, %add3A_118 : vector<16xi32>
    %ge3A_120 = vector.broadcast %sub3A_90 : i32 to vector<16xi32>
    %ge3A_121 = arith.cmpi sge, %add3A_119, %ge3A_120 : vector<16xi32>
    %jit3A_122 = arith.constant 16 : i32
    %broadcast_in_dim3A_123 = vector.broadcast %jit3A_122 : i32 to vector<16xi32>
    %select_n3A_124 = arith.select %ge3A_121, %iota3A, %broadcast_in_dim3A_123 : vector<16xi1>, vector<16xi32>
    %reduce_min3A_125 = arith.constant true
    %reduce_min3A_126 = vector.broadcast %reduce_min3A_125 : i1 to vector<16xi1>
    %reduce_min3A_127 = arith.constant -2147483648 : i32
    %reduce_min3A_128 = vector.broadcast %reduce_min3A_127 : i32 to vector<16xi32>
    %reduce_min3A_129 = arith.xori %select_n3A_124, %reduce_min3A_128 : vector<16xi32>
    %reduce_min3A_130 = tpu.scan <min>, %reduce_min3A_129 masked %reduce_min3A_126 : vector<16xi32>, vector<16xi1> -> vector<16xi32>
    %reduce_min3A_131 = arith.xori %reduce_min3A_130, %reduce_min3A_128 : vector<16xi32>
    %reduce_min3A_132 = vector.extract %reduce_min3A_131[15] : i32 from vector<16xi32>
    %eq3A_133 = vector.broadcast %reduce_min3A_132 : i32 to vector<16xi32>
    %eq3A_134 = arith.cmpi eq, %iota3A, %eq3A_133 : vector<16xi32>
    %sub3A_135 = arith.subi %add3A_119, %rev3A_109 : vector<16xi32>
    %jit3A_136 = arith.constant 0 : i32
    %broadcast_in_dim3A_137 = vector.broadcast %jit3A_136 : i32 to vector<16xi32>
    %select_n3A_138 = arith.select %eq3A_134, %sub3A_135, %broadcast_in_dim3A_137 : vector<16xi1>, vector<16xi32>
    %reduce_sum3A_139 = arith.constant true
    %reduce_sum3A_140 = vector.broadcast %reduce_sum3A_139 : i1 to vector<16xi1>
    %reduce_sum3A_141 = tpu.scan <sum>, %select_n3A_138 masked %reduce_sum3A_140 : vector<16xi32>, vector<16xi1> -> vector<16xi32>
    %reduce_sum3A_142 = vector.extract %reduce_sum3A_141[15] : i32 from vector<16xi32>
    %sub3A_143 = arith.constant 4096 : i32
    %sub3A_144 = arith.subi %sub3A_98, %sub3A_143 : i32
    %add3A_145 = arith.constant 256 : i32
    %add3A_146 = arith.addi %sub3A_144, %add3A_145 : i32
    %sub3A_147 = arith.constant 1 : i32
    %sub3A_148 = arith.subi %add3A_146, %sub3A_147 : i32
    %mul3A_149 = arith.constant 16 : i32
    %mul3A_150 = arith.muli %sub3A_104, %mul3A_149 : i32
    %add3A_151 = arith.addi %mul3A_150, %reduce_min3A_132 : i32
    %sub3A_152 = arith.subi %sub3A_148, %add3A_151 : i32
    %shift_left3A = arith.constant 10 : i32
    %shift_left3A_153 = arith.shli %sub3A_85, %shift_left3A : i32
    %or3A = arith.ori %shift_left3A_153, %sub3A_152 : i32
    %broadcast_in_dim3A_154 = arith.constant 0 : i32
    %broadcast_in_dim3A_155 = vector.broadcast %broadcast_in_dim3A_154 : i32 to vector<16xi32>
    %parallel_loop3A_156 = arith.constant 0 : i32
    %parallel_loop3A_157 = arith.constant 32768 : i32
    %parallel_loop3A_158 = arith.constant 16 : i32
    %parallel_loop3A_159 = scf.for %parallel_loop3A_559 = %parallel_loop3A_156 to %parallel_loop3A_157 step %parallel_loop3A_158 iter_args(%parallel_loop3A_560 = %broadcast_in_dim3A_155) -> (vector<16xi32>)  : i32 {
      %parallel_loop3A_561 = arith.index_cast %parallel_loop3A_559 : i32 to index
      %parallel_loop3A_562 = tpu.vector_load %arg4[%parallel_loop3A_561] {strides = array<i32>} : memref<32768xf32, #tpu.memory_space<vmem>>, vector<16xf32>,
      %parallel_loop3A_563 = tpu.bitcast %parallel_loop3A_562 : vector<16xf32> -> vector<16xi32>
      %parallel_loop3A_564 = arith.constant 31 : i32
      %parallel_loop3A_565 = vector.broadcast %parallel_loop3A_564 : i32 to vector<16xi32>
      %parallel_loop3A_566 = arith.shrsi %parallel_loop3A_563, %parallel_loop3A_565 : vector<16xi32>
      %parallel_loop3A_567 = arith.constant 2147483647 : i32
      %parallel_loop3A_568 = vector.broadcast %parallel_loop3A_567 : i32 to vector<16xi32>
      %parallel_loop3A_569 = arith.andi %parallel_loop3A_566, %parallel_loop3A_568 : vector<16xi32>
      %parallel_loop3A_570 = arith.xori %parallel_loop3A_563, %parallel_loop3A_569 : vector<16xi32>
      %parallel_loop3A_571 = arith.constant 10 : i32
      %parallel_loop3A_572 = vector.broadcast %parallel_loop3A_571 : i32 to vector<16xi32>
      %parallel_loop3A_573 = arith.shrsi %parallel_loop3A_570, %parallel_loop3A_572 : vector<16xi32>
      %parallel_loop3A_574 = vector.broadcast %or3A : i32 to vector<16xi32>
      %parallel_loop3A_575 = arith.cmpi eq, %parallel_loop3A_573, %parallel_loop3A_574 : vector<16xi32>
      %parallel_loop3A_576 = arith.constant 1023 : i32
      %parallel_loop3A_577 = vector.broadcast %parallel_loop3A_576 : i32 to vector<16xi32>
      %parallel_loop3A_578 = arith.andi %parallel_loop3A_570, %parallel_loop3A_577 : vector<16xi32>
      %parallel_loop3A_579 = arith.constant 5120 : i32
      %parallel_loop3A_580 = vector.broadcast %parallel_loop3A_579 : i32 to vector<16xi32>
      %parallel_loop3A_581 = arith.addi %parallel_loop3A_578, %parallel_loop3A_580 : vector<16xi32>
      tpu.vector_store_idx %arg7[%parallel_loop3A_581], %broadcast_in_dim3A_25 masked %parallel_loop3A_575 {add = true} : memref<12288xi32, #tpu.memory_space<vmem>>[vector<16xi32>], vector<16xi32>, vector<16xi1>
      %parallel_loop3A_582 = arith.extui %parallel_loop3A_575 : vector<16xi1> to vector<16xi32>
      %parallel_loop3A_583 = arith.constant true
      %parallel_loop3A_584 = vector.broadcast %parallel_loop3A_583 : i1 to vector<16xi1>
      %parallel_loop3A_585 = tpu.scan <sum>, %parallel_loop3A_582 masked %parallel_loop3A_584 : vector<16xi32>, vector<16xi1> -> vector<16xi32>
      %parallel_loop3A_586 = arith.addi %parallel_loop3A_560, %parallel_loop3A_585 : vector<16xi32>
      %parallel_loop3A_587 = arith.constant 1 : i32
      %parallel_loop3A_588 = vector.broadcast %parallel_loop3A_587 : i32 to vector<16xi32>
      %parallel_loop3A_589 = arith.subi %parallel_loop3A_586, %parallel_loop3A_588 : vector<16xi32>
      %parallel_loop3A_590 = vector.broadcast %parallel_loop3A_559 : i32 to vector<16xi32>
      %parallel_loop3A_591 = arith.addi %parallel_loop3A_590, %iota3A : vector<16xi32>
      tpu.vector_store_idx %arg6[%parallel_loop3A_589], %parallel_loop3A_591 masked %parallel_loop3A_575 : memref<32768xi32, #tpu.memory_space<vmem>>[vector<16xi32>], vector<16xi32>, vector<16xi1>
      %parallel_loop3A_592 = vector.broadcast %or3A : i32 to vector<16xi32>
      %parallel_loop3A_593 = arith.cmpi sge, %parallel_loop3A_573, %parallel_loop3A_592 : vector<16xi32>
      %parallel_loop3A_594 = arith.constant 0.000000e+00 : f32
      %parallel_loop3A_595 = vector.broadcast %parallel_loop3A_594 : f32 to vector<16xf32>
      %parallel_loop3A_596 = arith.select %parallel_loop3A_593, %parallel_loop3A_562, %parallel_loop3A_595 : vector<16xi1>, vector<16xf32>
      %parallel_loop3A_597 = arith.index_cast %parallel_loop3A_559 : i32 to index
      %parallel_loop3A_598 = tpu.vector_load %arg4[%parallel_loop3A_597] {strides = array<i32>} : memref<32768xf32, #tpu.memory_space<vmem>>, vector<16xf32>,
      tpu.vector_store %arg4[%parallel_loop3A_597], %parallel_loop3A_596 {strides = array<i32>} : memref<32768xf32, #tpu.memory_space<vmem>>, vector<16xf32>,
      %parallel_loop3A_599 = tpu.all_reduce %parallel_loop3A_575 {dim = 0 : i64, kind = #tpu.reduction_kind<sum>} : vector<16xi1> -> vector<16xi32>
      %parallel_loop3A_600 = arith.addi %parallel_loop3A_560, %parallel_loop3A_599 : vector<16xi32>
      scf.yield %parallel_loop3A_600 : vector<16xi32>
    } {sc.loop_unroll_factor = 8 : i64, sc.parallel_access}
    %reduce_max3A = arith.constant true
    %reduce_max3A_160 = vector.broadcast %reduce_max3A : i1 to vector<16xi1>
    %reduce_max3A_161 = arith.constant -2147483648 : i32
    %reduce_max3A_162 = vector.broadcast %reduce_max3A_161 : i32 to vector<16xi32>
    %reduce_max3A_163 = arith.xori %parallel_loop3A_159, %reduce_max3A_162 : vector<16xi32>
    %reduce_max3A_164 = tpu.scan <max>, %reduce_max3A_163 masked %reduce_max3A_160 : vector<16xi32>, vector<16xi1> -> vector<16xi32>
    %reduce_max3A_165 = arith.xori %reduce_max3A_164, %reduce_max3A_162 : vector<16xi32>
    %reduce_max3A_166 = vector.extract %reduce_max3A_165[15] : i32 from vector<16xi32>
    %sub3A_167 = arith.subi %sub3A_90, %reduce_sum3A_142 : i32
    %while3A_168 = arith.constant 0 : i32
    %while3A_169 = arith.constant 0 : i32
    %while3A_170 = arith.constant 0 : i32
    %while3A_171:3 = scf.while (%while3A_559 = %while3A_168, %while3A_560 = %while3A_169, %while3A_561 = %while3A_170) : (i32, i32, i32) -> (i32, i32, i32) {
      %lt3A = arith.constant 4 : i32
      %lt3A_562 = arith.cmpi slt, %while3A_559, %lt3A : i32
      %lt3A_563 = arith.cmpi slt, %while3A_560, %sub3A_167 : i32
      %and3A_564 = arith.andi %lt3A_562, %lt3A_563 : i1
      scf.condition(%and3A_564) %while3A_559, %while3A_560, %while3A_561 : i32, i32, i32
    } do {
    ^bb0(%while3A_559: i32, %while3A_560: i32, %while3A_561: i32):
      %add3A_562 = arith.constant 1 : i32
      %add3A_563 = arith.addi %while3A_559, %add3A_562 : i32
      %mul3A_564 = arith.constant 256 : i32
      %mul3A_565 = arith.muli %add3A_563, %mul3A_564 : i32
      %sub3A_566 = arith.constant 6144 : i32
      %sub3A_567 = arith.subi %sub3A_566, %mul3A_565 : i32
      %get3A = arith.index_cast %sub3A_567 : i32 to index
      %get3A_568 = tpu.vector_load %arg7[%get3A] {strides = array<i32>} : memref<12288xi32, #tpu.memory_space<vmem>>, vector<16xi32>,
      %add3A_569 = arith.constant 16 : i32
      %add3A_570 = arith.addi %sub3A_567, %add3A_569 : i32
      %get3A_571 = arith.index_cast %add3A_570 : i32 to index
      %get3A_572 = tpu.vector_load %arg7[%get3A_571] {strides = array<i32>} : memref<12288xi32, #tpu.memory_space<vmem>>, vector<16xi32>,
      %add3A_573 = arith.addi %get3A_568, %get3A_572 : vector<16xi32>
      %add3A_574 = arith.constant 32 : i32
      %add3A_575 = arith.addi %sub3A_567, %add3A_574 : i32
      %get3A_576 = arith.index_cast %add3A_575 : i32 to index
      %get3A_577 = tpu.vector_load %arg7[%get3A_576] {strides = array<i32>} : memref<12288xi32, #tpu.memory_space<vmem>>, vector<16xi32>,
      %add3A_578 = arith.addi %add3A_573, %get3A_577 : vector<16xi32>
      %add3A_579 = arith.constant 48 : i32
      %add3A_580 = arith.addi %sub3A_567, %add3A_579 : i32
      %get3A_581 = arith.index_cast %add3A_580 : i32 to index
      %get3A_582 = tpu.vector_load %arg7[%get3A_581] {strides = array<i32>} : memref<12288xi32, #tpu.memory_space<vmem>>, vector<16xi32>,
      %add3A_583 = arith.addi %add3A_578, %get3A_582 : vector<16xi32>
      %add3A_584 = arith.constant 64 : i32
      %add3A_585 = arith.addi %sub3A_567, %add3A_584 : i32
      %get3A_586 = arith.index_cast %add3A_585 : i32 to index
      %get3A_587 = tpu.vector_load %arg7[%get3A_586] {strides = array<i32>} : memref<12288xi32, #tpu.memory_space<vmem>>, vector<16xi32>,
      %add3A_588 = arith.addi %add3A_583, %get3A_587 : vector<16xi32>
      %add3A_589 = arith.constant 80 : i32
      %add3A_590 = arith.addi %sub3A_567, %add3A_589 : i32
      %get3A_591 = arith.index_cast %add3A_590 : i32 to index
      %get3A_592 = tpu.vector_load %arg7[%get3A_591] {strides = array<i32>} : memref<12288xi32, #tpu.memory_space<vmem>>, vector<16xi32>,
      %add3A_593 = arith.addi %add3A_588, %get3A_592 : vector<16xi32>
      %add3A_594 = arith.constant 96 : i32
      %add3A_595 = arith.addi %sub3A_567, %add3A_594 : i32
      %get3A_596 = arith.index_cast %add3A_595 : i32 to index
      %get3A_597 = tpu.vector_load %arg7[%get3A_596] {strides = array<i32>} : memref<12288xi32, #tpu.memory_space<vmem>>, vector<16xi32>,
      %add3A_598 = arith.addi %add3A_593, %get3A_597 : vector<16xi32>
      %add3A_599 = arith.constant 112 : i32
      %add3A_600 = arith.addi %sub3A_567, %add3A_599 : i32
      %get3A_601 = arith.index_cast %add3A_600 : i32 to index
      %get3A_602 = tpu.vector_load %arg7[%get3A_601] {strides = array<i32>} : memref<12288xi32, #tpu.memory_space<vmem>>, vector<16xi32>,
      %add3A_603 = arith.addi %add3A_598, %get3A_602 : vector<16xi32>
      %add3A_604 = arith.constant 128 : i32
      %add3A_605 = arith.addi %sub3A_567, %add3A_604 : i32
      %get3A_606 = arith.index_cast %add3A_605 : i32 to index
      %get3A_607 = tpu.vector_load %arg7[%get3A_606] {strides = array<i32>} : memref<12288xi32, #tpu.memory_space<vmem>>, vector<16xi32>,
      %add3A_608 = arith.addi %add3A_603, %get3A_607 : vector<16xi32>
      %add3A_609 = arith.constant 144 : i32
      %add3A_610 = arith.addi %sub3A_567, %add3A_609 : i32
      %get3A_611 = arith.index_cast %add3A_610 : i32 to index
      %get3A_612 = tpu.vector_load %arg7[%get3A_611] {strides = array<i32>} : memref<12288xi32, #tpu.memory_space<vmem>>, vector<16xi32>,
      %add3A_613 = arith.addi %add3A_608, %get3A_612 : vector<16xi32>
      %add3A_614 = arith.constant 160 : i32
      %add3A_615 = arith.addi %sub3A_567, %add3A_614 : i32
      %get3A_616 = arith.index_cast %add3A_615 : i32 to index
      %get3A_617 = tpu.vector_load %arg7[%get3A_616] {strides = array<i32>} : memref<12288xi32, #tpu.memory_space<vmem>>, vector<16xi32>,
      %add3A_618 = arith.addi %add3A_613, %get3A_617 : vector<16xi32>
      %add3A_619 = arith.constant 176 : i32
      %add3A_620 = arith.addi %sub3A_567, %add3A_619 : i32
      %get3A_621 = arith.index_cast %add3A_620 : i32 to index
      %get3A_622 = tpu.vector_load %arg7[%get3A_621] {strides = array<i32>} : memref<12288xi32, #tpu.memory_space<vmem>>, vector<16xi32>,
      %add3A_623 = arith.addi %add3A_618, %get3A_622 : vector<16xi32>
      %add3A_624 = arith.constant 192 : i32
      %add3A_625 = arith.addi %sub3A_567, %add3A_624 : i32
      %get3A_626 = arith.index_cast %add3A_625 : i32 to index
      %get3A_627 = tpu.vector_load %arg7[%get3A_626] {strides = array<i32>} : memref<12288xi32, #tpu.memory_space<vmem>>, vector<16xi32>,
      %add3A_628 = arith.addi %add3A_623, %get3A_627 : vector<16xi32>
      %add3A_629 = arith.constant 208 : i32
      %add3A_630 = arith.addi %sub3A_567, %add3A_629 : i32
      %get3A_631 = arith.index_cast %add3A_630 : i32 to index
      %get3A_632 = tpu.vector_load %arg7[%get3A_631] {strides = array<i32>} : memref<12288xi32, #tpu.memory_space<vmem>>, vector<16xi32>,
      %add3A_633 = arith.addi %add3A_628, %get3A_632 : vector<16xi32>
      %add3A_634 = arith.constant 224 : i32
      %add3A_635 = arith.addi %sub3A_567, %add3A_634 : i32
      %get3A_636 = arith.index_cast %add3A_635 : i32 to index
      %get3A_637 = tpu.vector_load %arg7[%get3A_636] {strides = array<i32>} : memref<12288xi32, #tpu.memory_space<vmem>>, vector<16xi32>,
      %add3A_638 = arith.addi %add3A_633, %get3A_637 : vector<16xi32>
      %add3A_639 = arith.constant 240 : i32
      %add3A_640 = arith.addi %sub3A_567, %add3A_639 : i32
      %get3A_641 = arith.index_cast %add3A_640 : i32 to index
      %get3A_642 = tpu.vector_load %arg7[%get3A_641] {strides = array<i32>} : memref<12288xi32, #tpu.memory_space<vmem>>, vector<16xi32>,
      %add3A_643 = arith.addi %add3A_638, %get3A_642 : vector<16xi32>
      %add3A_644 = arith.constant 1 : i32
      %add3A_645 = arith.addi %while3A_559, %add3A_644 : i32
      %reduce_sum3A_646 = arith.constant true
      %reduce_sum3A_647 = vector.broadcast %reduce_sum3A_646 : i1 to vector<16xi1>
      %reduce_sum3A_648 = tpu.scan <sum>, %add3A_643 masked %reduce_sum3A_647 : vector<16xi32>, vector<16xi1> -> vector<16xi32>
      %reduce_sum3A_649 = vector.extract %reduce_sum3A_648[15] : i32 from vector<16xi32>
      %add3A_650 = arith.addi %while3A_560, %reduce_sum3A_649 : i32
      scf.yield %add3A_645, %add3A_650, %while3A_560 : i32, i32, i32
    }
    %mul3A_172 = arith.constant 256 : i32
    %mul3A_173 = arith.muli %while3A_171#0, %mul3A_172 : i32
    %sub3A_174 = arith.constant 6144 : i32
    %sub3A_175 = arith.subi %sub3A_174, %mul3A_173 : i32
    %broadcast_in_dim3A_176 = arith.constant 0 : i32
    %broadcast_in_dim3A_177 = vector.broadcast %broadcast_in_dim3A_176 : i32 to vector<16xi32>
    %while3A_178 = arith.constant 0 : i32
    %while3A_179:3 = scf.while (%while3A_559 = %while3A_178, %while3A_560 = %while3A_171#2, %while3A_561 = %broadcast_in_dim3A_177) : (i32, i32, vector<16xi32>) -> (i32, i32, vector<16xi32>) {
      %lt3A = arith.constant 16 : i32
      %lt3A_562 = arith.cmpi slt, %while3A_559, %lt3A : i32
      %lt3A_563 = arith.cmpi slt, %while3A_560, %sub3A_167 : i32
      %and3A_564 = arith.andi %lt3A_562, %lt3A_563 : i1
      scf.condition(%and3A_564) %while3A_559, %while3A_560, %while3A_561 : i32, i32, vector<16xi32>
    } do {
    ^bb0(%while3A_559: i32, %while3A_560: i32, %while3A_561: vector<16xi32>):
      %add3A_562 = arith.constant 256 : i32
      %add3A_563 = arith.addi %sub3A_175, %add3A_562 : i32
      %add3A_564 = arith.constant 1 : i32
      %add3A_565 = arith.addi %while3A_559, %add3A_564 : i32
      %mul3A_566 = arith.constant 16 : i32
      %mul3A_567 = arith.muli %add3A_565, %mul3A_566 : i32
      %sub3A_568 = arith.subi %add3A_563, %mul3A_567 : i32
      %get3A = arith.index_cast %sub3A_568 : i32 to index
      %get3A_569 = tpu.vector_load %arg7[%get3A] {strides = array<i32>} : memref<12288xi32, #tpu.memory_space<vmem>>, vector<16xi32>,
      %add3A_570 = arith.constant 1 : i32
      %add3A_571 = arith.addi %while3A_559, %add3A_570 : i32
      %reduce_sum3A_572 = arith.constant true
      %reduce_sum3A_573 = vector.broadcast %reduce_sum3A_572 : i1 to vector<16xi1>
      %reduce_sum3A_574 = tpu.scan <sum>, %get3A_569 masked %reduce_sum3A_573 : vector<16xi32>, vector<16xi1> -> vector<16xi32>
      %reduce_sum3A_575 = vector.extract %reduce_sum3A_574[15] : i32 from vector<16xi32>
      %add3A_576 = arith.addi %while3A_560, %reduce_sum3A_575 : i32
      scf.yield %add3A_571, %add3A_576, %get3A_569 : i32, i32, vector<16xi32>
    }
    %sub3A_180 = arith.constant 1 : i32
    %sub3A_181 = arith.subi %while3A_179#0, %sub3A_180 : i32
    %rev3A_182 = arith.constant 15 : i32
    %rev3A_183 = vector.broadcast %rev3A_182 : i32 to vector<16xi32>
    %rev3A_184 = tpu.iota {dimensions = array<i32: 0>} : vector<16xi32>
    %rev3A_185 = arith.subi %rev3A_183, %rev3A_184 : vector<16xi32>
    %rev3A_186 = tpu.dynamic_gather %while3A_179#2[%rev3A_185] in [0] : vector<16xi32>, vector<16xi32> -> vector<16xi32>
    %broadcast_in_dim3A_187 = arith.constant true
    %broadcast_in_dim3A_188 = vector.broadcast %broadcast_in_dim3A_187 : i1 to vector<16xi1>
    %masked_cumsum3A_189 = tpu.scan <sum>, %rev3A_186 masked %broadcast_in_dim3A_188 : vector<16xi32>, vector<16xi1> -> vector<16xi32>
    %reduce_sum3A_190 = arith.constant true
    %reduce_sum3A_191 = vector.broadcast %reduce_sum3A_190 : i1 to vector<16xi1>
    %reduce_sum3A_192 = tpu.scan <sum>, %rev3A_186 masked %reduce_sum3A_191 : vector<16xi32>, vector<16xi1> -> vector<16xi32>
    %reduce_sum3A_193 = vector.extract %reduce_sum3A_192[15] : i32 from vector<16xi32>
    %sub3A_194 = arith.subi %while3A_179#1, %reduce_sum3A_193 : i32
    %add3A_195 = vector.broadcast %sub3A_194 : i32 to vector<16xi32>
    %add3A_196 = arith.addi %masked_cumsum3A_189, %add3A_195 : vector<16xi32>
    %ge3A_197 = vector.broadcast %sub3A_167 : i32 to vector<16xi32>
    %ge3A_198 = arith.cmpi sge, %add3A_196, %ge3A_197 : vector<16xi32>
    %jit3A_199 = arith.constant 16 : i32
    %broadcast_in_dim3A_200 = vector.broadcast %jit3A_199 : i32 to vector<16xi32>
    %select_n3A_201 = arith.select %ge3A_198, %iota3A, %broadcast_in_dim3A_200 : vector<16xi1>, vector<16xi32>
    %reduce_min3A_202 = arith.constant true
    %reduce_min3A_203 = vector.broadcast %reduce_min3A_202 : i1 to vector<16xi1>
    %reduce_min3A_204 = arith.constant -2147483648 : i32
    %reduce_min3A_205 = vector.broadcast %reduce_min3A_204 : i32 to vector<16xi32>
    %reduce_min3A_206 = arith.xori %select_n3A_201, %reduce_min3A_205 : vector<16xi32>
    %reduce_min3A_207 = tpu.scan <min>, %reduce_min3A_206 masked %reduce_min3A_203 : vector<16xi32>, vector<16xi1> -> vector<16xi32>
    %reduce_min3A_208 = arith.xori %reduce_min3A_207, %reduce_min3A_205 : vector<16xi32>
    %reduce_min3A_209 = vector.extract %reduce_min3A_208[15] : i32 from vector<16xi32>
    %eq3A_210 = vector.broadcast %reduce_min3A_209 : i32 to vector<16xi32>
    %eq3A_211 = arith.cmpi eq, %iota3A, %eq3A_210 : vector<16xi32>
    %sub3A_212 = arith.subi %add3A_196, %rev3A_186 : vector<16xi32>
    %jit3A_213 = arith.constant 0 : i32
    %broadcast_in_dim3A_214 = vector.broadcast %jit3A_213 : i32 to vector<16xi32>
    %select_n3A_215 = arith.select %eq3A_211, %sub3A_212, %broadcast_in_dim3A_214 : vector<16xi1>, vector<16xi32>
    %reduce_sum3A_216 = arith.constant true
    %reduce_sum3A_217 = vector.broadcast %reduce_sum3A_216 : i1 to vector<16xi1>
    %reduce_sum3A_218 = tpu.scan <sum>, %select_n3A_215 masked %reduce_sum3A_217 : vector<16xi32>, vector<16xi1> -> vector<16xi32>
    %reduce_sum3A_219 = vector.extract %reduce_sum3A_218[15] : i32 from vector<16xi32>
    %sub3A_220 = arith.constant 5120 : i32
    %sub3A_221 = arith.subi %sub3A_175, %sub3A_220 : i32
    %add3A_222 = arith.constant 256 : i32
    %add3A_223 = arith.addi %sub3A_221, %add3A_222 : i32
    %sub3A_224 = arith.constant 1 : i32
    %sub3A_225 = arith.subi %add3A_223, %sub3A_224 : i32
    %mul3A_226 = arith.constant 16 : i32
    %mul3A_227 = arith.muli %sub3A_181, %mul3A_226 : i32
    %add3A_228 = arith.addi %mul3A_227, %reduce_min3A_209 : i32
    %sub3A_229 = arith.subi %sub3A_225, %add3A_228 : i32
    %shift_left3A_230 = arith.constant 10 : i32
    %shift_left3A_231 = arith.shli %or3A, %shift_left3A_230 : i32
    %or3A_232 = arith.ori %shift_left3A_231, %sub3A_229 : i32
    %sub3A_233 = arith.subi %sub3A_167, %reduce_sum3A_219 : i32
    %broadcast_in_dim3A_234 = arith.constant 0.000000e+00 : f32
    %broadcast_in_dim3A_235 = vector.broadcast %broadcast_in_dim3A_234 : f32 to vector<16xf32>
    %add3A_236 = arith.constant 16 : i32
    %add3A_237 = arith.addi %reduce_max3A_166, %add3A_236 : i32
    %sub3A_238 = arith.constant 1 : i32
    %sub3A_239 = arith.subi %add3A_237, %sub3A_238 : i32
    %jit3A_240 = arith.constant 16 : i32
    %div3A = arith.divsi %sub3A_239, %jit3A_240 : i32
    %sign3A = arith.constant 0 : i32
    %sign3A_241 = arith.cmpi sgt, %sub3A_239, %sign3A : i32
    %sign3A_242 = arith.extui %sign3A_241 : i1 to i32
    %sign3A_243 = arith.constant 0 : i32
    %sign3A_244 = arith.cmpi slt, %sub3A_239, %sign3A_243 : i32
    %sign3A_245 = arith.extui %sign3A_244 : i1 to i32
    %sign3A_246 = arith.subi %sign3A_242, %sign3A_245 : i32
    %sign3A_247 = arith.constant 0 : i32
    %sign3A_248 = arith.cmpi sgt, %jit3A_240, %sign3A_247 : i32
    %sign3A_249 = arith.extui %sign3A_248 : i1 to i32
    %sign3A_250 = arith.constant 0 : i32
    %sign3A_251 = arith.cmpi slt, %jit3A_240, %sign3A_250 : i32
    %sign3A_252 = arith.extui %sign3A_251 : i1 to i32
    %sign3A_253 = arith.subi %sign3A_249, %sign3A_252 : i32
    %ne3A = arith.cmpi ne, %sign3A_246, %sign3A_253 : i32
    %rem3A = arith.remsi %sub3A_239, %jit3A_240 : i32
    %ne3A_254 = arith.constant 0 : i32
    %ne3A_255 = arith.cmpi ne, %rem3A, %ne3A_254 : i32
    %and3A = arith.andi %ne3A, %ne3A_255 : i1
    %sub3A_256 = arith.constant 1 : i32
    %sub3A_257 = arith.subi %div3A, %sub3A_256 : i32
    %select_n3A_258 = arith.select %and3A, %sub3A_257, %div3A : i32
    %broadcast_in_dim3A_259 = arith.constant 0 : i32
    %broadcast_in_dim3A_260 = vector.broadcast %broadcast_in_dim3A_259 : i32 to vector<16xi32>
    %while3A_261 = arith.constant 0 : i32
    %while3A_262 = arith.subi %select_n3A_258, %while3A_261 : i32
    %while3A_263 = arith.addi %while3A_261, %while3A_262 : i32
    %while3A_264 = arith.constant 1 : i32
    %while3A_265 = arith.divsi %while3A_262, %while3A_264 : i32
    %while3A_266 = arith.muli %while3A_265, %while3A_264 : i32
    %while3A_267 = arith.addi %while3A_261, %while3A_266 : i32
    %while3A_268 = arith.constant 1 : i32
    %while3A_269 = scf.for %while3A_559 = %while3A_261 to %while3A_267 step %while3A_268 iter_args(%while3A_560 = %broadcast_in_dim3A_260) -> (vector<16xi32>)  : i32 {
      %mul3A_561 = arith.constant 16 : i32
      %mul3A_562 = arith.muli %while3A_559, %mul3A_561 : i32
      %get3A = arith.index_cast %mul3A_562 : i32 to index
      %get3A_563 = tpu.vector_load %arg6[%get3A] {strides = array<i32>} : memref<32768xi32, #tpu.memory_space<vmem>>, vector<16xi32>,
      %mul3A_564 = arith.constant 16 : i32
      %mul3A_565 = arith.muli %while3A_559, %mul3A_564 : i32
      %add3A_566 = vector.broadcast %mul3A_565 : i32 to vector<16xi32>
      %add3A_567 = arith.addi %add3A_566, %iota3A : vector<16xi32>
      %lt3A = vector.broadcast %reduce_max3A_166 : i32 to vector<16xi32>
      %lt3A_568 = arith.cmpi slt, %add3A_567, %lt3A : vector<16xi32>
      %gather3A = tpu.vector_load_idx %arg4[%get3A_563] masked %lt3A_568 : memref<32768xf32, #tpu.memory_space<vmem>>[vector<16xi32>], vector<16xf32>, vector<16xi1>
      %bitcast_convert_type3A = tpu.bitcast %gather3A : vector<16xf32> -> vector<16xi32>
      %shift_right_arithmetic3A = arith.constant 31 : i32
      %shift_right_arithmetic3A_569 = vector.broadcast %shift_right_arithmetic3A : i32 to vector<16xi32>
      %shift_right_arithmetic3A_570 = arith.shrsi %bitcast_convert_type3A, %shift_right_arithmetic3A_569 : vector<16xi32>
      %and3A_571 = arith.constant 2147483647 : i32
      %and3A_572 = vector.broadcast %and3A_571 : i32 to vector<16xi32>
      %and3A_573 = arith.andi %shift_right_arithmetic3A_570, %and3A_572 : vector<16xi32>
      %xor3A = arith.xori %bitcast_convert_type3A, %and3A_573 : vector<16xi32>
      %eq3A_574 = vector.broadcast %or3A_232 : i32 to vector<16xi32>
      %eq3A_575 = arith.cmpi eq, %xor3A, %eq3A_574 : vector<16xi32>
      %and3A_576 = arith.andi %lt3A_568, %eq3A_575 : vector<16xi1>
      %convert_element_type3A = arith.extui %and3A_576 : vector<16xi1> to vector<16xi32>
      %broadcast_in_dim3A_577 = arith.constant true
      %broadcast_in_dim3A_578 = vector.broadcast %broadcast_in_dim3A_577 : i1 to vector<16xi1>
      %masked_cumsum3A_579 = tpu.scan <sum>, %convert_element_type3A masked %broadcast_in_dim3A_578 : vector<16xi32>, vector<16xi1> -> vector<16xi32>
      %add3A_580 = arith.addi %while3A_560, %masked_cumsum3A_579 : vector<16xi32>
      %le3A = vector.broadcast %sub3A_233 : i32 to vector<16xi32>
      %le3A_581 = arith.cmpi sle, %add3A_580, %le3A : vector<16xi32>
      %and3A_582 = arith.andi %and3A_576, %le3A_581 : vector<16xi1>
      %gt3A = vector.broadcast %or3A_232 : i32 to vector<16xi32>
      %gt3A_583 = arith.cmpi sgt, %xor3A, %gt3A : vector<16xi32>
      %or3A_584 = arith.ori %gt3A_583, %and3A_582 : vector<16xi1>
      %not3A = arith.constant dense<true> : vector<16xi1>
      %not3A_585 = arith.xori %or3A_584, %not3A : vector<16xi1>
      %and3A_586 = arith.andi %lt3A_568, %not3A_585 : vector<16xi1>
      tpu.vector_store_idx %arg4[%get3A_563], %broadcast_in_dim3A_235 masked %and3A_586 : memref<32768xf32, #tpu.memory_space<vmem>>[vector<16xi32>], vector<16xf32>, vector<16xi1>
      %all_reduce_population_count3A = tpu.all_reduce %and3A_576 {dim = 0 : i64, kind = #tpu.reduction_kind<sum>} : vector<16xi1> -> vector<16xi32>
      %add3A_587 = arith.addi %while3A_560, %all_reduce_population_count3A : vector<16xi32>
      scf.yield %add3A_587 : vector<16xi32>
    }
    %while3A_270 = arith.constant 1 : i32
    %while3A_271 = scf.for %while3A_559 = %while3A_267 to %while3A_263 step %while3A_270 iter_args(%while3A_560 = %while3A_269) -> (vector<16xi32>)  : i32 {
      %mul3A_561 = arith.constant 16 : i32
      %mul3A_562 = arith.muli %while3A_559, %mul3A_561 : i32
      %get3A = arith.index_cast %mul3A_562 : i32 to index
      %get3A_563 = tpu.vector_load %arg6[%get3A] {strides = array<i32>} : memref<32768xi32, #tpu.memory_space<vmem>>, vector<16xi32>,
      %mul3A_564 = arith.constant 16 : i32
      %mul3A_565 = arith.muli %while3A_559, %mul3A_564 : i32
      %add3A_566 = vector.broadcast %mul3A_565 : i32 to vector<16xi32>
      %add3A_567 = arith.addi %add3A_566, %iota3A : vector<16xi32>
      %lt3A = vector.broadcast %reduce_max3A_166 : i32 to vector<16xi32>
      %lt3A_568 = arith.cmpi slt, %add3A_567, %lt3A : vector<16xi32>
      %gather3A = tpu.vector_load_idx %arg4[%get3A_563] masked %lt3A_568 : memref<32768xf32, #tpu.memory_space<vmem>>[vector<16xi32>], vector<16xf32>, vector<16xi1>
      %bitcast_convert_type3A = tpu.bitcast %gather3A : vector<16xf32> -> vector<16xi32>
      %shift_right_arithmetic3A = arith.constant 31 : i32
      %shift_right_arithmetic3A_569 = vector.broadcast %shift_right_arithmetic3A : i32 to vector<16xi32>
      %shift_right_arithmetic3A_570 = arith.shrsi %bitcast_convert_type3A, %shift_right_arithmetic3A_569 : vector<16xi32>
      %and3A_571 = arith.constant 2147483647 : i32
      %and3A_572 = vector.broadcast %and3A_571 : i32 to vector<16xi32>
      %and3A_573 = arith.andi %shift_right_arithmetic3A_570, %and3A_572 : vector<16xi32>
      %xor3A = arith.xori %bitcast_convert_type3A, %and3A_573 : vector<16xi32>
      %eq3A_574 = vector.broadcast %or3A_232 : i32 to vector<16xi32>
      %eq3A_575 = arith.cmpi eq, %xor3A, %eq3A_574 : vector<16xi32>
      %and3A_576 = arith.andi %lt3A_568, %eq3A_575 : vector<16xi1>
      %convert_element_type3A = arith.extui %and3A_576 : vector<16xi1> to vector<16xi32>
      %broadcast_in_dim3A_577 = arith.constant true
      %broadcast_in_dim3A_578 = vector.broadcast %broadcast_in_dim3A_577 : i1 to vector<16xi1>
      %masked_cumsum3A_579 = tpu.scan <sum>, %convert_element_type3A masked %broadcast_in_dim3A_578 : vector<16xi32>, vector<16xi1> -> vector<16xi32>
      %add3A_580 = arith.addi %while3A_560, %masked_cumsum3A_579 : vector<16xi32>
      %le3A = vector.broadcast %sub3A_233 : i32 to vector<16xi32>
      %le3A_581 = arith.cmpi sle, %add3A_580, %le3A : vector<16xi32>
      %and3A_582 = arith.andi %and3A_576, %le3A_581 : vector<16xi1>
      %gt3A = vector.broadcast %or3A_232 : i32 to vector<16xi32>
      %gt3A_583 = arith.cmpi sgt, %xor3A, %gt3A : vector<16xi32>
      %or3A_584 = arith.ori %gt3A_583, %and3A_582 : vector<16xi1>
      %not3A = arith.constant dense<true> : vector<16xi1>
      %not3A_585 = arith.xori %or3A_584, %not3A : vector<16xi1>
      %and3A_586 = arith.andi %lt3A_568, %not3A_585 : vector<16xi1>
      tpu.vector_store_idx %arg4[%get3A_563], %broadcast_in_dim3A_235 masked %and3A_586 : memref<32768xf32, #tpu.memory_space<vmem>>[vector<16xi32>], vector<16xf32>, vector<16xi1>
      %all_reduce_population_count3A = tpu.all_reduce %and3A_576 {dim = 0 : i64, kind = #tpu.reduction_kind<sum>} : vector<16xi1> -> vector<16xi32>
      %add3A_587 = arith.addi %while3A_560, %all_reduce_population_count3A : vector<16xi32>
      scf.yield %add3A_587 : vector<16xi32>
    }
    %dma_start3A_272 = arith.constant 0 : i32
    %dma_start3A_273 = tpu.memref_slice %arg3[%mul3A_2, %dma_start3A_272] : memref<64x32768xf32, #tpu.memory_space<hbm>> -> memref<1x32768xf32, #tpu.memory_space<hbm>>
    %dma_start3A_274 = tpu.memref_squeeze %dma_start3A_273 : memref<1x32768xf32, #tpu.memory_space<hbm>> -> memref<32768xf32, #tpu.memory_space<hbm>>
    %dma_start3A_275 = arith.constant 0 : i32
    %dma_start3A_276 = tpu.memref_slice %arg3[%mul3A_2, %dma_start3A_275] : memref<64x32768xf32, #tpu.memory_space<hbm>> -> memref<1x32768xf32, #tpu.memory_space<hbm>>
    %dma_start3A_277 = tpu.memref_squeeze %dma_start3A_276 : memref<1x32768xf32, #tpu.memory_space<hbm>> -> memref<32768xf32, #tpu.memory_space<hbm>>
    tpu.enqueue_dma source(%arg4 : memref<32768xf32, #tpu.memory_space<vmem>>) target(%dma_start3A_277 : memref<32768xf32, #tpu.memory_space<hbm>>) target_semaphore(%arg9 : memref<!tpu.dma_semaphore, #tpu.memory_space<semaphore_mem>>)
    %dma_wait3A_278 = arith.constant 0 : i32
    %dma_wait3A_279 = tpu.memref_slice %arg2[%add3A_17, %dma_wait3A_278] : memref<64x32768xf32, #tpu.memory_space<hbm>> -> memref<1x32768xf32, #tpu.memory_space<hbm>>
    %dma_wait3A_280 = tpu.memref_squeeze %dma_wait3A_279 : memref<1x32768xf32, #tpu.memory_space<hbm>> -> memref<32768xf32, #tpu.memory_space<hbm>>
    %dma_wait3A_281 = arith.constant 0 : i32
    %dma_wait3A_282 = tpu.memref_slice %arg2[%add3A_17, %dma_wait3A_281] : memref<64x32768xf32, #tpu.memory_space<hbm>> -> memref<1x32768xf32, #tpu.memory_space<hbm>>
    %dma_wait3A_283 = tpu.memref_squeeze %dma_wait3A_282 : memref<1x32768xf32, #tpu.memory_space<hbm>> -> memref<32768xf32, #tpu.memory_space<hbm>>
    tpu.wait_dma2 semaphore(%arg8 : memref<!tpu.dma_semaphore, #tpu.memory_space<semaphore_mem>>) src(%dma_wait3A_283 : memref<32768xf32, #tpu.memory_space<hbm>>) dst(%arg5 : memref<32768xf32, #tpu.memory_space<vmem>>)
    %iota3A_284 = tpu.iota {dimensions = array<i32: 0>} : vector<16xi32>
    %broadcast_in_dim3A_285 = arith.constant 1 : i32
    %broadcast_in_dim3A_286 = vector.broadcast %broadcast_in_dim3A_285 : i32 to vector<16xi32>
    %parallel_loop3A_287 = arith.constant 0 : i32
    %parallel_loop3A_288 = arith.constant 32768 : i32
    %parallel_loop3A_289 = arith.constant 16 : i32
    scf.for %parallel_loop3A_559 = %parallel_loop3A_287 to %parallel_loop3A_288 step %parallel_loop3A_289  : i32 {
      %parallel_loop3A_560 = arith.index_cast %parallel_loop3A_559 : i32 to index
      %parallel_loop3A_561 = tpu.vector_load %arg5[%parallel_loop3A_560] {strides = array<i32>} : memref<32768xf32, #tpu.memory_space<vmem>>, vector<16xf32>,
      %parallel_loop3A_562 = tpu.bitcast %parallel_loop3A_561 : vector<16xf32> -> vector<16xi32>
      %parallel_loop3A_563 = arith.constant 31 : i32
      %parallel_loop3A_564 = vector.broadcast %parallel_loop3A_563 : i32 to vector<16xi32>
      %parallel_loop3A_565 = arith.shrsi %parallel_loop3A_562, %parallel_loop3A_564 : vector<16xi32>
      %parallel_loop3A_566 = arith.constant 2147483647 : i32
      %parallel_loop3A_567 = vector.broadcast %parallel_loop3A_566 : i32 to vector<16xi32>
      %parallel_loop3A_568 = arith.andi %parallel_loop3A_565, %parallel_loop3A_567 : vector<16xi32>
      %parallel_loop3A_569 = arith.xori %parallel_loop3A_562, %parallel_loop3A_568 : vector<16xi32>
      %parallel_loop3A_570 = arith.constant 20 : i32
      %parallel_loop3A_571 = vector.broadcast %parallel_loop3A_570 : i32 to vector<16xi32>
      %parallel_loop3A_572 = arith.shrsi %parallel_loop3A_569, %parallel_loop3A_571 : vector<16xi32>
      %parallel_loop3A_573 = arith.constant 8192 : i32
      %parallel_loop3A_574 = vector.broadcast %parallel_loop3A_573 : i32 to vector<16xi32>
      %parallel_loop3A_575 = arith.addi %parallel_loop3A_572, %parallel_loop3A_574 : vector<16xi32>
      tpu.vector_store_idx %arg7[%parallel_loop3A_575], %broadcast_in_dim3A_286 {add = true} : memref<12288xi32, #tpu.memory_space<vmem>>[vector<16xi32>], vector<16xi32>,
    } {sc.loop_unroll_factor = 8 : i64, sc.parallel_access}
    %while3A_290 = arith.constant 256 : i32
    %while3A_291 = arith.constant 0 : i32
    %while3A_292 = arith.constant 0 : i32
    %while3A_293 = arith.constant 0 : i32
    %while3A_294:3 = scf.while (%while3A_559 = %while3A_291, %while3A_560 = %while3A_292, %while3A_561 = %while3A_293) : (i32, i32, i32) -> (i32, i32, i32) {
      %lt3A = arith.constant 16 : i32
      %lt3A_562 = arith.cmpi slt, %while3A_559, %lt3A : i32
      %lt3A_563 = arith.cmpi slt, %while3A_560, %while3A_290 : i32
      %and3A_564 = arith.andi %lt3A_562, %lt3A_563 : i1
      scf.condition(%and3A_564) %while3A_559, %while3A_560, %while3A_561 : i32, i32, i32
    } do {
    ^bb0(%while3A_559: i32, %while3A_560: i32, %while3A_561: i32):
      %add3A_562 = arith.constant 1 : i32
      %add3A_563 = arith.addi %while3A_559, %add3A_562 : i32
      %mul3A_564 = arith.constant 256 : i32
      %mul3A_565 = arith.muli %add3A_563, %mul3A_564 : i32
      %sub3A_566 = arith.constant 10240 : i32
      %sub3A_567 = arith.subi %sub3A_566, %mul3A_565 : i32
      %get3A = arith.index_cast %sub3A_567 : i32 to index
      %get3A_568 = tpu.vector_load %arg7[%get3A] {strides = array<i32>} : memref<12288xi32, #tpu.memory_space<vmem>>, vector<16xi32>,
      %add3A_569 = arith.constant 16 : i32
      %add3A_570 = arith.addi %sub3A_567, %add3A_569 : i32
      %get3A_571 = arith.index_cast %add3A_570 : i32 to index
      %get3A_572 = tpu.vector_load %arg7[%get3A_571] {strides = array<i32>} : memref<12288xi32, #tpu.memory_space<vmem>>, vector<16xi32>,
      %add3A_573 = arith.addi %get3A_568, %get3A_572 : vector<16xi32>
      %add3A_574 = arith.constant 32 : i32
      %add3A_575 = arith.addi %sub3A_567, %add3A_574 : i32
      %get3A_576 = arith.index_cast %add3A_575 : i32 to index
      %get3A_577 = tpu.vector_load %arg7[%get3A_576] {strides = array<i32>} : memref<12288xi32, #tpu.memory_space<vmem>>, vector<16xi32>,
      %add3A_578 = arith.addi %add3A_573, %get3A_577 : vector<16xi32>
      %add3A_579 = arith.constant 48 : i32
      %add3A_580 = arith.addi %sub3A_567, %add3A_579 : i32
      %get3A_581 = arith.index_cast %add3A_580 : i32 to index
      %get3A_582 = tpu.vector_load %arg7[%get3A_581] {strides = array<i32>} : memref<12288xi32, #tpu.memory_space<vmem>>, vector<16xi32>,
      %add3A_583 = arith.addi %add3A_578, %get3A_582 : vector<16xi32>
      %add3A_584 = arith.constant 64 : i32
      %add3A_585 = arith.addi %sub3A_567, %add3A_584 : i32
      %get3A_586 = arith.index_cast %add3A_585 : i32 to index
      %get3A_587 = tpu.vector_load %arg7[%get3A_586] {strides = array<i32>} : memref<12288xi32, #tpu.memory_space<vmem>>, vector<16xi32>,
      %add3A_588 = arith.addi %add3A_583, %get3A_587 : vector<16xi32>
      %add3A_589 = arith.constant 80 : i32
      %add3A_590 = arith.addi %sub3A_567, %add3A_589 : i32
      %get3A_591 = arith.index_cast %add3A_590 : i32 to index
      %get3A_592 = tpu.vector_load %arg7[%get3A_591] {strides = array<i32>} : memref<12288xi32, #tpu.memory_space<vmem>>, vector<16xi32>,
      %add3A_593 = arith.addi %add3A_588, %get3A_592 : vector<16xi32>
      %add3A_594 = arith.constant 96 : i32
      %add3A_595 = arith.addi %sub3A_567, %add3A_594 : i32
      %get3A_596 = arith.index_cast %add3A_595 : i32 to index
      %get3A_597 = tpu.vector_load %arg7[%get3A_596] {strides = array<i32>} : memref<12288xi32, #tpu.memory_space<vmem>>, vector<16xi32>,
      %add3A_598 = arith.addi %add3A_593, %get3A_597 : vector<16xi32>
      %add3A_599 = arith.constant 112 : i32
      %add3A_600 = arith.addi %sub3A_567, %add3A_599 : i32
      %get3A_601 = arith.index_cast %add3A_600 : i32 to index
      %get3A_602 = tpu.vector_load %arg7[%get3A_601] {strides = array<i32>} : memref<12288xi32, #tpu.memory_space<vmem>>, vector<16xi32>,
      %add3A_603 = arith.addi %add3A_598, %get3A_602 : vector<16xi32>
      %add3A_604 = arith.constant 128 : i32
      %add3A_605 = arith.addi %sub3A_567, %add3A_604 : i32
      %get3A_606 = arith.index_cast %add3A_605 : i32 to index
      %get3A_607 = tpu.vector_load %arg7[%get3A_606] {strides = array<i32>} : memref<12288xi32, #tpu.memory_space<vmem>>, vector<16xi32>,
      %add3A_608 = arith.addi %add3A_603, %get3A_607 : vector<16xi32>
      %add3A_609 = arith.constant 144 : i32
      %add3A_610 = arith.addi %sub3A_567, %add3A_609 : i32
      %get3A_611 = arith.index_cast %add3A_610 : i32 to index
      %get3A_612 = tpu.vector_load %arg7[%get3A_611] {strides = array<i32>} : memref<12288xi32, #tpu.memory_space<vmem>>, vector<16xi32>,
      %add3A_613 = arith.addi %add3A_608, %get3A_612 : vector<16xi32>
      %add3A_614 = arith.constant 160 : i32
      %add3A_615 = arith.addi %sub3A_567, %add3A_614 : i32
      %get3A_616 = arith.index_cast %add3A_615 : i32 to index
      %get3A_617 = tpu.vector_load %arg7[%get3A_616] {strides = array<i32>} : memref<12288xi32, #tpu.memory_space<vmem>>, vector<16xi32>,
      %add3A_618 = arith.addi %add3A_613, %get3A_617 : vector<16xi32>
      %add3A_619 = arith.constant 176 : i32
      %add3A_620 = arith.addi %sub3A_567, %add3A_619 : i32
      %get3A_621 = arith.index_cast %add3A_620 : i32 to index
      %get3A_622 = tpu.vector_load %arg7[%get3A_621] {strides = array<i32>} : memref<12288xi32, #tpu.memory_space<vmem>>, vector<16xi32>,
      %add3A_623 = arith.addi %add3A_618, %get3A_622 : vector<16xi32>
      %add3A_624 = arith.constant 192 : i32
      %add3A_625 = arith.addi %sub3A_567, %add3A_624 : i32
      %get3A_626 = arith.index_cast %add3A_625 : i32 to index
      %get3A_627 = tpu.vector_load %arg7[%get3A_626] {strides = array<i32>} : memref<12288xi32, #tpu.memory_space<vmem>>, vector<16xi32>,
      %add3A_628 = arith.addi %add3A_623, %get3A_627 : vector<16xi32>
      %add3A_629 = arith.constant 208 : i32
      %add3A_630 = arith.addi %sub3A_567, %add3A_629 : i32
      %get3A_631 = arith.index_cast %add3A_630 : i32 to index
      %get3A_632 = tpu.vector_load %arg7[%get3A_631] {strides = array<i32>} : memref<12288xi32, #tpu.memory_space<vmem>>, vector<16xi32>,
      %add3A_633 = arith.addi %add3A_628, %get3A_632 : vector<16xi32>
      %add3A_634 = arith.constant 224 : i32
      %add3A_635 = arith.addi %sub3A_567, %add3A_634 : i32
      %get3A_636 = arith.index_cast %add3A_635 : i32 to index
      %get3A_637 = tpu.vector_load %arg7[%get3A_636] {strides = array<i32>} : memref<12288xi32, #tpu.memory_space<vmem>>, vector<16xi32>,
      %add3A_638 = arith.addi %add3A_633, %get3A_637 : vector<16xi32>
      %add3A_639 = arith.constant 240 : i32
      %add3A_640 = arith.addi %sub3A_567, %add3A_639 : i32
      %get3A_641 = arith.index_cast %add3A_640 : i32 to index
      %get3A_642 = tpu.vector_load %arg7[%get3A_641] {strides = array<i32>} : memref<12288xi32, #tpu.memory_space<vmem>>, vector<16xi32>,
      %add3A_643 = arith.addi %add3A_638, %get3A_642 : vector<16xi32>
      %add3A_644 = arith.constant 1 : i32
      %add3A_645 = arith.addi %while3A_559, %add3A_644 : i32
      %reduce_sum3A_646 = arith.constant true
      %reduce_sum3A_647 = vector.broadcast %reduce_sum3A_646 : i1 to vector<16xi1>
      %reduce_sum3A_648 = tpu.scan <sum>, %add3A_643 masked %reduce_sum3A_647 : vector<16xi32>, vector<16xi1> -> vector<16xi32>
      %reduce_sum3A_649 = vector.extract %reduce_sum3A_648[15] : i32 from vector<16xi32>
      %add3A_650 = arith.addi %while3A_560, %reduce_sum3A_649 : i32
      scf.yield %add3A_645, %add3A_650, %while3A_560 : i32, i32, i32
    }
    %mul3A_295 = arith.constant 256 : i32
    %mul3A_296 = arith.muli %while3A_294#0, %mul3A_295 : i32
    %sub3A_297 = arith.constant 10240 : i32
    %sub3A_298 = arith.subi %sub3A_297, %mul3A_296 : i32
    %broadcast_in_dim3A_299 = arith.constant 0 : i32
    %broadcast_in_dim3A_300 = vector.broadcast %broadcast_in_dim3A_299 : i32 to vector<16xi32>
    %while3A_301 = arith.constant 256 : i32
    %while3A_302 = arith.constant 0 : i32
    %while3A_303:3 = scf.while (%while3A_559 = %while3A_302, %while3A_560 = %while3A_294#2, %while3A_561 = %broadcast_in_dim3A_300) : (i32, i32, vector<16xi32>) -> (i32, i32, vector<16xi32>) {
      %lt3A = arith.constant 16 : i32
      %lt3A_562 = arith.cmpi slt, %while3A_559, %lt3A : i32
      %lt3A_563 = arith.cmpi slt, %while3A_560, %while3A_301 : i32
      %and3A_564 = arith.andi %lt3A_562, %lt3A_563 : i1
      scf.condition(%and3A_564) %while3A_559, %while3A_560, %while3A_561 : i32, i32, vector<16xi32>
    } do {
    ^bb0(%while3A_559: i32, %while3A_560: i32, %while3A_561: vector<16xi32>):
      %add3A_562 = arith.constant 256 : i32
      %add3A_563 = arith.addi %sub3A_298, %add3A_562 : i32
      %add3A_564 = arith.constant 1 : i32
      %add3A_565 = arith.addi %while3A_559, %add3A_564 : i32
      %mul3A_566 = arith.constant 16 : i32
      %mul3A_567 = arith.muli %add3A_565, %mul3A_566 : i32
      %sub3A_568 = arith.subi %add3A_563, %mul3A_567 : i32
      %get3A = arith.index_cast %sub3A_568 : i32 to index
      %get3A_569 = tpu.vector_load %arg7[%get3A] {strides = array<i32>} : memref<12288xi32, #tpu.memory_space<vmem>>, vector<16xi32>,
      %add3A_570 = arith.constant 1 : i32
      %add3A_571 = arith.addi %while3A_559, %add3A_570 : i32
      %reduce_sum3A_572 = arith.constant true
      %reduce_sum3A_573 = vector.broadcast %reduce_sum3A_572 : i1 to vector<16xi1>
      %reduce_sum3A_574 = tpu.scan <sum>, %get3A_569 masked %reduce_sum3A_573 : vector<16xi32>, vector<16xi1> -> vector<16xi32>
      %reduce_sum3A_575 = vector.extract %reduce_sum3A_574[15] : i32 from vector<16xi32>
      %add3A_576 = arith.addi %while3A_560, %reduce_sum3A_575 : i32
      scf.yield %add3A_571, %add3A_576, %get3A_569 : i32, i32, vector<16xi32>
    }
    %sub3A_304 = arith.constant 1 : i32
    %sub3A_305 = arith.subi %while3A_303#0, %sub3A_304 : i32
    %rev3A_306 = arith.constant 15 : i32
    %rev3A_307 = vector.broadcast %rev3A_306 : i32 to vector<16xi32>
    %rev3A_308 = tpu.iota {dimensions = array<i32: 0>} : vector<16xi32>
    %rev3A_309 = arith.subi %rev3A_307, %rev3A_308 : vector<16xi32>
    %rev3A_310 = tpu.dynamic_gather %while3A_303#2[%rev3A_309] in [0] : vector<16xi32>, vector<16xi32> -> vector<16xi32>
    %broadcast_in_dim3A_311 = arith.constant true
    %broadcast_in_dim3A_312 = vector.broadcast %broadcast_in_dim3A_311 : i1 to vector<16xi1>
    %masked_cumsum3A_313 = tpu.scan <sum>, %rev3A_310 masked %broadcast_in_dim3A_312 : vector<16xi32>, vector<16xi1> -> vector<16xi32>
    %reduce_sum3A_314 = arith.constant true
    %reduce_sum3A_315 = vector.broadcast %reduce_sum3A_314 : i1 to vector<16xi1>
    %reduce_sum3A_316 = tpu.scan <sum>, %rev3A_310 masked %reduce_sum3A_315 : vector<16xi32>, vector<16xi1> -> vector<16xi32>
    %reduce_sum3A_317 = vector.extract %reduce_sum3A_316[15] : i32 from vector<16xi32>
    %sub3A_318 = arith.subi %while3A_303#1, %reduce_sum3A_317 : i32
    %add3A_319 = vector.broadcast %sub3A_318 : i32 to vector<16xi32>
    %add3A_320 = arith.addi %masked_cumsum3A_313, %add3A_319 : vector<16xi32>
    %ge3A_321 = arith.constant 256 : i32
    %ge3A_322 = vector.broadcast %ge3A_321 : i32 to vector<16xi32>
    %ge3A_323 = arith.cmpi sge, %add3A_320, %ge3A_322 : vector<16xi32>
    %jit3A_324 = arith.constant 16 : i32
    %broadcast_in_dim3A_325 = vector.broadcast %jit3A_324 : i32 to vector<16xi32>
    %select_n3A_326 = arith.select %ge3A_323, %iota3A_284, %broadcast_in_dim3A_325 : vector<16xi1>, vector<16xi32>
    %reduce_min3A_327 = arith.constant true
    %reduce_min3A_328 = vector.broadcast %reduce_min3A_327 : i1 to vector<16xi1>
    %reduce_min3A_329 = arith.constant -2147483648 : i32
    %reduce_min3A_330 = vector.broadcast %reduce_min3A_329 : i32 to vector<16xi32>
    %reduce_min3A_331 = arith.xori %select_n3A_326, %reduce_min3A_330 : vector<16xi32>
    %reduce_min3A_332 = tpu.scan <min>, %reduce_min3A_331 masked %reduce_min3A_328 : vector<16xi32>, vector<16xi1> -> vector<16xi32>
    %reduce_min3A_333 = arith.xori %reduce_min3A_332, %reduce_min3A_330 : vector<16xi32>
    %reduce_min3A_334 = vector.extract %reduce_min3A_333[15] : i32 from vector<16xi32>
    %eq3A_335 = vector.broadcast %reduce_min3A_334 : i32 to vector<16xi32>
    %eq3A_336 = arith.cmpi eq, %iota3A_284, %eq3A_335 : vector<16xi32>
    %sub3A_337 = arith.subi %add3A_320, %rev3A_310 : vector<16xi32>
    %jit3A_338 = arith.constant 0 : i32
    %broadcast_in_dim3A_339 = vector.broadcast %jit3A_338 : i32 to vector<16xi32>
    %select_n3A_340 = arith.select %eq3A_336, %sub3A_337, %broadcast_in_dim3A_339 : vector<16xi1>, vector<16xi32>
    %reduce_sum3A_341 = arith.constant true
    %reduce_sum3A_342 = vector.broadcast %reduce_sum3A_341 : i1 to vector<16xi1>
    %reduce_sum3A_343 = tpu.scan <sum>, %select_n3A_340 masked %reduce_sum3A_342 : vector<16xi32>, vector<16xi1> -> vector<16xi32>
    %reduce_sum3A_344 = vector.extract %reduce_sum3A_343[15] : i32 from vector<16xi32>
    %sub3A_345 = arith.constant 6144 : i32
    %sub3A_346 = arith.subi %sub3A_298, %sub3A_345 : i32
    %add3A_347 = arith.constant 256 : i32
    %add3A_348 = arith.addi %sub3A_346, %add3A_347 : i32
    %sub3A_349 = arith.constant 1 : i32
    %sub3A_350 = arith.subi %add3A_348, %sub3A_349 : i32
    %mul3A_351 = arith.constant 16 : i32
    %mul3A_352 = arith.muli %sub3A_305, %mul3A_351 : i32
    %add3A_353 = arith.addi %mul3A_352, %reduce_min3A_334 : i32
    %sub3A_354 = arith.subi %sub3A_350, %add3A_353 : i32
    %sub3A_355 = arith.constant 2048 : i32
    %sub3A_356 = arith.subi %sub3A_354, %sub3A_355 : i32
    %parallel_loop3A_357 = arith.constant 0 : i32
    %parallel_loop3A_358 = arith.constant 32768 : i32
    %parallel_loop3A_359 = arith.constant 16 : i32
    scf.for %parallel_loop3A_559 = %parallel_loop3A_357 to %parallel_loop3A_358 step %parallel_loop3A_359  : i32 {
      %parallel_loop3A_560 = arith.index_cast %parallel_loop3A_559 : i32 to index
      %parallel_loop3A_561 = tpu.vector_load %arg5[%parallel_loop3A_560] {strides = array<i32>} : memref<32768xf32, #tpu.memory_space<vmem>>, vector<16xf32>,
      %parallel_loop3A_562 = tpu.bitcast %parallel_loop3A_561 : vector<16xf32> -> vector<16xi32>
      %parallel_loop3A_563 = arith.constant 31 : i32
      %parallel_loop3A_564 = vector.broadcast %parallel_loop3A_563 : i32 to vector<16xi32>
      %parallel_loop3A_565 = arith.shrsi %parallel_loop3A_562, %parallel_loop3A_564 : vector<16xi32>
      %parallel_loop3A_566 = arith.constant 2147483647 : i32
      %parallel_loop3A_567 = vector.broadcast %parallel_loop3A_566 : i32 to vector<16xi32>
      %parallel_loop3A_568 = arith.andi %parallel_loop3A_565, %parallel_loop3A_567 : vector<16xi32>
      %parallel_loop3A_569 = arith.xori %parallel_loop3A_562, %parallel_loop3A_568 : vector<16xi32>
      %parallel_loop3A_570 = arith.constant 20 : i32
      %parallel_loop3A_571 = vector.broadcast %parallel_loop3A_570 : i32 to vector<16xi32>
      %parallel_loop3A_572 = arith.shrsi %parallel_loop3A_569, %parallel_loop3A_571 : vector<16xi32>
      %parallel_loop3A_573 = vector.broadcast %sub3A_356 : i32 to vector<16xi32>
      %parallel_loop3A_574 = arith.cmpi eq, %parallel_loop3A_572, %parallel_loop3A_573 : vector<16xi32>
      %parallel_loop3A_575 = arith.constant 10 : i32
      %parallel_loop3A_576 = vector.broadcast %parallel_loop3A_575 : i32 to vector<16xi32>
      %parallel_loop3A_577 = arith.shrsi %parallel_loop3A_569, %parallel_loop3A_576 : vector<16xi32>
      %parallel_loop3A_578 = arith.constant 1023 : i32
      %parallel_loop3A_579 = vector.broadcast %parallel_loop3A_578 : i32 to vector<16xi32>
      %parallel_loop3A_580 = arith.andi %parallel_loop3A_577, %parallel_loop3A_579 : vector<16xi32>
      %parallel_loop3A_581 = arith.constant 10240 : i32
      %parallel_loop3A_582 = vector.broadcast %parallel_loop3A_581 : i32 to vector<16xi32>
      %parallel_loop3A_583 = arith.addi %parallel_loop3A_580, %parallel_loop3A_582 : vector<16xi32>
      tpu.vector_store_idx %arg7[%parallel_loop3A_583], %broadcast_in_dim3A_286 masked %parallel_loop3A_574 {add = true} : memref<12288xi32, #tpu.memory_space<vmem>>[vector<16xi32>], vector<16xi32>, vector<16xi1>
    } {sc.loop_unroll_factor = 8 : i64, sc.parallel_access}
    %sub3A_360 = arith.constant 256 : i32
    %sub3A_361 = arith.subi %sub3A_360, %reduce_sum3A_344 : i32
    %while3A_362 = arith.constant 0 : i32
    %while3A_363 = arith.constant 0 : i32
    %while3A_364 = arith.constant 0 : i32
    %while3A_365:3 = scf.while (%while3A_559 = %while3A_362, %while3A_560 = %while3A_363, %while3A_561 = %while3A_364) : (i32, i32, i32) -> (i32, i32, i32) {
      %lt3A = arith.constant 4 : i32
      %lt3A_562 = arith.cmpi slt, %while3A_559, %lt3A : i32
      %lt3A_563 = arith.cmpi slt, %while3A_560, %sub3A_361 : i32
      %and3A_564 = arith.andi %lt3A_562, %lt3A_563 : i1
      scf.condition(%and3A_564) %while3A_559, %while3A_560, %while3A_561 : i32, i32, i32
    } do {
    ^bb0(%while3A_559: i32, %while3A_560: i32, %while3A_561: i32):
      %add3A_562 = arith.constant 1 : i32
      %add3A_563 = arith.addi %while3A_559, %add3A_562 : i32
      %mul3A_564 = arith.constant 256 : i32
      %mul3A_565 = arith.muli %add3A_563, %mul3A_564 : i32
      %sub3A_566 = arith.constant 11264 : i32
      %sub3A_567 = arith.subi %sub3A_566, %mul3A_565 : i32
      %get3A = arith.index_cast %sub3A_567 : i32 to index
      %get3A_568 = tpu.vector_load %arg7[%get3A] {strides = array<i32>} : memref<12288xi32, #tpu.memory_space<vmem>>, vector<16xi32>,
      %add3A_569 = arith.constant 16 : i32
      %add3A_570 = arith.addi %sub3A_567, %add3A_569 : i32
      %get3A_571 = arith.index_cast %add3A_570 : i32 to index
      %get3A_572 = tpu.vector_load %arg7[%get3A_571] {strides = array<i32>} : memref<12288xi32, #tpu.memory_space<vmem>>, vector<16xi32>,
      %add3A_573 = arith.addi %get3A_568, %get3A_572 : vector<16xi32>
      %add3A_574 = arith.constant 32 : i32
      %add3A_575 = arith.addi %sub3A_567, %add3A_574 : i32
      %get3A_576 = arith.index_cast %add3A_575 : i32 to index
      %get3A_577 = tpu.vector_load %arg7[%get3A_576] {strides = array<i32>} : memref<12288xi32, #tpu.memory_space<vmem>>, vector<16xi32>,
      %add3A_578 = arith.addi %add3A_573, %get3A_577 : vector<16xi32>
      %add3A_579 = arith.constant 48 : i32
      %add3A_580 = arith.addi %sub3A_567, %add3A_579 : i32
      %get3A_581 = arith.index_cast %add3A_580 : i32 to index
      %get3A_582 = tpu.vector_load %arg7[%get3A_581] {strides = array<i32>} : memref<12288xi32, #tpu.memory_space<vmem>>, vector<16xi32>,
      %add3A_583 = arith.addi %add3A_578, %get3A_582 : vector<16xi32>
      %add3A_584 = arith.constant 64 : i32
      %add3A_585 = arith.addi %sub3A_567, %add3A_584 : i32
      %get3A_586 = arith.index_cast %add3A_585 : i32 to index
      %get3A_587 = tpu.vector_load %arg7[%get3A_586] {strides = array<i32>} : memref<12288xi32, #tpu.memory_space<vmem>>, vector<16xi32>,
      %add3A_588 = arith.addi %add3A_583, %get3A_587 : vector<16xi32>
      %add3A_589 = arith.constant 80 : i32
      %add3A_590 = arith.addi %sub3A_567, %add3A_589 : i32
      %get3A_591 = arith.index_cast %add3A_590 : i32 to index
      %get3A_592 = tpu.vector_load %arg7[%get3A_591] {strides = array<i32>} : memref<12288xi32, #tpu.memory_space<vmem>>, vector<16xi32>,
      %add3A_593 = arith.addi %add3A_588, %get3A_592 : vector<16xi32>
      %add3A_594 = arith.constant 96 : i32
      %add3A_595 = arith.addi %sub3A_567, %add3A_594 : i32
      %get3A_596 = arith.index_cast %add3A_595 : i32 to index
      %get3A_597 = tpu.vector_load %arg7[%get3A_596] {strides = array<i32>} : memref<12288xi32, #tpu.memory_space<vmem>>, vector<16xi32>,
      %add3A_598 = arith.addi %add3A_593, %get3A_597 : vector<16xi32>
      %add3A_599 = arith.constant 112 : i32
      %add3A_600 = arith.addi %sub3A_567, %add3A_599 : i32
      %get3A_601 = arith.index_cast %add3A_600 : i32 to index
      %get3A_602 = tpu.vector_load %arg7[%get3A_601] {strides = array<i32>} : memref<12288xi32, #tpu.memory_space<vmem>>, vector<16xi32>,
      %add3A_603 = arith.addi %add3A_598, %get3A_602 : vector<16xi32>
      %add3A_604 = arith.constant 128 : i32
      %add3A_605 = arith.addi %sub3A_567, %add3A_604 : i32
      %get3A_606 = arith.index_cast %add3A_605 : i32 to index
      %get3A_607 = tpu.vector_load %arg7[%get3A_606] {strides = array<i32>} : memref<12288xi32, #tpu.memory_space<vmem>>, vector<16xi32>,
      %add3A_608 = arith.addi %add3A_603, %get3A_607 : vector<16xi32>
      %add3A_609 = arith.constant 144 : i32
      %add3A_610 = arith.addi %sub3A_567, %add3A_609 : i32
      %get3A_611 = arith.index_cast %add3A_610 : i32 to index
      %get3A_612 = tpu.vector_load %arg7[%get3A_611] {strides = array<i32>} : memref<12288xi32, #tpu.memory_space<vmem>>, vector<16xi32>,
      %add3A_613 = arith.addi %add3A_608, %get3A_612 : vector<16xi32>
      %add3A_614 = arith.constant 160 : i32
      %add3A_615 = arith.addi %sub3A_567, %add3A_614 : i32
      %get3A_616 = arith.index_cast %add3A_615 : i32 to index
      %get3A_617 = tpu.vector_load %arg7[%get3A_616] {strides = array<i32>} : memref<12288xi32, #tpu.memory_space<vmem>>, vector<16xi32>,
      %add3A_618 = arith.addi %add3A_613, %get3A_617 : vector<16xi32>
      %add3A_619 = arith.constant 176 : i32
      %add3A_620 = arith.addi %sub3A_567, %add3A_619 : i32
      %get3A_621 = arith.index_cast %add3A_620 : i32 to index
      %get3A_622 = tpu.vector_load %arg7[%get3A_621] {strides = array<i32>} : memref<12288xi32, #tpu.memory_space<vmem>>, vector<16xi32>,
      %add3A_623 = arith.addi %add3A_618, %get3A_622 : vector<16xi32>
      %add3A_624 = arith.constant 192 : i32
      %add3A_625 = arith.addi %sub3A_567, %add3A_624 : i32
      %get3A_626 = arith.index_cast %add3A_625 : i32 to index
      %get3A_627 = tpu.vector_load %arg7[%get3A_626] {strides = array<i32>} : memref<12288xi32, #tpu.memory_space<vmem>>, vector<16xi32>,
      %add3A_628 = arith.addi %add3A_623, %get3A_627 : vector<16xi32>
      %add3A_629 = arith.constant 208 : i32
      %add3A_630 = arith.addi %sub3A_567, %add3A_629 : i32
      %get3A_631 = arith.index_cast %add3A_630 : i32 to index
      %get3A_632 = tpu.vector_load %arg7[%get3A_631] {strides = array<i32>} : memref<12288xi32, #tpu.memory_space<vmem>>, vector<16xi32>,
      %add3A_633 = arith.addi %add3A_628, %get3A_632 : vector<16xi32>
      %add3A_634 = arith.constant 224 : i32
      %add3A_635 = arith.addi %sub3A_567, %add3A_634 : i32
      %get3A_636 = arith.index_cast %add3A_635 : i32 to index
      %get3A_637 = tpu.vector_load %arg7[%get3A_636] {strides = array<i32>} : memref<12288xi32, #tpu.memory_space<vmem>>, vector<16xi32>,
      %add3A_638 = arith.addi %add3A_633, %get3A_637 : vector<16xi32>
      %add3A_639 = arith.constant 240 : i32
      %add3A_640 = arith.addi %sub3A_567, %add3A_639 : i32
      %get3A_641 = arith.index_cast %add3A_640 : i32 to index
      %get3A_642 = tpu.vector_load %arg7[%get3A_641] {strides = array<i32>} : memref<12288xi32, #tpu.memory_space<vmem>>, vector<16xi32>,
      %add3A_643 = arith.addi %add3A_638, %get3A_642 : vector<16xi32>
      %add3A_644 = arith.constant 1 : i32
      %add3A_645 = arith.addi %while3A_559, %add3A_644 : i32
      %reduce_sum3A_646 = arith.constant true
      %reduce_sum3A_647 = vector.broadcast %reduce_sum3A_646 : i1 to vector<16xi1>
      %reduce_sum3A_648 = tpu.scan <sum>, %add3A_643 masked %reduce_sum3A_647 : vector<16xi32>, vector<16xi1> -> vector<16xi32>
      %reduce_sum3A_649 = vector.extract %reduce_sum3A_648[15] : i32 from vector<16xi32>
      %add3A_650 = arith.addi %while3A_560, %reduce_sum3A_649 : i32
      scf.yield %add3A_645, %add3A_650, %while3A_560 : i32, i32, i32
    }
    %mul3A_366 = arith.constant 256 : i32
    %mul3A_367 = arith.muli %while3A_365#0, %mul3A_366 : i32
    %sub3A_368 = arith.constant 11264 : i32
    %sub3A_369 = arith.subi %sub3A_368, %mul3A_367 : i32
    %broadcast_in_dim3A_370 = arith.constant 0 : i32
    %broadcast_in_dim3A_371 = vector.broadcast %broadcast_in_dim3A_370 : i32 to vector<16xi32>
    %while3A_372 = arith.constant 0 : i32
    %while3A_373:3 = scf.while (%while3A_559 = %while3A_372, %while3A_560 = %while3A_365#2, %while3A_561 = %broadcast_in_dim3A_371) : (i32, i32, vector<16xi32>) -> (i32, i32, vector<16xi32>) {
      %lt3A = arith.constant 16 : i32
      %lt3A_562 = arith.cmpi slt, %while3A_559, %lt3A : i32
      %lt3A_563 = arith.cmpi slt, %while3A_560, %sub3A_361 : i32
      %and3A_564 = arith.andi %lt3A_562, %lt3A_563 : i1
      scf.condition(%and3A_564) %while3A_559, %while3A_560, %while3A_561 : i32, i32, vector<16xi32>
    } do {
    ^bb0(%while3A_559: i32, %while3A_560: i32, %while3A_561: vector<16xi32>):
      %add3A_562 = arith.constant 256 : i32
      %add3A_563 = arith.addi %sub3A_369, %add3A_562 : i32
      %add3A_564 = arith.constant 1 : i32
      %add3A_565 = arith.addi %while3A_559, %add3A_564 : i32
      %mul3A_566 = arith.constant 16 : i32
      %mul3A_567 = arith.muli %add3A_565, %mul3A_566 : i32
      %sub3A_568 = arith.subi %add3A_563, %mul3A_567 : i32
      %get3A = arith.index_cast %sub3A_568 : i32 to index
      %get3A_569 = tpu.vector_load %arg7[%get3A] {strides = array<i32>} : memref<12288xi32, #tpu.memory_space<vmem>>, vector<16xi32>,
      %add3A_570 = arith.constant 1 : i32
      %add3A_571 = arith.addi %while3A_559, %add3A_570 : i32
      %reduce_sum3A_572 = arith.constant true
      %reduce_sum3A_573 = vector.broadcast %reduce_sum3A_572 : i1 to vector<16xi1>
      %reduce_sum3A_574 = tpu.scan <sum>, %get3A_569 masked %reduce_sum3A_573 : vector<16xi32>, vector<16xi1> -> vector<16xi32>
      %reduce_sum3A_575 = vector.extract %reduce_sum3A_574[15] : i32 from vector<16xi32>
      %add3A_576 = arith.addi %while3A_560, %reduce_sum3A_575 : i32
      scf.yield %add3A_571, %add3A_576, %get3A_569 : i32, i32, vector<16xi32>
    }
    %sub3A_374 = arith.constant 1 : i32
    %sub3A_375 = arith.subi %while3A_373#0, %sub3A_374 : i32
    %rev3A_376 = arith.constant 15 : i32
    %rev3A_377 = vector.broadcast %rev3A_376 : i32 to vector<16xi32>
    %rev3A_378 = tpu.iota {dimensions = array<i32: 0>} : vector<16xi32>
    %rev3A_379 = arith.subi %rev3A_377, %rev3A_378 : vector<16xi32>
    %rev3A_380 = tpu.dynamic_gather %while3A_373#2[%rev3A_379] in [0] : vector<16xi32>, vector<16xi32> -> vector<16xi32>
    %broadcast_in_dim3A_381 = arith.constant true
    %broadcast_in_dim3A_382 = vector.broadcast %broadcast_in_dim3A_381 : i1 to vector<16xi1>
    %masked_cumsum3A_383 = tpu.scan <sum>, %rev3A_380 masked %broadcast_in_dim3A_382 : vector<16xi32>, vector<16xi1> -> vector<16xi32>
    %reduce_sum3A_384 = arith.constant true
    %reduce_sum3A_385 = vector.broadcast %reduce_sum3A_384 : i1 to vector<16xi1>
    %reduce_sum3A_386 = tpu.scan <sum>, %rev3A_380 masked %reduce_sum3A_385 : vector<16xi32>, vector<16xi1> -> vector<16xi32>
    %reduce_sum3A_387 = vector.extract %reduce_sum3A_386[15] : i32 from vector<16xi32>
    %sub3A_388 = arith.subi %while3A_373#1, %reduce_sum3A_387 : i32
    %add3A_389 = vector.broadcast %sub3A_388 : i32 to vector<16xi32>
    %add3A_390 = arith.addi %masked_cumsum3A_383, %add3A_389 : vector<16xi32>
    %ge3A_391 = vector.broadcast %sub3A_361 : i32 to vector<16xi32>
    %ge3A_392 = arith.cmpi sge, %add3A_390, %ge3A_391 : vector<16xi32>
    %jit3A_393 = arith.constant 16 : i32
    %broadcast_in_dim3A_394 = vector.broadcast %jit3A_393 : i32 to vector<16xi32>
    %select_n3A_395 = arith.select %ge3A_392, %iota3A_284, %broadcast_in_dim3A_394 : vector<16xi1>, vector<16xi32>
    %reduce_min3A_396 = arith.constant true
    %reduce_min3A_397 = vector.broadcast %reduce_min3A_396 : i1 to vector<16xi1>
    %reduce_min3A_398 = arith.constant -2147483648 : i32
    %reduce_min3A_399 = vector.broadcast %reduce_min3A_398 : i32 to vector<16xi32>
    %reduce_min3A_400 = arith.xori %select_n3A_395, %reduce_min3A_399 : vector<16xi32>
    %reduce_min3A_401 = tpu.scan <min>, %reduce_min3A_400 masked %reduce_min3A_397 : vector<16xi32>, vector<16xi1> -> vector<16xi32>
    %reduce_min3A_402 = arith.xori %reduce_min3A_401, %reduce_min3A_399 : vector<16xi32>
    %reduce_min3A_403 = vector.extract %reduce_min3A_402[15] : i32 from vector<16xi32>
    %eq3A_404 = vector.broadcast %reduce_min3A_403 : i32 to vector<16xi32>
    %eq3A_405 = arith.cmpi eq, %iota3A_284, %eq3A_404 : vector<16xi32>
    %sub3A_406 = arith.subi %add3A_390, %rev3A_380 : vector<16xi32>
    %jit3A_407 = arith.constant 0 : i32
    %broadcast_in_dim3A_408 = vector.broadcast %jit3A_407 : i32 to vector<16xi32>
    %select_n3A_409 = arith.select %eq3A_405, %sub3A_406, %broadcast_in_dim3A_408 : vector<16xi1>, vector<16xi32>
    %reduce_sum3A_410 = arith.constant true
    %reduce_sum3A_411 = vector.broadcast %reduce_sum3A_410 : i1 to vector<16xi1>
    %reduce_sum3A_412 = tpu.scan <sum>, %select_n3A_409 masked %reduce_sum3A_411 : vector<16xi32>, vector<16xi1> -> vector<16xi32>
    %reduce_sum3A_413 = vector.extract %reduce_sum3A_412[15] : i32 from vector<16xi32>
    %sub3A_414 = arith.constant 10240 : i32
    %sub3A_415 = arith.subi %sub3A_369, %sub3A_414 : i32
    %add3A_416 = arith.constant 256 : i32
    %add3A_417 = arith.addi %sub3A_415, %add3A_416 : i32
    %sub3A_418 = arith.constant 1 : i32
    %sub3A_419 = arith.subi %add3A_417, %sub3A_418 : i32
    %mul3A_420 = arith.constant 16 : i32
    %mul3A_421 = arith.muli %sub3A_375, %mul3A_420 : i32
    %add3A_422 = arith.addi %mul3A_421, %reduce_min3A_403 : i32
    %sub3A_423 = arith.subi %sub3A_419, %add3A_422 : i32
    %shift_left3A_424 = arith.constant 10 : i32
    %shift_left3A_425 = arith.shli %sub3A_356, %shift_left3A_424 : i32
    %or3A_426 = arith.ori %shift_left3A_425, %sub3A_423 : i32
    %broadcast_in_dim3A_427 = arith.constant 0 : i32
    %broadcast_in_dim3A_428 = vector.broadcast %broadcast_in_dim3A_427 : i32 to vector<16xi32>
    %parallel_loop3A_429 = arith.constant 0 : i32
    %parallel_loop3A_430 = arith.constant 32768 : i32
    %parallel_loop3A_431 = arith.constant 16 : i32
    %parallel_loop3A_432 = scf.for %parallel_loop3A_559 = %parallel_loop3A_429 to %parallel_loop3A_430 step %parallel_loop3A_431 iter_args(%parallel_loop3A_560 = %broadcast_in_dim3A_428) -> (vector<16xi32>)  : i32 {
      %parallel_loop3A_561 = arith.index_cast %parallel_loop3A_559 : i32 to index
      %parallel_loop3A_562 = tpu.vector_load %arg5[%parallel_loop3A_561] {strides = array<i32>} : memref<32768xf32, #tpu.memory_space<vmem>>, vector<16xf32>,
      %parallel_loop3A_563 = tpu.bitcast %parallel_loop3A_562 : vector<16xf32> -> vector<16xi32>
      %parallel_loop3A_564 = arith.constant 31 : i32
      %parallel_loop3A_565 = vector.broadcast %parallel_loop3A_564 : i32 to vector<16xi32>
      %parallel_loop3A_566 = arith.shrsi %parallel_loop3A_563, %parallel_loop3A_565 : vector<16xi32>
      %parallel_loop3A_567 = arith.constant 2147483647 : i32
      %parallel_loop3A_568 = vector.broadcast %parallel_loop3A_567 : i32 to vector<16xi32>
      %parallel_loop3A_569 = arith.andi %parallel_loop3A_566, %parallel_loop3A_568 : vector<16xi32>
      %parallel_loop3A_570 = arith.xori %parallel_loop3A_563, %parallel_loop3A_569 : vector<16xi32>
      %parallel_loop3A_571 = arith.constant 10 : i32
      %parallel_loop3A_572 = vector.broadcast %parallel_loop3A_571 : i32 to vector<16xi32>
      %parallel_loop3A_573 = arith.shrsi %parallel_loop3A_570, %parallel_loop3A_572 : vector<16xi32>
      %parallel_loop3A_574 = vector.broadcast %or3A_426 : i32 to vector<16xi32>
      %parallel_loop3A_575 = arith.cmpi eq, %parallel_loop3A_573, %parallel_loop3A_574 : vector<16xi32>
      %parallel_loop3A_576 = arith.constant 1023 : i32
      %parallel_loop3A_577 = vector.broadcast %parallel_loop3A_576 : i32 to vector<16xi32>
      %parallel_loop3A_578 = arith.andi %parallel_loop3A_570, %parallel_loop3A_577 : vector<16xi32>
      %parallel_loop3A_579 = arith.constant 11264 : i32
      %parallel_loop3A_580 = vector.broadcast %parallel_loop3A_579 : i32 to vector<16xi32>
      %parallel_loop3A_581 = arith.addi %parallel_loop3A_578, %parallel_loop3A_580 : vector<16xi32>
      tpu.vector_store_idx %arg7[%parallel_loop3A_581], %broadcast_in_dim3A_286 masked %parallel_loop3A_575 {add = true} : memref<12288xi32, #tpu.memory_space<vmem>>[vector<16xi32>], vector<16xi32>, vector<16xi1>
      %parallel_loop3A_582 = arith.extui %parallel_loop3A_575 : vector<16xi1> to vector<16xi32>
      %parallel_loop3A_583 = arith.constant true
      %parallel_loop3A_584 = vector.broadcast %parallel_loop3A_583 : i1 to vector<16xi1>
      %parallel_loop3A_585 = tpu.scan <sum>, %parallel_loop3A_582 masked %parallel_loop3A_584 : vector<16xi32>, vector<16xi1> -> vector<16xi32>
      %parallel_loop3A_586 = arith.addi %parallel_loop3A_560, %parallel_loop3A_585 : vector<16xi32>
      %parallel_loop3A_587 = arith.constant 1 : i32
      %parallel_loop3A_588 = vector.broadcast %parallel_loop3A_587 : i32 to vector<16xi32>
      %parallel_loop3A_589 = arith.subi %parallel_loop3A_586, %parallel_loop3A_588 : vector<16xi32>
      %parallel_loop3A_590 = vector.broadcast %parallel_loop3A_559 : i32 to vector<16xi32>
      %parallel_loop3A_591 = arith.addi %parallel_loop3A_590, %iota3A_284 : vector<16xi32>
      tpu.vector_store_idx %arg6[%parallel_loop3A_589], %parallel_loop3A_591 masked %parallel_loop3A_575 : memref<32768xi32, #tpu.memory_space<vmem>>[vector<16xi32>], vector<16xi32>, vector<16xi1>
      %parallel_loop3A_592 = vector.broadcast %or3A_426 : i32 to vector<16xi32>
      %parallel_loop3A_593 = arith.cmpi sge, %parallel_loop3A_573, %parallel_loop3A_592 : vector<16xi32>
      %parallel_loop3A_594 = arith.constant 0.000000e+00 : f32
      %parallel_loop3A_595 = vector.broadcast %parallel_loop3A_594 : f32 to vector<16xf32>
      %parallel_loop3A_596 = arith.select %parallel_loop3A_593, %parallel_loop3A_562, %parallel_loop3A_595 : vector<16xi1>, vector<16xf32>
      %parallel_loop3A_597 = arith.index_cast %parallel_loop3A_559 : i32 to index
      %parallel_loop3A_598 = tpu.vector_load %arg5[%parallel_loop3A_597] {strides = array<i32>} : memref<32768xf32, #tpu.memory_space<vmem>>, vector<16xf32>,
      tpu.vector_store %arg5[%parallel_loop3A_597], %parallel_loop3A_596 {strides = array<i32>} : memref<32768xf32, #tpu.memory_space<vmem>>, vector<16xf32>,
      %parallel_loop3A_599 = tpu.all_reduce %parallel_loop3A_575 {dim = 0 : i64, kind = #tpu.reduction_kind<sum>} : vector<16xi1> -> vector<16xi32>
      %parallel_loop3A_600 = arith.addi %parallel_loop3A_560, %parallel_loop3A_599 : vector<16xi32>
      scf.yield %parallel_loop3A_600 : vector<16xi32>
    } {sc.loop_unroll_factor = 8 : i64, sc.parallel_access}
    %reduce_max3A_433 = arith.constant true
    %reduce_max3A_434 = vector.broadcast %reduce_max3A_433 : i1 to vector<16xi1>
    %reduce_max3A_435 = arith.constant -2147483648 : i32
    %reduce_max3A_436 = vector.broadcast %reduce_max3A_435 : i32 to vector<16xi32>
    %reduce_max3A_437 = arith.xori %parallel_loop3A_432, %reduce_max3A_436 : vector<16xi32>
    %reduce_max3A_438 = tpu.scan <max>, %reduce_max3A_437 masked %reduce_max3A_434 : vector<16xi32>, vector<16xi1> -> vector<16xi32>
    %reduce_max3A_439 = arith.xori %reduce_max3A_438, %reduce_max3A_436 : vector<16xi32>
    %reduce_max3A_440 = vector.extract %reduce_max3A_439[15] : i32 from vector<16xi32>
    %sub3A_441 = arith.subi %sub3A_361, %reduce_sum3A_413 : i32
    %while3A_442 = arith.constant 0 : i32
    %while3A_443 = arith.constant 0 : i32
    %while3A_444 = arith.constant 0 : i32
    %while3A_445:3 = scf.while (%while3A_559 = %while3A_442, %while3A_560 = %while3A_443, %while3A_561 = %while3A_444) : (i32, i32, i32) -> (i32, i32, i32) {
      %lt3A = arith.constant 4 : i32
      %lt3A_562 = arith.cmpi slt, %while3A_559, %lt3A : i32
      %lt3A_563 = arith.cmpi slt, %while3A_560, %sub3A_441 : i32
      %and3A_564 = arith.andi %lt3A_562, %lt3A_563 : i1
      scf.condition(%and3A_564) %while3A_559, %while3A_560, %while3A_561 : i32, i32, i32
    } do {
    ^bb0(%while3A_559: i32, %while3A_560: i32, %while3A_561: i32):
      %add3A_562 = arith.constant 1 : i32
      %add3A_563 = arith.addi %while3A_559, %add3A_562 : i32
      %mul3A_564 = arith.constant 256 : i32
      %mul3A_565 = arith.muli %add3A_563, %mul3A_564 : i32
      %sub3A_566 = arith.constant 12288 : i32
      %sub3A_567 = arith.subi %sub3A_566, %mul3A_565 : i32
      %get3A = arith.index_cast %sub3A_567 : i32 to index
      %get3A_568 = tpu.vector_load %arg7[%get3A] {strides = array<i32>} : memref<12288xi32, #tpu.memory_space<vmem>>, vector<16xi32>,
      %add3A_569 = arith.constant 16 : i32
      %add3A_570 = arith.addi %sub3A_567, %add3A_569 : i32
      %get3A_571 = arith.index_cast %add3A_570 : i32 to index
      %get3A_572 = tpu.vector_load %arg7[%get3A_571] {strides = array<i32>} : memref<12288xi32, #tpu.memory_space<vmem>>, vector<16xi32>,
      %add3A_573 = arith.addi %get3A_568, %get3A_572 : vector<16xi32>
      %add3A_574 = arith.constant 32 : i32
      %add3A_575 = arith.addi %sub3A_567, %add3A_574 : i32
      %get3A_576 = arith.index_cast %add3A_575 : i32 to index
      %get3A_577 = tpu.vector_load %arg7[%get3A_576] {strides = array<i32>} : memref<12288xi32, #tpu.memory_space<vmem>>, vector<16xi32>,
      %add3A_578 = arith.addi %add3A_573, %get3A_577 : vector<16xi32>
      %add3A_579 = arith.constant 48 : i32
      %add3A_580 = arith.addi %sub3A_567, %add3A_579 : i32
      %get3A_581 = arith.index_cast %add3A_580 : i32 to index
      %get3A_582 = tpu.vector_load %arg7[%get3A_581] {strides = array<i32>} : memref<12288xi32, #tpu.memory_space<vmem>>, vector<16xi32>,
      %add3A_583 = arith.addi %add3A_578, %get3A_582 : vector<16xi32>
      %add3A_584 = arith.constant 64 : i32
      %add3A_585 = arith.addi %sub3A_567, %add3A_584 : i32
      %get3A_586 = arith.index_cast %add3A_585 : i32 to index
      %get3A_587 = tpu.vector_load %arg7[%get3A_586] {strides = array<i32>} : memref<12288xi32, #tpu.memory_space<vmem>>, vector<16xi32>,
      %add3A_588 = arith.addi %add3A_583, %get3A_587 : vector<16xi32>
      %add3A_589 = arith.constant 80 : i32
      %add3A_590 = arith.addi %sub3A_567, %add3A_589 : i32
      %get3A_591 = arith.index_cast %add3A_590 : i32 to index
      %get3A_592 = tpu.vector_load %arg7[%get3A_591] {strides = array<i32>} : memref<12288xi32, #tpu.memory_space<vmem>>, vector<16xi32>,
      %add3A_593 = arith.addi %add3A_588, %get3A_592 : vector<16xi32>
      %add3A_594 = arith.constant 96 : i32
      %add3A_595 = arith.addi %sub3A_567, %add3A_594 : i32
      %get3A_596 = arith.index_cast %add3A_595 : i32 to index
      %get3A_597 = tpu.vector_load %arg7[%get3A_596] {strides = array<i32>} : memref<12288xi32, #tpu.memory_space<vmem>>, vector<16xi32>,
      %add3A_598 = arith.addi %add3A_593, %get3A_597 : vector<16xi32>
      %add3A_599 = arith.constant 112 : i32
      %add3A_600 = arith.addi %sub3A_567, %add3A_599 : i32
      %get3A_601 = arith.index_cast %add3A_600 : i32 to index
      %get3A_602 = tpu.vector_load %arg7[%get3A_601] {strides = array<i32>} : memref<12288xi32, #tpu.memory_space<vmem>>, vector<16xi32>,
      %add3A_603 = arith.addi %add3A_598, %get3A_602 : vector<16xi32>
      %add3A_604 = arith.constant 128 : i32
      %add3A_605 = arith.addi %sub3A_567, %add3A_604 : i32
      %get3A_606 = arith.index_cast %add3A_605 : i32 to index
      %get3A_607 = tpu.vector_load %arg7[%get3A_606] {strides = array<i32>} : memref<12288xi32, #tpu.memory_space<vmem>>, vector<16xi32>,
      %add3A_608 = arith.addi %add3A_603, %get3A_607 : vector<16xi32>
      %add3A_609 = arith.constant 144 : i32
      %add3A_610 = arith.addi %sub3A_567, %add3A_609 : i32
      %get3A_611 = arith.index_cast %add3A_610 : i32 to index
      %get3A_612 = tpu.vector_load %arg7[%get3A_611] {strides = array<i32>} : memref<12288xi32, #tpu.memory_space<vmem>>, vector<16xi32>,
      %add3A_613 = arith.addi %add3A_608, %get3A_612 : vector<16xi32>
      %add3A_614 = arith.constant 160 : i32
      %add3A_615 = arith.addi %sub3A_567, %add3A_614 : i32
      %get3A_616 = arith.index_cast %add3A_615 : i32 to index
      %get3A_617 = tpu.vector_load %arg7[%get3A_616] {strides = array<i32>} : memref<12288xi32, #tpu.memory_space<vmem>>, vector<16xi32>,
      %add3A_618 = arith.addi %add3A_613, %get3A_617 : vector<16xi32>
      %add3A_619 = arith.constant 176 : i32
      %add3A_620 = arith.addi %sub3A_567, %add3A_619 : i32
      %get3A_621 = arith.index_cast %add3A_620 : i32 to index
      %get3A_622 = tpu.vector_load %arg7[%get3A_621] {strides = array<i32>} : memref<12288xi32, #tpu.memory_space<vmem>>, vector<16xi32>,
      %add3A_623 = arith.addi %add3A_618, %get3A_622 : vector<16xi32>
      %add3A_624 = arith.constant 192 : i32
      %add3A_625 = arith.addi %sub3A_567, %add3A_624 : i32
      %get3A_626 = arith.index_cast %add3A_625 : i32 to index
      %get3A_627 = tpu.vector_load %arg7[%get3A_626] {strides = array<i32>} : memref<12288xi32, #tpu.memory_space<vmem>>, vector<16xi32>,
      %add3A_628 = arith.addi %add3A_623, %get3A_627 : vector<16xi32>
      %add3A_629 = arith.constant 208 : i32
      %add3A_630 = arith.addi %sub3A_567, %add3A_629 : i32
      %get3A_631 = arith.index_cast %add3A_630 : i32 to index
      %get3A_632 = tpu.vector_load %arg7[%get3A_631] {strides = array<i32>} : memref<12288xi32, #tpu.memory_space<vmem>>, vector<16xi32>,
      %add3A_633 = arith.addi %add3A_628, %get3A_632 : vector<16xi32>
      %add3A_634 = arith.constant 224 : i32
      %add3A_635 = arith.addi %sub3A_567, %add3A_634 : i32
      %get3A_636 = arith.index_cast %add3A_635 : i32 to index
      %get3A_637 = tpu.vector_load %arg7[%get3A_636] {strides = array<i32>} : memref<12288xi32, #tpu.memory_space<vmem>>, vector<16xi32>,
      %add3A_638 = arith.addi %add3A_633, %get3A_637 : vector<16xi32>
      %add3A_639 = arith.constant 240 : i32
      %add3A_640 = arith.addi %sub3A_567, %add3A_639 : i32
      %get3A_641 = arith.index_cast %add3A_640 : i32 to index
      %get3A_642 = tpu.vector_load %arg7[%get3A_641] {strides = array<i32>} : memref<12288xi32, #tpu.memory_space<vmem>>, vector<16xi32>,
      %add3A_643 = arith.addi %add3A_638, %get3A_642 : vector<16xi32>
      %add3A_644 = arith.constant 1 : i32
      %add3A_645 = arith.addi %while3A_559, %add3A_644 : i32
      %reduce_sum3A_646 = arith.constant true
      %reduce_sum3A_647 = vector.broadcast %reduce_sum3A_646 : i1 to vector<16xi1>
      %reduce_sum3A_648 = tpu.scan <sum>, %add3A_643 masked %reduce_sum3A_647 : vector<16xi32>, vector<16xi1> -> vector<16xi32>
      %reduce_sum3A_649 = vector.extract %reduce_sum3A_648[15] : i32 from vector<16xi32>
      %add3A_650 = arith.addi %while3A_560, %reduce_sum3A_649 : i32
      scf.yield %add3A_645, %add3A_650, %while3A_560 : i32, i32, i32
    }
    %mul3A_446 = arith.constant 256 : i32
    %mul3A_447 = arith.muli %while3A_445#0, %mul3A_446 : i32
    %sub3A_448 = arith.constant 12288 : i32
    %sub3A_449 = arith.subi %sub3A_448, %mul3A_447 : i32
    %broadcast_in_dim3A_450 = arith.constant 0 : i32
    %broadcast_in_dim3A_451 = vector.broadcast %broadcast_in_dim3A_450 : i32 to vector<16xi32>
    %while3A_452 = arith.constant 0 : i32
    %while3A_453:3 = scf.while (%while3A_559 = %while3A_452, %while3A_560 = %while3A_445#2, %while3A_561 = %broadcast_in_dim3A_451) : (i32, i32, vector<16xi32>) -> (i32, i32, vector<16xi32>) {
      %lt3A = arith.constant 16 : i32
      %lt3A_562 = arith.cmpi slt, %while3A_559, %lt3A : i32
      %lt3A_563 = arith.cmpi slt, %while3A_560, %sub3A_441 : i32
      %and3A_564 = arith.andi %lt3A_562, %lt3A_563 : i1
      scf.condition(%and3A_564) %while3A_559, %while3A_560, %while3A_561 : i32, i32, vector<16xi32>
    } do {
    ^bb0(%while3A_559: i32, %while3A_560: i32, %while3A_561: vector<16xi32>):
      %add3A_562 = arith.constant 256 : i32
      %add3A_563 = arith.addi %sub3A_449, %add3A_562 : i32
      %add3A_564 = arith.constant 1 : i32
      %add3A_565 = arith.addi %while3A_559, %add3A_564 : i32
      %mul3A_566 = arith.constant 16 : i32
      %mul3A_567 = arith.muli %add3A_565, %mul3A_566 : i32
      %sub3A_568 = arith.subi %add3A_563, %mul3A_567 : i32
      %get3A = arith.index_cast %sub3A_568 : i32 to index
      %get3A_569 = tpu.vector_load %arg7[%get3A] {strides = array<i32>} : memref<12288xi32, #tpu.memory_space<vmem>>, vector<16xi32>,
      %add3A_570 = arith.constant 1 : i32
      %add3A_571 = arith.addi %while3A_559, %add3A_570 : i32
      %reduce_sum3A_572 = arith.constant true
      %reduce_sum3A_573 = vector.broadcast %reduce_sum3A_572 : i1 to vector<16xi1>
      %reduce_sum3A_574 = tpu.scan <sum>, %get3A_569 masked %reduce_sum3A_573 : vector<16xi32>, vector<16xi1> -> vector<16xi32>
      %reduce_sum3A_575 = vector.extract %reduce_sum3A_574[15] : i32 from vector<16xi32>
      %add3A_576 = arith.addi %while3A_560, %reduce_sum3A_575 : i32
      scf.yield %add3A_571, %add3A_576, %get3A_569 : i32, i32, vector<16xi32>
    }
    %sub3A_454 = arith.constant 1 : i32
    %sub3A_455 = arith.subi %while3A_453#0, %sub3A_454 : i32
    %rev3A_456 = arith.constant 15 : i32
    %rev3A_457 = vector.broadcast %rev3A_456 : i32 to vector<16xi32>
    %rev3A_458 = tpu.iota {dimensions = array<i32: 0>} : vector<16xi32>
    %rev3A_459 = arith.subi %rev3A_457, %rev3A_458 : vector<16xi32>
    %rev3A_460 = tpu.dynamic_gather %while3A_453#2[%rev3A_459] in [0] : vector<16xi32>, vector<16xi32> -> vector<16xi32>
    %broadcast_in_dim3A_461 = arith.constant true
    %broadcast_in_dim3A_462 = vector.broadcast %broadcast_in_dim3A_461 : i1 to vector<16xi1>
    %masked_cumsum3A_463 = tpu.scan <sum>, %rev3A_460 masked %broadcast_in_dim3A_462 : vector<16xi32>, vector<16xi1> -> vector<16xi32>
    %reduce_sum3A_464 = arith.constant true
    %reduce_sum3A_465 = vector.broadcast %reduce_sum3A_464 : i1 to vector<16xi1>
    %reduce_sum3A_466 = tpu.scan <sum>, %rev3A_460 masked %reduce_sum3A_465 : vector<16xi32>, vector<16xi1> -> vector<16xi32>
    %reduce_sum3A_467 = vector.extract %reduce_sum3A_466[15] : i32 from vector<16xi32>
    %sub3A_468 = arith.subi %while3A_453#1, %reduce_sum3A_467 : i32
    %add3A_469 = vector.broadcast %sub3A_468 : i32 to vector<16xi32>
    %add3A_470 = arith.addi %masked_cumsum3A_463, %add3A_469 : vector<16xi32>
    %ge3A_471 = vector.broadcast %sub3A_441 : i32 to vector<16xi32>
    %ge3A_472 = arith.cmpi sge, %add3A_470, %ge3A_471 : vector<16xi32>
    %jit3A_473 = arith.constant 16 : i32
    %broadcast_in_dim3A_474 = vector.broadcast %jit3A_473 : i32 to vector<16xi32>
    %select_n3A_475 = arith.select %ge3A_472, %iota3A_284, %broadcast_in_dim3A_474 : vector<16xi1>, vector<16xi32>
    %reduce_min3A_476 = arith.constant true
    %reduce_min3A_477 = vector.broadcast %reduce_min3A_476 : i1 to vector<16xi1>
    %reduce_min3A_478 = arith.constant -2147483648 : i32
    %reduce_min3A_479 = vector.broadcast %reduce_min3A_478 : i32 to vector<16xi32>
    %reduce_min3A_480 = arith.xori %select_n3A_475, %reduce_min3A_479 : vector<16xi32>
    %reduce_min3A_481 = tpu.scan <min>, %reduce_min3A_480 masked %reduce_min3A_477 : vector<16xi32>, vector<16xi1> -> vector<16xi32>
    %reduce_min3A_482 = arith.xori %reduce_min3A_481, %reduce_min3A_479 : vector<16xi32>
    %reduce_min3A_483 = vector.extract %reduce_min3A_482[15] : i32 from vector<16xi32>
    %eq3A_484 = vector.broadcast %reduce_min3A_483 : i32 to vector<16xi32>
    %eq3A_485 = arith.cmpi eq, %iota3A_284, %eq3A_484 : vector<16xi32>
    %sub3A_486 = arith.subi %add3A_470, %rev3A_460 : vector<16xi32>
    %jit3A_487 = arith.constant 0 : i32
    %broadcast_in_dim3A_488 = vector.broadcast %jit3A_487 : i32 to vector<16xi32>
    %select_n3A_489 = arith.select %eq3A_485, %sub3A_486, %broadcast_in_dim3A_488 : vector<16xi1>, vector<16xi32>
    %reduce_sum3A_490 = arith.constant true
    %reduce_sum3A_491 = vector.broadcast %reduce_sum3A_490 : i1 to vector<16xi1>
    %reduce_sum3A_492 = tpu.scan <sum>, %select_n3A_489 masked %reduce_sum3A_491 : vector<16xi32>, vector<16xi1> -> vector<16xi32>
    %reduce_sum3A_493 = vector.extract %reduce_sum3A_492[15] : i32 from vector<16xi32>
    %sub3A_494 = arith.constant 11264 : i32
    %sub3A_495 = arith.subi %sub3A_449, %sub3A_494 : i32
    %add3A_496 = arith.constant 256 : i32
    %add3A_497 = arith.addi %sub3A_495, %add3A_496 : i32
    %sub3A_498 = arith.constant 1 : i32
    %sub3A_499 = arith.subi %add3A_497, %sub3A_498 : i32
    %mul3A_500 = arith.constant 16 : i32
    %mul3A_501 = arith.muli %sub3A_455, %mul3A_500 : i32
    %add3A_502 = arith.addi %mul3A_501, %reduce_min3A_483 : i32
    %sub3A_503 = arith.subi %sub3A_499, %add3A_502 : i32
    %shift_left3A_504 = arith.constant 10 : i32
    %shift_left3A_505 = arith.shli %or3A_426, %shift_left3A_504 : i32
    %or3A_506 = arith.ori %shift_left3A_505, %sub3A_503 : i32
    %sub3A_507 = arith.subi %sub3A_441, %reduce_sum3A_493 : i32
    %broadcast_in_dim3A_508 = arith.constant 0.000000e+00 : f32
    %broadcast_in_dim3A_509 = vector.broadcast %broadcast_in_dim3A_508 : f32 to vector<16xf32>
    %add3A_510 = arith.constant 16 : i32
    %add3A_511 = arith.addi %reduce_max3A_440, %add3A_510 : i32
    %sub3A_512 = arith.constant 1 : i32
    %sub3A_513 = arith.subi %add3A_511, %sub3A_512 : i32
    %jit3A_514 = arith.constant 16 : i32
    %div3A_515 = arith.divsi %sub3A_513, %jit3A_514 : i32
    %sign3A_516 = arith.constant 0 : i32
    %sign3A_517 = arith.cmpi sgt, %sub3A_513, %sign3A_516 : i32
    %sign3A_518 = arith.extui %sign3A_517 : i1 to i32
    %sign3A_519 = arith.constant 0 : i32
    %sign3A_520 = arith.cmpi slt, %sub3A_513, %sign3A_519 : i32
    %sign3A_521 = arith.extui %sign3A_520 : i1 to i32
    %sign3A_522 = arith.subi %sign3A_518, %sign3A_521 : i32
    %sign3A_523 = arith.constant 0 : i32
    %sign3A_524 = arith.cmpi sgt, %jit3A_514, %sign3A_523 : i32
    %sign3A_525 = arith.extui %sign3A_524 : i1 to i32
    %sign3A_526 = arith.constant 0 : i32
    %sign3A_527 = arith.cmpi slt, %jit3A_514, %sign3A_526 : i32
    %sign3A_528 = arith.extui %sign3A_527 : i1 to i32
    %sign3A_529 = arith.subi %sign3A_525, %sign3A_528 : i32
    %ne3A_530 = arith.cmpi ne, %sign3A_522, %sign3A_529 : i32
    %rem3A_531 = arith.remsi %sub3A_513, %jit3A_514 : i32
    %ne3A_532 = arith.constant 0 : i32
    %ne3A_533 = arith.cmpi ne, %rem3A_531, %ne3A_532 : i32
    %and3A_534 = arith.andi %ne3A_530, %ne3A_533 : i1
    %sub3A_535 = arith.constant 1 : i32
    %sub3A_536 = arith.subi %div3A_515, %sub3A_535 : i32
    %select_n3A_537 = arith.select %and3A_534, %sub3A_536, %div3A_515 : i32
    %broadcast_in_dim3A_538 = arith.constant 0 : i32
    %broadcast_in_dim3A_539 = vector.broadcast %broadcast_in_dim3A_538 : i32 to vector<16xi32>
    %while3A_540 = arith.constant 0 : i32
    %while3A_541 = arith.subi %select_n3A_537, %while3A_540 : i32
    %while3A_542 = arith.addi %while3A_540, %while3A_541 : i32
    %while3A_543 = arith.constant 1 : i32
    %while3A_544 = arith.divsi %while3A_541, %while3A_543 : i32
    %while3A_545 = arith.muli %while3A_544, %while3A_543 : i32
    %while3A_546 = arith.addi %while3A_540, %while3A_545 : i32
    %while3A_547 = arith.constant 1 : i32
    %while3A_548 = scf.for %while3A_559 = %while3A_540 to %while3A_546 step %while3A_547 iter_args(%while3A_560 = %broadcast_in_dim3A_539) -> (vector<16xi32>)  : i32 {
      %mul3A_561 = arith.constant 16 : i32
      %mul3A_562 = arith.muli %while3A_559, %mul3A_561 : i32
      %get3A = arith.index_cast %mul3A_562 : i32 to index
      %get3A_563 = tpu.vector_load %arg6[%get3A] {strides = array<i32>} : memref<32768xi32, #tpu.memory_space<vmem>>, vector<16xi32>,
      %mul3A_564 = arith.constant 16 : i32
      %mul3A_565 = arith.muli %while3A_559, %mul3A_564 : i32
      %add3A_566 = vector.broadcast %mul3A_565 : i32 to vector<16xi32>
      %add3A_567 = arith.addi %add3A_566, %iota3A_284 : vector<16xi32>
      %lt3A = vector.broadcast %reduce_max3A_440 : i32 to vector<16xi32>
      %lt3A_568 = arith.cmpi slt, %add3A_567, %lt3A : vector<16xi32>
      %gather3A = tpu.vector_load_idx %arg5[%get3A_563] masked %lt3A_568 : memref<32768xf32, #tpu.memory_space<vmem>>[vector<16xi32>], vector<16xf32>, vector<16xi1>
      %bitcast_convert_type3A = tpu.bitcast %gather3A : vector<16xf32> -> vector<16xi32>
      %shift_right_arithmetic3A = arith.constant 31 : i32
      %shift_right_arithmetic3A_569 = vector.broadcast %shift_right_arithmetic3A : i32 to vector<16xi32>
      %shift_right_arithmetic3A_570 = arith.shrsi %bitcast_convert_type3A, %shift_right_arithmetic3A_569 : vector<16xi32>
      %and3A_571 = arith.constant 2147483647 : i32
      %and3A_572 = vector.broadcast %and3A_571 : i32 to vector<16xi32>
      %and3A_573 = arith.andi %shift_right_arithmetic3A_570, %and3A_572 : vector<16xi32>
      %xor3A = arith.xori %bitcast_convert_type3A, %and3A_573 : vector<16xi32>
      %eq3A_574 = vector.broadcast %or3A_506 : i32 to vector<16xi32>
      %eq3A_575 = arith.cmpi eq, %xor3A, %eq3A_574 : vector<16xi32>
      %and3A_576 = arith.andi %lt3A_568, %eq3A_575 : vector<16xi1>
      %convert_element_type3A = arith.extui %and3A_576 : vector<16xi1> to vector<16xi32>
      %broadcast_in_dim3A_577 = arith.constant true
      %broadcast_in_dim3A_578 = vector.broadcast %broadcast_in_dim3A_577 : i1 to vector<16xi1>
      %masked_cumsum3A_579 = tpu.scan <sum>, %convert_element_type3A masked %broadcast_in_dim3A_578 : vector<16xi32>, vector<16xi1> -> vector<16xi32>
      %add3A_580 = arith.addi %while3A_560, %masked_cumsum3A_579 : vector<16xi32>
      %le3A = vector.broadcast %sub3A_507 : i32 to vector<16xi32>
      %le3A_581 = arith.cmpi sle, %add3A_580, %le3A : vector<16xi32>
      %and3A_582 = arith.andi %and3A_576, %le3A_581 : vector<16xi1>
      %gt3A = vector.broadcast %or3A_506 : i32 to vector<16xi32>
      %gt3A_583 = arith.cmpi sgt, %xor3A, %gt3A : vector<16xi32>
      %or3A_584 = arith.ori %gt3A_583, %and3A_582 : vector<16xi1>
      %not3A = arith.constant dense<true> : vector<16xi1>
      %not3A_585 = arith.xori %or3A_584, %not3A : vector<16xi1>
      %and3A_586 = arith.andi %lt3A_568, %not3A_585 : vector<16xi1>
      tpu.vector_store_idx %arg5[%get3A_563], %broadcast_in_dim3A_509 masked %and3A_586 : memref<32768xf32, #tpu.memory_space<vmem>>[vector<16xi32>], vector<16xf32>, vector<16xi1>
      %all_reduce_population_count3A = tpu.all_reduce %and3A_576 {dim = 0 : i64, kind = #tpu.reduction_kind<sum>} : vector<16xi1> -> vector<16xi32>
      %add3A_587 = arith.addi %while3A_560, %all_reduce_population_count3A : vector<16xi32>
      scf.yield %add3A_587 : vector<16xi32>
    }
    %while3A_549 = arith.constant 1 : i32
    %while3A_550 = scf.for %while3A_559 = %while3A_546 to %while3A_542 step %while3A_549 iter_args(%while3A_560 = %while3A_548) -> (vector<16xi32>)  : i32 {
      %mul3A_561 = arith.constant 16 : i32
      %mul3A_562 = arith.muli %while3A_559, %mul3A_561 : i32
      %get3A = arith.index_cast %mul3A_562 : i32 to index
      %get3A_563 = tpu.vector_load %arg6[%get3A] {strides = array<i32>} : memref<32768xi32, #tpu.memory_space<vmem>>, vector<16xi32>,
      %mul3A_564 = arith.constant 16 : i32
      %mul3A_565 = arith.muli %while3A_559, %mul3A_564 : i32
      %add3A_566 = vector.broadcast %mul3A_565 : i32 to vector<16xi32>
      %add3A_567 = arith.addi %add3A_566, %iota3A_284 : vector<16xi32>
      %lt3A = vector.broadcast %reduce_max3A_440 : i32 to vector<16xi32>
      %lt3A_568 = arith.cmpi slt, %add3A_567, %lt3A : vector<16xi32>
      %gather3A = tpu.vector_load_idx %arg5[%get3A_563] masked %lt3A_568 : memref<32768xf32, #tpu.memory_space<vmem>>[vector<16xi32>], vector<16xf32>, vector<16xi1>
      %bitcast_convert_type3A = tpu.bitcast %gather3A : vector<16xf32> -> vector<16xi32>
      %shift_right_arithmetic3A = arith.constant 31 : i32
      %shift_right_arithmetic3A_569 = vector.broadcast %shift_right_arithmetic3A : i32 to vector<16xi32>
      %shift_right_arithmetic3A_570 = arith.shrsi %bitcast_convert_type3A, %shift_right_arithmetic3A_569 : vector<16xi32>
      %and3A_571 = arith.constant 2147483647 : i32
      %and3A_572 = vector.broadcast %and3A_571 : i32 to vector<16xi32>
      %and3A_573 = arith.andi %shift_right_arithmetic3A_570, %and3A_572 : vector<16xi32>
      %xor3A = arith.xori %bitcast_convert_type3A, %and3A_573 : vector<16xi32>
      %eq3A_574 = vector.broadcast %or3A_506 : i32 to vector<16xi32>
      %eq3A_575 = arith.cmpi eq, %xor3A, %eq3A_574 : vector<16xi32>
      %and3A_576 = arith.andi %lt3A_568, %eq3A_575 : vector<16xi1>
      %convert_element_type3A = arith.extui %and3A_576 : vector<16xi1> to vector<16xi32>
      %broadcast_in_dim3A_577 = arith.constant true
      %broadcast_in_dim3A_578 = vector.broadcast %broadcast_in_dim3A_577 : i1 to vector<16xi1>
      %masked_cumsum3A_579 = tpu.scan <sum>, %convert_element_type3A masked %broadcast_in_dim3A_578 : vector<16xi32>, vector<16xi1> -> vector<16xi32>
      %add3A_580 = arith.addi %while3A_560, %masked_cumsum3A_579 : vector<16xi32>
      %le3A = vector.broadcast %sub3A_507 : i32 to vector<16xi32>
      %le3A_581 = arith.cmpi sle, %add3A_580, %le3A : vector<16xi32>
      %and3A_582 = arith.andi %and3A_576, %le3A_581 : vector<16xi1>
      %gt3A = vector.broadcast %or3A_506 : i32 to vector<16xi32>
      %gt3A_583 = arith.cmpi sgt, %xor3A, %gt3A : vector<16xi32>
      %or3A_584 = arith.ori %gt3A_583, %and3A_582 : vector<16xi1>
      %not3A = arith.constant dense<true> : vector<16xi1>
      %not3A_585 = arith.xori %or3A_584, %not3A : vector<16xi1>
      %and3A_586 = arith.andi %lt3A_568, %not3A_585 : vector<16xi1>
      tpu.vector_store_idx %arg5[%get3A_563], %broadcast_in_dim3A_509 masked %and3A_586 : memref<32768xf32, #tpu.memory_space<vmem>>[vector<16xi32>], vector<16xf32>, vector<16xi1>
      %all_reduce_population_count3A = tpu.all_reduce %and3A_576 {dim = 0 : i64, kind = #tpu.reduction_kind<sum>} : vector<16xi1> -> vector<16xi32>
      %add3A_587 = arith.addi %while3A_560, %all_reduce_population_count3A : vector<16xi32>
      scf.yield %add3A_587 : vector<16xi32>
    }
    %dma_wait3A_551 = arith.constant 0 : i32
    %dma_wait3A_552 = tpu.memref_slice %arg3[%mul3A_2, %dma_wait3A_551] : memref<64x32768xf32, #tpu.memory_space<hbm>> -> memref<1x32768xf32, #tpu.memory_space<hbm>>
    %dma_wait3A_553 = tpu.memref_squeeze %dma_wait3A_552 : memref<1x32768xf32, #tpu.memory_space<hbm>> -> memref<32768xf32, #tpu.memory_space<hbm>>
    %dma_wait3A_554 = arith.constant 0 : i32
    %dma_wait3A_555 = tpu.memref_slice %arg3[%mul3A_2, %dma_wait3A_554] : memref<64x32768xf32, #tpu.memory_space<hbm>> -> memref<1x32768xf32, #tpu.memory_space<hbm>>
    %dma_wait3A_556 = tpu.memref_squeeze %dma_wait3A_555 : memref<1x32768xf32, #tpu.memory_space<hbm>> -> memref<32768xf32, #tpu.memory_space<hbm>>
    tpu.wait_dma2 semaphore(%arg9 : memref<!tpu.dma_semaphore, #tpu.memory_space<semaphore_mem>>) src(%arg4 : memref<32768xf32, #tpu.memory_space<vmem>>) dst(%dma_wait3A_556 : memref<32768xf32, #tpu.memory_space<hbm>>)
    %add3A_557 = arith.constant 1 : i32
    %add3A_558 = arith.addi %mul3A_2, %add3A_557 : i32
    "tpu.region"() ({
      %run_scoped3A = tpu.sem_alloc : memref<!tpu.dma_semaphore, #tpu.memory_space<semaphore_mem>>
      %dma_start3A_559 = arith.constant 0 : i32
      %dma_start3A_560 = tpu.memref_slice %arg3[%add3A_558, %dma_start3A_559] : memref<64x32768xf32, #tpu.memory_space<hbm>> -> memref<1x32768xf32, #tpu.memory_space<hbm>>
      %dma_start3A_561 = tpu.memref_squeeze %dma_start3A_560 : memref<1x32768xf32, #tpu.memory_space<hbm>> -> memref<32768xf32, #tpu.memory_space<hbm>>
      %dma_start3A_562 = arith.constant 0 : i32
      %dma_start3A_563 = tpu.memref_slice %arg3[%add3A_558, %dma_start3A_562] : memref<64x32768xf32, #tpu.memory_space<hbm>> -> memref<1x32768xf32, #tpu.memory_space<hbm>>
      %dma_start3A_564 = tpu.memref_squeeze %dma_start3A_563 : memref<1x32768xf32, #tpu.memory_space<hbm>> -> memref<32768xf32, #tpu.memory_space<hbm>>
      tpu.enqueue_dma source(%arg5 : memref<32768xf32, #tpu.memory_space<vmem>>) target(%dma_start3A_564 : memref<32768xf32, #tpu.memory_space<hbm>>) target_semaphore(%run_scoped3A : memref<!tpu.dma_semaphore, #tpu.memory_space<semaphore_mem>>)
      %dma_wait3A_565 = arith.constant 0 : i32
      %dma_wait3A_566 = tpu.memref_slice %arg3[%add3A_558, %dma_wait3A_565] : memref<64x32768xf32, #tpu.memory_space<hbm>> -> memref<1x32768xf32, #tpu.memory_space<hbm>>
      %dma_wait3A_567 = tpu.memref_squeeze %dma_wait3A_566 : memref<1x32768xf32, #tpu.memory_space<hbm>> -> memref<32768xf32, #tpu.memory_space<hbm>>
      %dma_wait3A_568 = arith.constant 0 : i32
      %dma_wait3A_569 = tpu.memref_slice %arg3[%add3A_558, %dma_wait3A_568] : memref<64x32768xf32, #tpu.memory_space<hbm>> -> memref<1x32768xf32, #tpu.memory_space<hbm>>
      %dma_wait3A_570 = tpu.memref_squeeze %dma_wait3A_569 : memref<1x32768xf32, #tpu.memory_space<hbm>> -> memref<32768xf32, #tpu.memory_space<hbm>>
      tpu.wait_dma2 semaphore(%run_scoped3A : memref<!tpu.dma_semaphore, #tpu.memory_space<semaphore_mem>>) src(%arg5 : memref<32768xf32, #tpu.memory_space<vmem>>) dst(%dma_wait3A_570 : memref<32768xf32, #tpu.memory_space<hbm>>)
      tpu.yield
    }) : () -> ()
    return
  }
}

</mosaic_0001>

<sc_bundles>
// kernel: kernel.3.cloned.1.call-start
scs
__scs_entry_jumppad:
0x0: {  	(pc) =	sbr.rel $0x88, $3  }
0x1: {  	(tag) =	ssettag $0x0;
	lr =	simm.s32 $0x1  }
0x2: {  	[smem:$0x3FA0] =	sst lr;
	_ =	strace $0xD0000000  }
0x3: {  	_ = 	snop  }
0x4: {  	_ = 	snop  }
0x5: {  	_ = 	snop  }
0x6: {  	_ = 	snop  }
0x7: {  	_ = 	snop  }
__scs_overlays_trampoline_lowered:
0x8: {  	[smem:$0x3FAF] =	sst s0  }
0x9: {  	[smem:$0x3FB0] =	sst s1  }
0xa: {  	[smem:$0x3FB1] =	sst s2  }
0xb: {  	[smem:$0x3FB2] =	sst s3  }
0xc: {  	[smem:$0x3FB3] =	sst s4  }
0xd: {  	[smem:$0x3FB4] =	sst s5  }
0xe: {  	[smem:$0x3FB5] =	sst s6  }
0xf: {  	[smem:$0x3FB6] =	sst s7  }
0x10: {  	[smem:$0x3FB7] =	sst s8  }
0x11: {  	[smem:$0x3FB8] =	sst s9;
	s0 =	simm.s32 @!p0 $0x0  }
0x12: {  	s1 =	sld [smem:$0x3F9E];
	s0 =	simm.s32 @p0 $0x1  }
0x13: {  	[smem:$0x3FB9] =	sst s0;
	s0 =	simm.s32 @!p1 $0x0  }
0x14: {  	s2 =	sld [smem:$0x3F9D];
	s0 =	simm.s32 @p1 $0x1  }
0x15: {  	[smem:$0x3FBA] =	sst s0;
	s0 =	simm.s32 @!p2 $0x0  }
0x16: {  	s3 =	sld [smem:$0x3FDB];
	s0 =	simm.s32 @p2 $0x1  }
0x17: {  	s4 =	simm.s32 $0x1BF5;
	[smem:$0x3FBC] =	sst s0  }
0x18: {  	s0 =	sld [smem:$0x3F9F];
	_ =	swait.ge [sflag:s4], $0x0  }
0x19: {  	s7 =	sld [smem:$0x3FA0]  }
0x1a: {  	s8 =	sadd.s32 $0xFFFFE003, lr  }
0x1b: {  	s9 =	sadd.s32 $0xFFFFFEF7, lr;
	s5 =	simm.s32 $0xFFFFFFFF;
	p2 =	slt.u32 s8, $0xFFFFF086  }
0x1c: {  	p1 =	slt.u32 s9, $0xF7A;
	s5 =	simm.s32 @!p2 $0x0  }
0x1d: {  	s5 =	simm.s32 @p1 $0x1;
	p0 =	seq.s32 s7, s2  }
0x1e: {  	s7 =	smul.u32 @!p0 $0xF7A, s2;
	p2 =	seq.s32 @!p0 s5, $0x0  }
0x1f: {  	s9 =	smul.u32 $0xF7A, s1;
	s8 =	simm.s32 @!p0 $0x1BF5;
	p2 =	por !p2, p0  }
0x20: {  	[sflag:s8] =	ssyncset.s32 @!p0 $0xFFFFF086;
	s6 =	sadd.s32 @!p0 s3, s7;
	s7 =	simm.s32 @!p0 $0x108  }
0x21: {  	s3 =	sadd.s32 s3, s9;
	s6 =	sadd.s32 @!p0 $0x88, s6;
	s7 =	simm.s32 @p2 $0x1082  }
0x22: {  	[simem:s7], [sflag:s8] =	dma.local @!p0 [hbm:s6], $0xF7A  }
0x23: {  	s9 =	sor.u32 $0xD0000000, s2;
	s6 =	simm.s32 $0x108;
	_ =	swait.ge @!p0 [sflag:s8], $0x0  }
0x24: {  	s3 =	sadd.s32 $0x88, s3;
	s6 =	simm.s32 @!p1 $0x1082;
	[sflag:s4] =	ssyncset.s32 $0xFFFFF086  }
0x25: {  	[simem:s6], [sflag:s4] =	dma.local [hbm:s3], $0xF7A  }
0x26: {  	[smem:$0x3FA0] =	sst s1;
	(tag) =	ssettag s2;
	_ =	strace s9  }
0x27: {  	s1 =	sld [smem:$0x3FB0]  }
0x28: {  	s2 =	sld [smem:$0x3FB1]  }
0x29: {  	s4 =	sld [smem:$0x3FB3]  }
0x2a: {  	p0 =	seq.s32 s5, $0x0;
	s5 =	sld [smem:$0x3FB4]  }
0x2b: {  	s6 =	sld [smem:$0x3FB5]  }
0x2c: {  	s7 =	sld [smem:$0x3FB6]  }
0x2d: {  	s3 =	simm.s32 $0x108;
	s8 =	sld [smem:$0x3FB7]  }
0x2e: {  	s3 =	simm.s32 @!p0 $0x1082;
	s9 =	sld [smem:$0x3FB8]  }
0x2f: {  	lr =	sadd.s32 s0, s3;
	s0 =	sld [smem:$0x3FAF]  }
0x30: {  	s3 =	sld [smem:$0x3FB2]  }
0x31: {  	[smem:$0x3FBB] =	sst s10  }
0x32: {  	s10 =	sld [smem:$0x3FB9];
	_ =	sdelay $0x3  }
0x33: {  	p0 =	seq.s32 s10, $0x1;
	s10 =	sld [smem:$0x3FBB];
	_ =	sdelay $0x3  }
0x34: {  	[smem:$0x3FBB] =	sst s10  }
0x35: {  	s10 =	sld [smem:$0x3FBA];
	_ =	sdelay $0x3  }
0x36: {  	p1 =	seq.s32 s10, $0x1;
	s10 =	sld [smem:$0x3FBB];
	_ =	sdelay $0x3  }
0x37: {  	[smem:$0x3FBB] =	sst s10  }
0x38: {  	s10 =	sld [smem:$0x3FBC]  }
0x39: {  	_ = 	snop;
	(pc) =	sbr.ind lr, $3  }
0x3a: {  	_ = 	snop  }
0x3b: {  	_ = 	snop  }
0x3c: {  	p2 =	seq.s32 s10, $0x1;
	s10 =	sld [smem:$0x3FBB]  }
0x3d: {  	_ =	shalt  }
0x3e: {  	_ =	shalt  }
0x3f: {  	_ =	shalt  }
0x40: {  	_ =	shalt  }
0x41: {  	_ =	shalt  }
0x42: {  	_ =	shalt  }
0x43: {  	_ =	shalt  }
0x44: {  	_ =	shalt  }
0x45: {  	_ =	shalt  }
0x46: {  	_ =	shalt  }
0x47: {  	_ =	shalt  }
0x48: {  	_ =	shalt  }
0x49: {  	_ =	shalt  }
0x4a: {  	_ =	shalt  }
0x4b: {  	_ =	shalt  }
0x4c: {  	_ =	shalt  }
0x4d: {  	_ =	shalt  }
0x4e: {  	_ =	shalt  }
0x4f: {  	_ =	shalt  }
0x50: {  	_ =	shalt  }
0x51: {  	_ =	shalt  }
0x52: {  	_ =	shalt  }
0x53: {  	_ =	shalt  }
0x54: {  	_ =	shalt  }
0x55: {  	_ =	shalt  }
0x56: {  	_ =	shalt  }
0x57: {  	_ =	shalt  }
0x58: {  	_ =	shalt  }
0x59: {  	_ =	shalt  }
0x5a: {  	_ =	shalt  }
0x5b: {  	_ =	shalt  }
0x5c: {  	_ =	shalt  }
0x5d: {  	_ =	shalt  }
0x5e: {  	_ =	shalt  }
0x5f: {  	_ =	shalt  }
0x60: {  	_ =	shalt  }
0x61: {  	_ =	shalt  }
0x62: {  	_ =	shalt  }
0x63: {  	_ =	shalt  }
0x64: {  	_ =	shalt  }
0x65: {  	_ =	shalt  }
0x66: {  	_ =	shalt  }
0x67: {  	_ =	shalt  }
0x68: {  	_ =	shalt  }
0x69: {  	_ =	shalt  }
0x6a: {  	_ =	shalt  }
0x6b: {  	_ =	shalt  }
0x6c: {  	_ =	shalt  }
0x6d: {  	_ =	shalt  }
0x6e: {  	_ =	shalt  }
0x6f: {  	_ =	shalt  }
0x70: {  	_ =	shalt  }
0x71: {  	_ =	shalt  }
0x72: {  	_ =	shalt  }
0x73: {  	_ =	shalt  }
0x74: {  	_ =	shalt  }
0x75: {  	_ =	shalt  }
0x76: {  	_ =	shalt  }
0x77: {  	_ =	shalt  }
0x78: {  	_ =	shalt  }
0x79: {  	_ =	shalt  }
0x7a: {  	_ =	shalt  }
0x7b: {  	_ =	shalt  }
0x7c: {  	_ =	shalt  }
0x7d: {  	_ =	shalt  }
0x7e: {  	_ =	shalt  }
0x7f: {  	_ =	shalt  }
0x80: {  	_ =	shalt  }
0x81: {  	_ =	shalt  }
0x82: {  	_ =	shalt  }
0x83: {  	_ =	shalt  }
0x84: {  	_ =	shalt  }
0x85: {  	_ =	shalt  }
0x86: {  	_ =	shalt  }
0x87: {  	_ =	shalt  }
.Lfunc_end0:
.L_simem_size_0:
called_computation_lowered:
.L_overlay_start_0:
0x88: {  	s2 =	sld [smem:$0x3FD9]  }
0x89: {  	s3 =	sld [smem:$0x3FFE];
	_ =	sdelay $0x1  }
0x8a: {  	s1 =	srdreg.scid  }
0x8b: {  	s0 =	sand.u32 $0x1, s1  }
0x8c: {  	s18 =	sshll.u32 s0, $0xA;
	s2 =	sadd.s32 s3, s2  }
0x8d: {  	s2 =	sadd.s32 s2, s18  }
0x8e: {  	[smem:$0x3FC7] =	sst s2  }
0x8f: {  	_ = 	snop  }
0x90: {  	s2 =	sld [smem:$0x3FC9]  }
0x91: {  	s19 =	sld [smem:$0x3FD0];
	(tm) =	ssettm $0x1  }
0x92: {  	s4 =	sld [smem:$0x3FFB];
	_ =	sdelay $0x3  }
0x93: {  	_ =	strace s4  }
0x94: {  	s4 =	sld [smem:$0x3FFC];
	_ =	sdelay $0x3  }
0x95: {  	_ =	strace s4  }
0x96: {  	s4 =	sld [smem:$0x3FFD];
	_ =	sdelay $0x3  }
0x97: {  	_ =	strace s4  }
0x98: {  	_ =	strace $0x8FFFFFFF  }
0x99: {  	s20 =	sld [smem:$0x3FDB];
	_ =	sdelay $0x1  }
0x9a: {  	s5 =	simm.s32 $_scs_section_size  }
0x9b: {  	s6 =	simm.s32 $_size__tile_overlayer_lowered;
	s7 =	simm.s32 $_tile_overlayer_lowered  }
0x9c: {  	s23 =	simm.s32 $0x1BFF;
	s22 =	sshll.u32 s7, $0x1;
	s4 =	sadd.s32 s5, s20  }
0x9d: {  	s8 =	simm.s32 $0x0;
	s21 =	sshll.u32 s6, $0x1;
	s6 =	sadd.s32 s22, s4  }
0x9e: {  	[timem:s8], [sflag:s23] =	dma.local [hbm:s6], s21  }
0x9f: {  	_ =	swait.ge [sflag:s23], s21  }
0xa0: {  	s5 =	ssub.s32 $0x0, s21;
	[sflag:s23] =	ssyncset.done $0x0  }
0xa1: {  	[sflag:s23] =	ssyncadd.s32 s5;
	_ =	sdelay $0x1  }
0xa2: {  	s24 =	simm.s32 $0x1B8B  }
0xa3: {  	_ =	swait.ge [sflag:s24], $0x1  }
0xa4: {  	[sflag:s24] =	ssyncset.done $0x0  }
0xa5: {  	s25 =	simm.s32 $0x1B8E;
	[sflag:s24] =	ssyncadd.s32 $0xFFFFFFFF  }
0xa6: {  	s26 =	simm.s32 $execute0_lowered;
	[smem:$0x3FD2] =	sst s25  }
0xa7: {  	s5 =	sshll.u32 s26, $0x1;
	_ =	strace $0x80000046;
	[dreg:$0x1] =	wrdreg $0xFFFFFFFF  }
0xa8: {  	s28 =	simm.s32 $_size_execute0_lowered;
	s4 =	sadd.s32 s4, s5;
	[dreg:$0x0] =	wrdreg $0x0  }
0xa9: {  	s5 =	sshll.u32 s28, $0x1;
	[dreg:$0x2] =	wrdreg s4  }
0xaa: {  	[dreg:$0x3] =	wrdreg s5  }
0xab: {  	[dreg:$0x4] =	wrdreg $0xC0  }
0xac: {  	_ =	task [dreg:s8], $0x5FFFF  }
0xad: {  	[dreg:$0x1] =	wrdreg $0xFFFFFFFF  }
0xae: {  	[dreg:$0x0] =	wrdreg $0x60  }
0xaf: {  	[dreg:$0x2] =	wrdreg s2  }
0xb0: {  	[dreg:$0x3] =	wrdreg s19  }
0xb1: {  	[dreg:$0x4] =	wrdreg $0x9  }
0xb2: {  	_ =	task.clear_ibuf [dreg:s8], $0x5FFFF;
	_ =	strace $0x90000046  }
0xb3: {  	s29 =	simm.s32 $0x9;
	_ =	strace $0x80000048  }
0xb4: {  	_ =	swait.ge [sflag:s29], $0x1  }
0xb5: {  	[sflag:s29] =	ssyncadd.s32 $0xFFFFFFFF  }
0xb6: {  	_ =	strace $0x90000048  }
0xb7: {  	_ =	sfence  }
0xb8: {  	s30 =	sld [smem:$0x0];
	_ =	sdelay $0x2  }
0xb9: {  	s31 =	sshll.u32 s1, $0xD;
	s1 =	sshrl.u32 s1, $0x2  }
0xba: {  	s3 =	sand.u32 $0x4000, s31;
	s1 =	sadd.s32 s1, s30  }
0xbb: {  	s0 =	sor.u32 s3, s0;
	s1 =	sshll.u32 s1, $0x11  }
0xbc: {  	s0 =	sor.u32 s1, s0  }
0xbd: {  	s0 =	sadd.s32 $0x8F2B, s0  }
0xbe: {  	[sflag:s0] =	ssyncadd.remote.s32 $0x1  }
0xbf: {  	_ =	sfence.sel $0xFFFF  }
0xc0: {  	[dreg:$0x0] =	wrdreg $0xFFFFFFFF;
	(pc) =	sbr.abs _section_cstart, $3  }
0xc1: {  	[dreg:$0x1] =	wrdreg $0xFFFFFFFF  }
0xc2: {  	_ =	task.clear_ibuf [dreg:s8], $0x2FFFF;
	_ =	strace $0x9FFFFFFF  }
0xc3: {  	(tm) =	ssettm $0x7FFFFFFF  }
tec
execute0_lowered:
.L_overlay_start_1:
0x0: {  	(tag) =	ssettag $0x1  }
0x1: {  	s4 =	rddreg [dreg:$0x0]  }
0x2: {  	s6 =	rddreg [dreg:$0x1];
	s2 =	srdreg.scid  }
0x3: {  	s1 =	stileid.u32;
	s0 =	rddreg [dreg:$0x2]  }
0x4: {  	s9 =	simm.s32 $0x400;
	s10 =	simm.s32 $0x1;
	s11 =	simm.s32 $0x8000  }
0x5: {  	s12 =	simm.s32 $0x18000;
	s13 =	simm.s32 $0x10000;
	s14 =	simm.s32 $0x2  }
0x6: {  	s15 =	simm.s32 $0x3;
	s16 =	simm.s32 $0x0;
	s3 =	sand.u32 $0x1, s2  }
0x7: {  	s29 =	sshll.u32 s1, $0x6;
	s7 =	sshll.u32 s1, $0xE;
	s2 =	simm.s32 $0x0  }
0x8: {  	s5 =	sshll.u32 s3, $0x5;
	s8 =	sand.u32 $0x40, s29;
	s7 =	sand.u32 $0x38000, s7  }
.Ltmp0:
0x9: {  	[smem:$0x7FF] =	sst s2;
	s3 =	ssub.s32 $0x2, s3;
	(pc) =	sbr.rel .LBB2_1-.Ltmp0, $4  }
0xa: {  	v0 =	vlaneseq.u32;
	s5 =	sor.u32 s5, s8;
	_ =	strace $0x80000047;
	s30 =	sshrl.u32 s3, $0x1  }
0xb: {  	v3 =	vmul.u32 $0xFFFFFFFF, v0;
	s8 =	simm.s32 $0x80;
	s5 =	sor.u32 s7, s5;
	s7 =	ssub.s32 s3, s30  }
0xc: {  	v1 =	vimm.s32 $0x0;
	v2 =	vimm.s32 $0x1;
	s31 =	sor.u32 $0x10, s5;
	s3 =	sadd.s32 s4, s5;
	s5 =	sadd.s32 s6, s5  }
0xd: {  	v5 =	vimm.f32 $0.0e+00;
	v4 =	vor.u32 $0x80000000, v0;
	v3 =	vadd.s32 $0xF, v3;
	s7 =	smax.u32 s7, $0x1;
	s4 =	sadd.s32 s4, s31;
	s6 =	sadd.s32 s6, s31  }
.LBB2_57:
0xe: {  	_ =	swait.ge [sflag:s14], $0x8000;
	s16 =	sadd.s32 $0x1, s16  }
0xf: {  	[sflag:s14] =	ssyncset.done $0x0;
	p0 =	sne.s32 s16, s7  }
.Ltmp1:
0x10: {  	[sflag:s14] =	ssyncadd.s32 $0xFFFF8000;
	(pc) =	sbr.rel @!p0 .LBB2_58-.Ltmp1, $4  }
0x11: {  	[hbm4b:s6+s8] =	stream.strided.scatter [tilespmem:s11], [sflag:$0x3], $0x8000, s9, s8, $0x38;
	[tilespmem:$0x1B000] =	vst v63  }
0x12: {  	_ =	swait.ge [sflag:s15], $0x8000  }
0x13: {  	[sflag:s15] =	ssyncset.done $0x0  }
0x14: {  	[sflag:s15] =	ssyncadd.s32 $0xFFFF8000  }
.LBB2_1:
0x15: {  	[tilespmem:s2], [sflag:$0x1] =	stream.strided.gather [hbm4b:s3+s8], $0x8000, s9, s8, $0x38;
	[tilespmem:$0x1B000] =	vst v63  }
0x16: {  	s17 =	simm.s32 $0x18040  }
0x17: {  	[tilespmem:s17+$0xFFFFFFC0] =	vst v1  }
0x18: {  	[tilespmem:s17+$0x30] =	vst v1  }
0x19: {  	[tilespmem:s17+$0x20] =	vst v1  }
0x1a: {  	[tilespmem:s17+$0x10] =	vst v1  }
0x1b: {  	[tilespmem:s17+$0x0] =	vst v1  }
0x1c: {  	[tilespmem:s17+$0xFFFFFFF0] =	vst v1  }
0x1d: {  	s18 =	simm.s32 $0x0;
	[tilespmem:s17+$0xFFFFFFE0] =	vst v1  }
.LBB2_2:
0x1e: {  	s18 =	sadd.s32 $0x80, s18;
	[tilespmem:s17+$0xFFFFFFD0] =	vst v1;
	s17 =	sadd.s32 $0x80, s17  }
0x1f: {  	[tilespmem:s17+$0xFFFFFFC0] =	vst v1;
	p0 =	slt.u32 s18, $0x2F80  }
0x20: {  	[tilespmem:s17+$0x30] =	vst v1  }
.Ltmp2:
0x21: {  	[tilespmem:s17+$0x20] =	vst v1;
	(pc) =	sbr.rel @p0 .LBB2_2-.Ltmp2, $4  }
0x22: {  	[tilespmem:s17+$0x10] =	vst v1  }
0x23: {  	[tilespmem:s17+$0x0] =	vst v1  }
0x24: {  	[tilespmem:s17+$0xFFFFFFF0] =	vst v1  }
0x25: {  	[tilespmem:s17+$0xFFFFFFE0] =	vst v1  }
0x26: {  	[tilespmem:s17+$0xFFFFFFD0] =	vst v1  }
0x27: {  	_ =	swait.ge [sflag:s10], $0x8000  }
0x28: {  	[sflag:s10] =	ssyncset.done $0x0  }
0x29: {  	s31 =	simm.s32 $0x40;
	[sflag:s10] =	ssyncadd.s32 $0xFFFF8000  }
0x2a: {  	[tilespmem:s11], [sflag:$0x1] =	stream.strided.gather [hbm4b:s4+s8], $0x8000, s9, s8, $0x38;
	[tilespmem:$0x1B000] =	vst v63  }
0x2b: {  	v6 =	vld [tilespmem:s31+$0x30]  }
0x2c: {  	v7 =	vld [tilespmem:s31+$0xFFFFFFD0]  }
0x2d: {  	v8 =	vld [tilespmem:s31+$0xFFFFFFE0]  }
0x2e: {  	v9 =	vld [tilespmem:s31+$0xFFFFFFF0]  }
0x2f: {  	v10 =	vld [tilespmem:s31+$0x0];
	_ =	sdelay $0x1  }
0x30: {  	v11 =	vld [tilespmem:s31+$0x10]  }
0x31: {  	v14 =	vld [tilespmem:s31+$0x20]  }
0x32: {  	v15 =	vld [tilespmem:s31+$0xFFFFFFC0];
	v12 =	vshra.s32 v6, $0x1F;
	v13 =	vshra.s32 v7, $0x1F;
	v16 =	vshra.s32 v8, $0x1F  }
0x33: {  	v62 =	vshra.s32 v9, $0x1F;
	v17 =	vshra.s32 v10, $0x1F;
	v12 =	vand.u32 $0x7FF00000, v12  }
0x34: {  	v13 =	vand.u32 $0x7FF00000, v13;
	v6 =	vxor.u32 v6, v12;
	v12 =	vand.u32 $0x7FF00000, v16  }
0x35: {  	v16 =	vand.u32 $0x7FF00000, v62;
	v13 =	vxor.u32 v7, v13;
	v6 =	vshra.s32 v6, $0x14  }
0x36: {  	v7 =	vshra.s32 v11, $0x1F;
	v63 =	vxor.u32 v8, v12;
	v18 =	vadd.s32 $0x800, v6  }
0x37: {  	v8 =	vand.u32 $0x7FF00000, v7;
	v7 =	vshra.s32 v14, $0x1F;
	v12 =	vshra.s32 v15, $0x1F  }
0x38: {  	v16 =	vxor.u32 v9, v16;
	v6 =	vand.u32 $0x7FF00000, v17;
	v9 =	vand.u32 $0x7FF00000, v7  }
0x39: {  	v12 =	vand.u32 $0x7FF00000, v12;
	v7 =	vxor.u32 v10, v6;
	v6 =	vxor.u32 v11, v8  }
0x3a: {  	s17 =	simm.s32 $0x0;
	s18 =	simm.s32 $0x8000080F;
	v10 =	vxor.u32 v15, v12;
	v8 =	vshra.s32 v13, $0x14;
	v9 =	vxor.u32 v14, v9  }
0x3b: {  	s19 =	simm.s32 $0x18FF0;
	s20 =	simm.s32 $0x203C00;
	s22 =	simm.s32 $0xC0;
	v11 =	vshra.s32 v63, $0x14;
	v12 =	vshra.s32 v10, $0x14;
	v10 =	vshra.s32 v16, $0x14;
	[tilespmem:v18+s12+$0x0] =	vst.idx.add.s32.msk $0xffff, v2  }
.LBB2_4:
0x3c: {  	v13 =	vld [tilespmem:s22+$0x30];
	s17 =	sadd.s32 $0x80, s17;
	v7 =	vshra.s32 v7, $0x14;
	v6 =	vshra.s32 v6, $0x14;
	v9 =	vshra.s32 v9, $0x14  }
0x3d: {  	v12 =	vadd.s32 $0x800, v12;
	v8 =	vadd.s32 $0x800, v8;
	v11 =	vadd.s32 $0x800, v11;
	v14 =	vld [tilespmem:s22+$0xFFFFFFD0];
	p0 =	slt.u32 s17, $0x7F80  }
0x3e: {  	v10 =	vadd.s32 $0x800, v10;
	v7 =	vadd.s32 $0x800, v7;
	v16 =	vadd.s32 $0x800, v6;
	v15 =	vld [tilespmem:s22+$0xFFFFFFE0]  }
0x3f: {  	v17 =	vadd.s32 $0x800, v9;
	v6 =	vld [tilespmem:s22+$0xFFFFFFF0]  }
0x40: {  	v9 =	vld [tilespmem:s22+$0x0]  }
0x41: {  	v18 =	vld [tilespmem:s22+$0x10];
	v19 =	vshra.s32 v13, $0x1F  }
0x42: {  	v20 =	vshra.s32 v14, $0x1F;
	v21 =	vld [tilespmem:s22+$0x20];
	v19 =	vand.u32 $0x7FF00000, v19  }
0x43: {  	v22 =	vld [tilespmem:s22+$0xFFFFFFC0];
	v20 =	vand.u32 $0x7FF00000, v20;
	v23 =	vshra.s32 v15, $0x1F;
	v13 =	vxor.u32 v13, v19  }
0x44: {  	v19 =	vand.u32 $0x7FF00000, v23;
	v23 =	vshra.s32 v6, $0x1F;
	v13 =	vshra.s32 v13, $0x14;
	[tilespmem:v12+s12+$0x0] =	vst.idx.add.s32.msk $0xffff, v2  }
0x45: {  	v12 =	vand.u32 $0x7FF00000, v23;
	v23 =	vshra.s32 v9, $0x1F;
	v13 =	vadd.s32 $0x800, v13;
	[tilespmem:v8+s12+$0x0] =	vst.idx.add.s32.msk $0xffff, v2  }
0x46: {  	v8 =	vxor.u32 v14, v20;
	v14 =	vand.u32 $0x7FF00000, v23;
	v20 =	vshra.s32 v18, $0x1F;
	[tilespmem:v11+s12+$0x0] =	vst.idx.add.s32.msk $0xffff, v2  }
.Ltmp3:
0x47: {  	v11 =	vxor.u32 v15, v19;
	v15 =	vand.u32 $0x7FF00000, v20;
	v19 =	vshra.s32 v21, $0x1F;
	[tilespmem:v10+s12+$0x0] =	vst.idx.add.s32.msk $0xffff, v2;
	(pc) =	sbr.rel @p0 .LBB2_4-.Ltmp3, $4  }
0x48: {  	v20 =	vxor.u32 v6, v12;
	v10 =	vshra.s32 v22, $0x1F;
	v12 =	vand.u32 $0x7FF00000, v19;
	[tilespmem:v7+s12+$0x0] =	vst.idx.add.s32.msk $0xffff, v2  }
0x49: {  	v7 =	vxor.u32 v9, v14;
	v6 =	vxor.u32 v18, v15;
	v10 =	vand.u32 $0x7FF00000, v10;
	[tilespmem:v16+s12+$0x0] =	vst.idx.add.s32.msk $0xffff, v2  }
0x4a: {  	s21 =	simm.s32 $0x0;
	v8 =	vshra.s32 v8, $0x14;
	v9 =	vxor.u32 v21, v12;
	v10 =	vxor.u32 v22, v10;
	[tilespmem:v13+s12+$0x0] =	vst.idx.add.s32.msk $0xffff, v2  }
0x4b: {  	s22 =	sadd.s32 $0x80, s22;
	v11 =	vshra.s32 v11, $0x14;
	v12 =	vshra.s32 v10, $0x14;
	v10 =	vshra.s32 v20, $0x14;
	[tilespmem:v17+s12+$0x0] =	vst.idx.add.s32.msk $0xffff, v2  }
0x4c: {  	v12 =	vadd.s32 $0x800, v12  }
0x4d: {  	v8 =	vadd.s32 $0x800, v8  }
0x4e: {  	v11 =	vadd.s32 $0x800, v11  }
0x4f: {  	v7 =	vshra.s32 v7, $0x14;
	v10 =	vadd.s32 $0x800, v10  }
0x50: {  	v6 =	vshra.s32 v6, $0x14;
	v7 =	vadd.s32 $0x800, v7  }
0x51: {  	v9 =	vshra.s32 v9, $0x14;
	v6 =	vadd.s32 $0x800, v6;
	[tilespmem:v12+s12+$0x0] =	vst.idx.add.s32.msk $0xffff, v2  }
0x52: {  	v9 =	vadd.s32 $0x800, v9;
	[tilespmem:v8+s12+$0x0] =	vst.idx.add.s32.msk $0xffff, v2  }
0x53: {  	[tilespmem:v11+s12+$0x0] =	vst.idx.add.s32.msk $0xffff, v2  }
0x54: {  	[tilespmem:v10+s12+$0x0] =	vst.idx.add.s32.msk $0xffff, v2  }
0x55: {  	[tilespmem:v7+s12+$0x0] =	vst.idx.add.s32.msk $0xffff, v2  }
0x56: {  	[tilespmem:v6+s12+$0x0] =	vst.idx.add.s32.msk $0xffff, v2  }
0x57: {  	s23 =	simm.s32 $0x0;
	[tilespmem:v9+s12+$0x0] =	vst.idx.add.s32.msk $0xffff, v2  }
.LBB2_6:
0x58: {  	s22 =	sadd.s32 $0x1, s23  }
0x59: {  	s17 =	sshll.u32 s22, $0x8  }
0x5a: {  	s24 =	ssub.s32 $0x19000, s17  }
0x5b: {  	s31 =	ssub.s32 $0x19010, s17;
	v6 =	vld [tilespmem:s24+$0x0]  }
0x5c: {  	s25 =	ssub.s32 $0x19020, s17;
	v7 =	vld [tilespmem:s31+$0x0]  }
0x5d: {  	s26 =	ssub.s32 $0x19030, s17;
	v8 =	vld [tilespmem:s25+$0x0]  }
0x5e: {  	s29 =	ssub.s32 $0x19040, s17;
	v9 =	vld [tilespmem:s26+$0x0]  }
0x5f: {  	s30 =	ssub.s32 $0x19050, s17;
	v10 =	vld [tilespmem:s29+$0x0]  }
0x60: {  	v11 =	vld [tilespmem:s30+$0x0];
	s31 =	ssub.s32 $0x19060, s17  }
0x61: {  	s25 =	ssub.s32 $0x19070, s17;
	v6 =	vadd.s32 v6, v7;
	v7 =	vld [tilespmem:s31+$0x0]  }
0x62: {  	s26 =	ssub.s32 $0x19080, s17;
	v56 =	vld [tilespmem:s25+$0x0];
	v6 =	vadd.s32 v8, v6  }
0x63: {  	s29 =	ssub.s32 $0x19090, s17;
	v57 =	vld [tilespmem:s26+$0x0];
	v6 =	vadd.s32 v9, v6  }
0x64: {  	s30 =	ssub.s32 $0x190A0, s17;
	v58 =	vld [tilespmem:s29+$0x0];
	v6 =	vadd.s32 v10, v6  }
0x65: {  	v59 =	vld [tilespmem:s30+$0x0];
	s31 =	ssub.s32 $0x190B0, s17;
	v6 =	vadd.s32 v11, v6  }
0x66: {  	s25 =	ssub.s32 $0x190C0, s17;
	v6 =	vadd.s32 v7, v6;
	v7 =	vld [tilespmem:s31+$0x0]  }
0x67: {  	s26 =	ssub.s32 $0x190D0, s17;
	v60 =	vld [tilespmem:s25+$0x0];
	v6 =	vadd.s32 v56, v6  }
0x68: {  	s29 =	ssub.s32 $0x190E0, s17;
	v61 =	vld [tilespmem:s26+$0x0];
	v6 =	vadd.s32 v57, v6  }
0x69: {  	v62 =	vld [tilespmem:s29+$0x0];
	s17 =	ssub.s32 $0x190F0, s17;
	v6 =	vadd.s32 v58, v6  }
0x6a: {  	v63 =	vld [tilespmem:s17+$0x0];
	v6 =	vadd.s32 v59, v6  }
0x6b: {  	v6 =	vadd.s32 v7, v6  }
0x6c: {  	v6 =	vadd.s32 v60, v6  }
0x6d: {  	v6 =	vadd.s32 v61, v6  }
0x6e: {  	v6 =	vadd.s32 v62, v6  }
0x6f: {  	v6 =	vadd.s32 v63, v6  }
0x70: {  	(xrf0) =	vadd.scan.msk.s32 $0xffff, v6;
	_ =	sdelay $0x5  }
0x71: {  	v6, _, _ =	vpop (xrf0)  }
0x72: {  	(v2sf) =	vpush v6, $0xF;
	_ =	sdelay $0xe  }
0x73: {  	s30 =	spop (v2sf)  }
0x74: {  	p0 =	sgt.u32 s23, $0xE;
	s29 =	sadd.s32 s21, s30  }
0x75: {  	s28 =	simm.s32 $0x0;
	p1 =	slt.s32 @!p0 s29, $0x100  }
0x76: {  	s28 =	simm.s32 @p0 $0x0;
	s24 =	smov.u32 s18;
	p1 =	por p0, !p1  }
.Ltmp4:
0x77: {  	s23 =	smov.u32 s22;
	s24 =	smov.u32 @p0 s18;
	(pc) =	sbr.rel @!p1 .LBB2_6-.Ltmp4, $4  }
0x78: {  	s25 =	smov.u32 s19;
	s19 =	sadd.s32 $0xFFFFFF00, s19;
	s26 =	smov.u32 s21  }
0x79: {  	s25 =	smov.u32 @p0 s25;
	s26 =	smov.u32 @p0 s21;
	s17 =	smov.u32 s20  }
0x7a: {  	s17 =	smov.u32 @p0 s20;
	s31 =	sadd.s32 $0xFFFFFF00, s18;
	s30 =	sadd.s32 $0xFFFC0000, s20  }
0x7b: {  	s18 =	smov.u32 s31;
	s20 =	smov.u32 s30;
	s21 =	smov.u32 s29  }
.LBB2_7:
0x7c: {  	v6 =	vld [tilespmem:s25+$0x0];
	_ =	sdelay $0x4  }
0x7d: {  	(xrf0) =	vadd.scan.msk.s32 $0xffff, v6;
	_ =	sdelay $0x5  }
0x7e: {  	v7, _, _ =	vpop (xrf0)  }
0x7f: {  	(v2sf) =	vpush v7, $0xF;
	_ =	sdelay $0xe  }
0x80: {  	s18 =	spop (v2sf)  }
0x81: {  	p0 =	sgt.u32 s28, $0xE;
	s26 =	sadd.s32 s26, s18  }
0x82: {  	p1 =	slt.s32 @!p0 s26, $0x100  }
0x83: {  	p0 =	por p0, !p1  }
.Ltmp5:
0x84: {  	_ = 	snop;
	(pc) =	sbr.rel @!p0 .LBB2_7-.Ltmp5, $3  }
0x85: {  	_ =	sdelay $0x1  }
0x86: {  	s28 =	sadd.s32 $0x1, s28  }
0x87: {  	s24 =	sadd.s32 $0xFFFFFFF0, s24;
	s17 =	sadd.s32 $0xFFFFC000, s17;
	s25 =	sadd.s32 $0xFFFFFFF0, s25  }
0x88: {  	v6 =	vperm.xlane v6, v3;
	_ =	sdelay $0x1  }
0x89: {  	(xrf0) =	vadd.scan.msk.s32 $0xffff, v6;
	_ =	sdelay $0x5  }
0x8a: {  	v7, _, _ =	vpop (xrf0)  }
0x8b: {  	(v2sf) =	vpush v7, $0xF;
	_ =	sdelay $0xe  }
0x8c: {  	s18 =	spop (v2sf)  }
0x8d: {  	s18 =	ssub.s32 s26, s18  }
0x8e: {  	v8 =	vadd.s32 s18, v7  }
0x8f: {  	vm0 =	vgt.s32 v8, $0xFF  }
0x90: {  	v7 =	vnsel vm0, $0x80000010, v4  }
0x91: {  	(xrf0) =	vmin.scan.msk.u32 $0xffff, v7;
	_ =	sdelay $0x5  }
0x92: {  	v7, _, _ =	vpop (xrf0)  }
0x93: {  	s31 =	simm.s32 $0x40;
	(v2sf) =	vpush v7, $0xF  }
0x94: {  	v9 =	vld [tilespmem:s31+$0x30]  }
0x95: {  	v10 =	vld [tilespmem:s31+$0xFFFFFFD0]  }
0x96: {  	v11 =	vld [tilespmem:s31+$0xFFFFFFE0]  }
0x97: {  	v13 =	vld [tilespmem:s31+$0x0]  }
0x98: {  	v18 =	vld [tilespmem:s31+$0xFFFFFFC0];
	_ =	sdelay $0x1  }
0x99: {  	v12 =	vld [tilespmem:s31+$0xFFFFFFF0]  }
0x9a: {  	v15 =	vshra.s32 v9, $0x1F  }
0x9b: {  	v16 =	vshra.s32 v10, $0x1F;
	v19 =	vshra.s32 v11, $0x1F;
	v21 =	vshra.s32 v13, $0x1F  }
0x9c: {  	v17 =	vld [tilespmem:s31+$0x20];
	v22 =	vshra.s32 v18, $0x1F;
	v15 =	vand.u32 $0x7FFFFFFF, v15;
	v16 =	vand.u32 $0x7FFFFFFF, v16  }
0x9d: {  	v19 =	vand.u32 $0x7FFFFFFF, v19;
	v22 =	vand.u32 $0x7FFFFFFF, v22;
	v9 =	vxor.u32 v9, v15  }
0x9e: {  	v15 =	vshra.s32 v12, $0x1F;
	v20 =	vshra.s32 v9, $0x14;
	v9 =	vshrl.u32 v9, $0xA  }
0x9f: {  	v16 =	vxor.u32 v10, v16;
	v11 =	vxor.u32 v11, v19;
	v9 =	vand.u32 $0x3FF, v9  }
0xa0: {  	v14 =	vld [tilespmem:s31+$0x10];
	v18 =	vxor.u32 v18, v22;
	v19 =	vshrl.u32 v11, $0xA;
	v23 =	vor.u32 $0x1000, v9  }
0xa1: {  	v9 =	vand.u32 $0x7FFFFFFF, v15;
	v15 =	vand.u32 $0x7FFFFFFF, v21;
	v21 =	vshra.s32 v17, $0x1F;
	s21 =	spop (v2sf)  }
0xa2: {  	v22 =	vshra.s32 v18, $0x14;
	v21 =	vand.u32 $0x7FFFFFFF, v21;
	v12 =	vxor.u32 v12, v9;
	s19 =	ssub.s32 s24, s21  }
0xa3: {  	v13 =	vxor.u32 v13, v15;
	v15 =	vshrl.u32 v18, $0xA;
	v7 =	vmov s19  }
0xa4: {  	v18 =	vshra.s32 v16, $0x14;
	v9 =	vxor.u32 v17, v21;
	vm15 =	veq.s32 v20, v7  }
0xa5: {  	v21 =	vshrl.u32 v12, $0xA;
	v25 =	vshrl.u32 v13, $0xA;
	v20 =	vshra.s32 v14, $0x1F  }
0xa6: {  	v17 =	vand.u32 $0x3FF, v15;
	v15 =	vand.u32 $0x3FF, v19;
	v20 =	vand.u32 $0x7FFFFFFF, v20  }
0xa7: {  	v19 =	vshra.s32 v12, $0x14;
	v12 =	vshra.s32 v13, $0x14;
	v24 =	vxor.u32 v14, v20  }
0xa8: {  	v10 =	vshrl.u32 v9, $0xA;
	v14 =	vshrl.u32 v16, $0xA;
	v26 =	vshrl.u32 v24, $0xA  }
0xa9: {  	v20 =	vand.u32 $0x3FF, v14;
	v14 =	vshra.s32 v11, $0x14;
	v11 =	vand.u32 $0x3FF, v21  }
0xaa: {  	s20 =	simm.s32 $0xC0;
	s18 =	sxor.u32 $0x80000000, s21;
	s19 =	simm.s32 $0x0;
	v21 =	vand.u32 $0x3FF, v25;
	v16 =	vshra.s32 v24, $0x14;
	v13 =	vand.u32 $0x3FF, v26;
	[tilespmem:v23+s12+$0x0] =	vst.idx.add.s32.msk vm15, v2  }
.LBB2_9:
0xab: {  	v23 =	vld [tilespmem:s20+$0x30];
	s19 =	sadd.s32 $0x80, s19;
	vm4 =	veq.s32 v22, v7;
	v9 =	vshra.s32 v9, $0x14;
	v10 =	vand.u32 $0x3FF, v10  }
0xac: {  	v17 =	vor.u32 $0x1000, v17;
	vm6 =	veq.s32 v18, v7;
	v18 =	vor.u32 $0x1000, v20;
	v22 =	vld [tilespmem:s20+$0xFFFFFFD0];
	p0 =	slt.u32 s19, $0x7F80  }
0xad: {  	vm5 =	veq.s32 v14, v7;
	v14 =	vor.u32 $0x1000, v15;
	vm3 =	veq.s32 v19, v7;
	v20 =	vld [tilespmem:s20+$0xFFFFFFE0]  }
0xae: {  	v11 =	vor.u32 $0x1000, v11;
	vm2 =	veq.s32 v12, v7;
	v12 =	vor.u32 $0x1000, v21;
	v15 =	vld [tilespmem:s20+$0xFFFFFFF0]  }
0xaf: {  	vm1 =	veq.s32 v16, v7;
	v13 =	vor.u32 $0x1000, v13;
	vm0 =	veq.s32 v9, v7;
	v19 =	vld [tilespmem:s20+$0x0]  }
0xb0: {  	v10 =	vor.u32 $0x1000, v10;
	v9 =	vld [tilespmem:s20+$0x10];
	v16 =	vshra.s32 v23, $0x1F  }
0xb1: {  	v21 =	vshra.s32 v22, $0x1F;
	v24 =	vld [tilespmem:s20+$0x20];
	v16 =	vand.u32 $0x7FFFFFFF, v16  }
0xb2: {  	v25 =	vld [tilespmem:s20+$0xFFFFFFC0];
	v21 =	vand.u32 $0x7FFFFFFF, v21;
	v26 =	vshra.s32 v20, $0x1F;
	v16 =	vxor.u32 v23, v16  }
0xb3: {  	v23 =	vshra.s32 v15, $0x1F;
	v27 =	vshra.s32 v16, $0x14;
	v16 =	vshrl.u32 v16, $0xA;
	[tilespmem:v17+s12+$0x0] =	vst.idx.add.s32.msk vm4, v2  }
0xb4: {  	v17 =	vshra.s32 v19, $0x1F;
	vm4 =	veq.s32 v27, v7;
	v16 =	vand.u32 $0x3FF, v16;
	[tilespmem:v18+s12+$0x0] =	vst.idx.add.s32.msk vm6, v2  }
0xb5: {  	v18 =	vand.u32 $0x7FFFFFFF, v26;
	v26 =	vshra.s32 v9, $0x1F;
	v16 =	vor.u32 $0x1000, v16;
	[tilespmem:v14+s12+$0x0] =	vst.idx.add.s32.msk vm5, v2  }
0xb6: {  	v14 =	vand.u32 $0x7FFFFFFF, v23;
	v17 =	vand.u32 $0x7FFFFFFF, v17;
	v23 =	vshra.s32 v24, $0x1F;
	[tilespmem:v11+s12+$0x0] =	vst.idx.add.s32.msk vm3, v2  }
0xb7: {  	v26 =	vand.u32 $0x7FFFFFFF, v26;
	v11 =	vshra.s32 v25, $0x1F;
	v23 =	vand.u32 $0x7FFFFFFF, v23;
	[tilespmem:v12+s12+$0x0] =	vst.idx.add.s32.msk vm2, v2  }
0xb8: {  	v12 =	vxor.u32 v22, v21;
	v21 =	vxor.u32 v20, v18;
	v11 =	vand.u32 $0x7FFFFFFF, v11;
	[tilespmem:v13+s12+$0x0] =	vst.idx.add.s32.msk vm1, v2  }
0xb9: {  	v13 =	vxor.u32 v15, v14;
	v11 =	vxor.u32 v25, v11;
	v25 =	vxor.u32 v19, v17  }
0xba: {  	v26 =	vxor.u32 v9, v26;
	v9 =	vxor.u32 v24, v23;
	v14 =	vshrl.u32 v11, $0xA;
	[tilespmem:v16+s12+$0x0] =	vst.idx.add.s32.msk vm4, v2  }
0xbb: {  	v15 =	vshrl.u32 v12, $0xA;
	v23 =	vshrl.u32 v13, $0xA;
	v16 =	vshrl.u32 v21, $0xA;
	[tilespmem:v10+s12+$0x0] =	vst.idx.add.s32.msk vm0, v2  }
.Ltmp6:
0xbc: {  	v27 =	vshrl.u32 v26, $0xA;
	v24 =	vshrl.u32 v25, $0xA;
	v10 =	vshrl.u32 v9, $0xA;
	(pc) =	sbr.rel @p0 .LBB2_9-.Ltmp6, $4  }
0xbd: {  	v18 =	vshra.s32 v12, $0x14;
	v22 =	vshra.s32 v11, $0x14;
	v17 =	vand.u32 $0x3FF, v14  }
0xbe: {  	v20 =	vand.u32 $0x3FF, v15;
	v14 =	vshra.s32 v21, $0x14;
	v15 =	vand.u32 $0x3FF, v16  }
0xbf: {  	v19 =	vshra.s32 v13, $0x14;
	v11 =	vand.u32 $0x3FF, v23;
	v12 =	vshra.s32 v25, $0x14  }
0xc0: {  	s20 =	sadd.s32 $0x80, s20;
	v13 =	vand.u32 $0x3FF, v27;
	v21 =	vand.u32 $0x3FF, v24;
	v16 =	vshra.s32 v26, $0x14  }
0xc1: {  	v23 =	vmov s18  }
0xc2: {  	v6 =	vsub.s32 v8, v6;
	vm0 =	veq.s32 v23, v0  }
0xc3: {  	v6 =	vnsel vm0, $0x0, v6  }
0xc4: {  	(xrf0) =	vadd.scan.msk.s32 $0xffff, v6;
	_ =	sdelay $0x5  }
0xc5: {  	v6, _, _ =	vpop (xrf0)  }
0xc6: {  	(v2sf) =	vpush v6, $0xF;
	_ =	sdelay $0x9  }
0xc7: {  	vm1 =	veq.s32 v18, v7  }
0xc8: {  	vm15 =	veq.s32 v22, v7;
	v61 =	vor.u32 $0x1000, v20  }
0xc9: {  	vm2 =	veq.s32 v14, v7;
	v6 =	vor.u32 $0x1000, v17  }
0xca: {  	v62 =	vor.u32 $0x1000, v15;
	vm3 =	veq.s32 v19, v7  }
0xcb: {  	v11 =	vor.u32 $0x1000, v11;
	vm4 =	veq.s32 v12, v7  }
0xcc: {  	v9 =	vshra.s32 v9, $0x14;
	v63 =	vor.u32 $0x1000, v21;
	vm5 =	veq.s32 v16, v7;
	s31 =	spop (v2sf)  }
0xcd: {  	v10 =	vand.u32 $0x3FF, v10;
	v13 =	vor.u32 $0x1000, v13;
	vm6 =	veq.s32 v9, v7;
	[tilespmem:v61+s12+$0x0] =	vst.idx.add.s32.msk vm1, v2;
	s18 =	ssub.s32 $0x100, s31  }
0xce: {  	[tilespmem:v6+s12+$0x0] =	vst.idx.add.s32.msk vm15, v2;
	v6 =	vor.u32 $0x1000, v10;
	p0 =	slt.s32 s18, $0x1  }
.Ltmp7:
0xcf: {  	[tilespmem:v62+s12+$0x0] =	vst.idx.add.s32.msk vm2, v2;
	(pc) =	sbr.rel @p0 .LBB2_13-.Ltmp7, $4  }
0xd0: {  	[tilespmem:v11+s12+$0x0] =	vst.idx.add.s32.msk vm3, v2  }
0xd1: {  	s22 =	simm.s32 $0x0;
	[tilespmem:v63+s12+$0x0] =	vst.idx.add.s32.msk vm4, v2  }
0xd2: {  	s23 =	simm.s32 $0x193F0;
	s19 =	simm.s32 $0x0;
	s25 =	simm.s32 $0x0;
	[tilespmem:v13+s12+$0x0] =	vst.idx.add.s32.msk vm5, v2  }
0xd3: {  	s26 =	simm.s32 $0x0;
	s24 =	simm.s32 $0x0;
	s20 =	simm.s32 $0x0;
	[tilespmem:v6+s12+$0x0] =	vst.idx.add.s32.msk vm6, v2  }
.LBB2_11:
0xd4: {  	v6 =	vld [tilespmem:s23+$0xFFFFFF10]  }
0xd5: {  	v7 =	vld [tilespmem:s23+$0xFFFFFF20]  }
0xd6: {  	v8 =	vld [tilespmem:s23+$0xFFFFFF30]  }
0xd7: {  	v9 =	vld [tilespmem:s23+$0xFFFFFF40]  }
0xd8: {  	v10 =	vld [tilespmem:s23+$0xFFFFFF50]  }
0xd9: {  	v11 =	vld [tilespmem:s23+$0xFFFFFF60]  }
0xda: {  	v6 =	vadd.s32 v6, v7;
	v7 =	vld [tilespmem:s23+$0xFFFFFF70]  }
0xdb: {  	v56 =	vld [tilespmem:s23+$0xFFFFFF80];
	v6 =	vadd.s32 v8, v6  }
0xdc: {  	v57 =	vld [tilespmem:s23+$0xFFFFFF90];
	v6 =	vadd.s32 v9, v6  }
0xdd: {  	v58 =	vld [tilespmem:s23+$0xFFFFFFA0];
	v6 =	vadd.s32 v10, v6  }
0xde: {  	v59 =	vld [tilespmem:s23+$0xFFFFFFB0];
	v6 =	vadd.s32 v11, v6  }
0xdf: {  	v6 =	vadd.s32 v7, v6;
	v7 =	vld [tilespmem:s23+$0xFFFFFFC0]  }
0xe0: {  	v60 =	vld [tilespmem:s23+$0xFFFFFFD0];
	v6 =	vadd.s32 v56, v6  }
0xe1: {  	v61 =	vld [tilespmem:s23+$0xFFFFFFE0];
	v6 =	vadd.s32 v57, v6  }
0xe2: {  	v62 =	vld [tilespmem:s23+$0xFFFFFFF0];
	v6 =	vadd.s32 v58, v6  }
0xe3: {  	v63 =	vld [tilespmem:s23+$0x0];
	v6 =	vadd.s32 v59, v6  }
0xe4: {  	v6 =	vadd.s32 v7, v6  }
0xe5: {  	v6 =	vadd.s32 v60, v6  }
0xe6: {  	v6 =	vadd.s32 v61, v6  }
0xe7: {  	v6 =	vadd.s32 v62, v6  }
0xe8: {  	v6 =	vadd.s32 v63, v6  }
0xe9: {  	(xrf0) =	vadd.scan.msk.s32 $0xffff, v6;
	_ =	sdelay $0x5  }
0xea: {  	v6, _, _ =	vpop (xrf0)  }
0xeb: {  	(v2sf) =	vpush v6, $0xF;
	_ =	sdelay $0xe  }
0xec: {  	s24 =	spop (v2sf)  }
0xed: {  	s20 =	smov.u32 s25;
	p0 =	sgt.u32 s26, $0x2;
	s25 =	sadd.s32 s25, s24  }
0xee: {  	p1 =	slt.s32 @!p0 s25, s18  }
0xef: {  	p1 =	por p0, !p1  }
.Ltmp8:
0xf0: {  	_ = 	snop;
	(pc) =	sbr.rel @!p1 .LBB2_11-.Ltmp8, $2  }
0xf1: {  	_ =	sdelay $0x2  }
0xf2: {  	s26 =	sadd.s32 $0x1, s26;
	s19 =	sadd.s32 $0xFFFFFF00, s19;
	s23 =	sadd.s32 $0xFFFFFF00, s23  }
0xf3: {  	s19 =	smov.u32 @p0 s19  }
0xf4: {  	s20 =	smov.u32 @p0 s20;
	s24 =	smov.u32 s19  }
.LBB2_13:
0xf5: {  	p0 =	sge.s32 s20, s18  }
.Ltmp9:
0xf6: {  	_ = 	snop;
	(pc) =	sbr.rel @p0 .LBB2_14-.Ltmp9, $2  }
0xf7: {  	_ =	sdelay $0x2  }
0xf8: {  	v30 =	vimm.s32 $0x0  }
0xf9: {  	s19 =	sshll.u32 s24, $0x2  }
0xfa: {  	s19 =	sshra.s32 s19, $0x2  }
0xfb: {  	s22 =	simm.s32 $0x0;
	s23 =	simm.s32 $0x0;
	s19 =	sadd.s32 $0x194F0, s19  }
.LBB2_16:
0xfc: {  	v6 =	vld [tilespmem:s19+$0x0];
	_ =	sdelay $0x4  }
0xfd: {  	(xrf0) =	vadd.scan.msk.s32 $0xffff, v6;
	_ =	sdelay $0x5  }
0xfe: {  	v7, _, _ =	vpop (xrf0)  }
0xff: {  	(v2sf) =	vpush v7, $0xF;
	_ =	sdelay $0xe  }
0x100: {  	s25 =	spop (v2sf)  }
0x101: {  	p0 =	sgt.u32 s23, $0xE;
	s20 =	sadd.s32 s20, s25  }
0x102: {  	p1 =	slt.s32 @!p0 s20, s18  }
0x103: {  	p1 =	por p0, !p1  }
.Ltmp10:
0x104: {  	_ = 	snop;
	(pc) =	sbr.rel @!p1 .LBB2_16-.Ltmp10, $2  }
0x105: {  	_ =	sdelay $0x2  }
0x106: {  	s23 =	sadd.s32 $0x1, s23;
	s22 =	sadd.s32 $0xFFFFFFF0, s22;
	s19 =	sadd.s32 $0xFFFFFFF0, s19  }
.Ltmp11:
0x107: {  	(pc) =	sbr.rel .LBB2_18-.Ltmp11, $2  }
0x108: {  	_ =	sdelay $0x2  }
0x109: {  	s22 =	smov.u32 @p0 s22;
	s20 =	smov.u32 @p0 s20;
	v6 =	vpsel p0, v6, v6  }
.LBB2_14:
0x10a: {  	v6 =	vimm.s32 $0x0  }
.LBB2_18:
0x10b: {  	v14 =	vperm.xlane v6, v3;
	_ =	sdelay $0x1  }
0x10c: {  	(xrf0) =	vadd.scan.msk.s32 $0xffff, v14;
	_ =	sdelay $0x5  }
0x10d: {  	v6, _, _ =	vpop (xrf0)  }
0x10e: {  	(v2sf) =	vpush v6, $0xF;
	_ =	sdelay $0xe  }
0x10f: {  	s19 =	spop (v2sf)  }
0x110: {  	s19 =	ssub.s32 s20, s19  }
0x111: {  	v15 =	vadd.s32 s19, v6  }
0x112: {  	vm0 =	vlt.s32 v15, s18  }
0x113: {  	v6 =	vsel vm0, $0x80000010, v4  }
0x114: {  	(xrf0) =	vmin.scan.msk.u32 $0xffff, v6;
	_ =	sdelay $0x5  }
0x115: {  	s19 =	simm.s32 $0x40;
	v6, _, _ =	vpop (xrf0)  }
0x116: {  	v13 =	vld [tilespmem:s19+$0xFFFFFFD0];
	(v2sf) =	vpush v6, $0xF  }
0x117: {  	v7 =	vld [tilespmem:s19+$0x30]  }
0x118: {  	v11 =	vld [tilespmem:s19+$0xFFFFFFE0]  }
0x119: {  	v9 =	vld [tilespmem:s19+$0x0]  }
0x11a: {  	v16 =	vld [tilespmem:s19+$0x10]  }
0x11b: {  	v10 =	vld [tilespmem:s19+$0x20]  }
0x11c: {  	v20 =	vld [tilespmem:s19+$0xFFFFFFF0];
	_ =	sdelay $0x1  }
0x11d: {  	s29 =	simm.s32 $0x70;
	s30 =	simm.s32 $0x20  }
0x11e: {  	v8 =	vor.u32 s29, v0;
	v12 =	vor.u32 s30, v0;
	v17 =	vshra.s32 v13, $0x1F  }
0x11f: {  	v18 =	vshra.s32 v7, $0x1F;
	v21 =	vshra.s32 v11, $0x1F;
	v25 =	vshra.s32 v16, $0x1F  }
0x120: {  	v26 =	vshra.s32 v9, $0x1F;
	v27 =	vshra.s32 v20, $0x1F;
	v29 =	vshra.s32 v10, $0x1F  }
0x121: {  	v17 =	vand.u32 $0x7FFFFFFF, v17;
	v18 =	vand.u32 $0x7FFFFFFF, v18;
	v22 =	vand.u32 $0x7FFFFFFF, v21  }
0x122: {  	v27 =	vand.u32 $0x7FFFFFFF, v27;
	v26 =	vand.u32 $0x7FFFFFFF, v26;
	v25 =	vand.u32 $0x7FFFFFFF, v25  }
0x123: {  	v29 =	vand.u32 $0x7FFFFFFF, v29;
	v17 =	vxor.u32 v13, v17;
	v32 =	vxor.u32 v7, v18  }
0x124: {  	v34 =	vxor.u32 v20, v27;
	v35 =	vxor.u32 v9, v26;
	v36 =	vxor.u32 v11, v22;
	s28 =	spop (v2sf)  }
0x125: {  	s22 =	sadd.s32 s22, s24;
	s31 =	simm.s32 $0x50;
	v25 =	vxor.u32 v16, v25;
	v38 =	vxor.u32 v10, v29;
	v19 =	vshra.s32 v17, $0xA;
	s20 =	sxor.u32 $0x80000000, s28  }
0x126: {  	s21 =	sshll.u32 s21, $0xA;
	v21 =	vld [tilespmem:s19+$0xFFFFFFC0];
	v23 =	vand.u32 $0x3FF, v17;
	v18 =	vshra.s32 v32, $0xA;
	v17 =	vor.u32 s31, v0;
	s22 =	ssub.s32 s22, s20  }
0x127: {  	s17 =	ssub.s32 s17, s21;
	v27 =	vshra.s32 v34, $0xA;
	v22 =	vshra.s32 v36, $0xA;
	v36 =	vand.u32 $0x3FF, v36;
	s22 =	sadd.s32 $0x50F, s22  }
0x128: {  	v29 =	vshra.s32 v25, $0xA;
	v34 =	vand.u32 $0x3FF, v34;
	v55 =	vand.u32 $0x3FF, v38;
	s17 =	sor.u32 s17, s22  }
0x129: {  	v32 =	vand.u32 $0x3FF, v32;
	v36 =	vor.u32 $0x1400, v36;
	v6 =	vmov s17  }
0x12a: {  	v34 =	vor.u32 $0x1400, v34;
	v58 =	vor.u32 $0x1400, v55;
	vm2 =	veq.s32 v18, v6  }
0x12b: {  	v31 =	vshra.s32 v21, $0x1F;
	vm0 =	veq.s32 v19, v6;
	v28 =	vsel vm2, $0x1, v1  }
0x12c: {  	v31 =	vand.u32 $0x7FFFFFFF, v31;
	vm1 =	veq.s32 v22, v6;
	(xrf0) =	vadd.scan.msk.s32 $0xffff, v28;
	v28 =	vsel vm0, $0x1, v1  }
0x12d: {  	v26 =	vxor.u32 v21, v31;
	v31 =	vand.u32 $0x3FF, v35;
	(xrf0) =	vadd.scan.msk.s32 $0xffff, v28;
	v28 =	vsel vm1, $0x1, v1  }
0x12e: {  	v35 =	vshra.s32 v35, $0xA;
	v37 =	vshra.s32 v26, $0xA;
	v26 =	vand.u32 $0x3FF, v26;
	(xrf0) =	vadd.scan.msk.s32 $0xffff, v28  }
0x12f: {  	v44 =	vor.u32 $0x1400, v31;
	v40 =	vor.u32 $0x1400, v26;
	vm6 =	veq.s32 v37, v6  }
0x130: {  	vm7 =	vlt.s32 v37, v6;
	vm4 =	veq.s32 v29, v6;
	v42 =	vsel vm6, $0x1, v1  }
0x131: {  	vm8 =	veq.s32 v27, v6;
	vm5 =	veq.s32 v35, v6;
	vm9 =	vlt.s32 v35, v6;
	(xrf0) =	vadd.scan.msk.s32 $0xffff, v42  }
0x132: {  	v24 =	vmpcnt.ones.xlane vm2;
	v52 =	vsel vm8, $0x1, v1;
	v28 =	vshra.s32 v38, $0xA;
	v41, _, _ =	vpop (xrf0)  }
0x133: {  	v26 =	vmpcnt.ones.xlane vm6;
	v50 =	vsel vm4, $0x1, v1;
	vm3 =	veq.s32 v28, v6;
	v51, _, _ =	vpop (xrf0);
	(xrf0) =	vadd.scan.msk.s32 $0xffff, v52  }
0x134: {  	v33 =	vmpcnt.ones.xlane vm0;
	v39 =	vmpcnt.ones.xlane vm1;
	v53 =	vsel vm3, $0x1, v1;
	v31, _, _ =	vpop (xrf0);
	(xrf0) =	vadd.scan.msk.s32 $0xffff, v50  }
0x135: {  	v43 =	vmpcnt.ones.xlane vm8;
	v45 =	vmpcnt.ones.xlane vm4;
	v26 =	vadd.s32 v30, v26;
	(xrf0) =	vadd.scan.msk.s32 $0xffff, v53  }
0x136: {  	v54 =	vsel vm5, $0x1, v1;
	v57 =	vmpcnt.ones.xlane vm5;
	v33 =	vadd.s32 v26, v33;
	[tilespmem:v40+s12+$0x0] =	vst.idx.add.s32.msk vm6, v2  }
0x137: {  	[tilespmem:v34+s12+$0x0] =	vst.idx.add.s32.msk vm8, v2;
	v59 =	vmpcnt.ones.xlane vm3;
	v31 =	vadd.s32 v31, v33;
	v33 =	vadd.s32 v33, v39;
	v56, _, _ =	vpop (xrf0)  }
0x138: {  	v42 =	vadd.s32 v51, v26;
	v30 =	vadd.s32 v56, v30;
	v38 =	vadd.s32 v33, v43  }
0x139: {  	v26 =	vadd.s32 $0xFFFFFFFF, v42;
	(xrf0) =	vadd.scan.msk.s32 $0xffff, v54;
	v37 =	vadd.s32 $0xFFFFFFFF, v30;
	v30 =	vadd.s32 v38, v57;
	v60, _, _ =	vpop (xrf0)  }
0x13a: {  	[tilespmem:v36+s12+$0x0] =	vst.idx.add.s32.msk vm1, v2;
	v39 =	vor.u32 $0x1400, v32;
	v61 =	vadd.s32 v30, v45;
	v33 =	vadd.s32 v60, v33;
	v62, _, _ =	vpop (xrf0)  }
0x13b: {  	s24 =	simm.s32 $0x30;
	[tilespmem:v44+s12+$0x0] =	vst.idx.add.s32.msk vm5, v2;
	v36 =	vadd.s32 $0xFFFFFFFF, v33;
	v32 =	vadd.s32 v62, v30;
	v30 =	vadd.s32 v61, v59;
	v63, _, _ =	vpop (xrf0)  }
0x13c: {  	s23 =	simm.s32 $0xC0;
	s21 =	simm.s32 $0x0;
	s22 =	simm.s32 $0x80;
	[tilespmem:v58+s12+$0x0] =	vst.idx.add.s32.msk vm3, v2;
	v34 =	vadd.s32 $0xFFFFFFFF, v32;
	v33 =	vadd.s32 v63, v61;
	v32 =	vadd.s32 v41, v30  }
.LBB2_19:
0x13d: {  	s25 =	sadd.s32 $0x70, s22;
	v41 =	vor.u32 s24, v0  }
0x13e: {  	v40 =	vld [tilespmem:s23+$0x0];
	p0 =	slt.u32 s22, $0x7F80;
	vm11 =	vlt.s32 v27, v6;
	v30 =	vadd.s32 v30, v24;
	vm10 =	vmmov vm2;
	s24 =	smov.u32 s22;
	s22 =	sadd.s32 $0x80, s22  }
0x13f: {  	v24 =	vld [tilespmem:s23+$0xFFFFFFD0];
	s26 =	sadd.s32 $0x20, s24;
	v35 =	vor.u32 s25, v0;
	v20 =	vsel vm11, $0x0, v20;
	vm11 =	vlt.s32 v28, v6;
	v27, _, _ =	vpop (xrf0)  }
0x140: {  	vm12 =	vlt.s32 v29, v6;
	v28 =	vor.u32 s26, v0;
	v42 =	vld [tilespmem:s23+$0x30];
	v27 =	vadd.s32 v27, v38  }
0x141: {  	v23 =	vor.u32 $0x1400, v23;
	v25 =	vand.u32 $0x3FF, v25;
	v27 =	vadd.s32 $0xFFFFFFFF, v27;
	[tilespmem:v39+s12+$0x0] =	vst.idx.add.s32.msk vm2, v2  }
0x142: {  	v25 =	vor.u32 $0x1400, v25;
	vm2 =	vlt.s32 v19, v6;
	v29 =	vld [tilespmem:s23+$0xFFFFFFE0];
	[tilespmem:v36+s13+$0x0] =	vst.idx.msk vm8, v41;
	vm8 =	vlt.s32 v18, v6  }
0x143: {  	s25 =	sadd.s32 $0x40, s21;
	v19 =	vor.u32 s21, v0;
	v38 =	vsel vm2, $0x0, v13;
	v18 =	vld [tilespmem:s23+$0x20];
	[tilespmem:s19+$0xFFFFFFF0] =	vst v20;
	v39 =	vsel vm8, $0x0, v7  }
0x144: {  	v36 =	vshra.s32 v24, $0x1F;
	v41 =	vld [tilespmem:s23+$0x10];
	[tilespmem:v37+s13+$0x0] =	vst.idx.msk vm6, v19;
	v19 =	vsel vm7, $0x0, v21;
	v37 =	vor.u32 s25, v0;
	s25 =	sadd.s32 $0x60, s21;
	v13 =	vmovc v24  }
0x145: {  	s26 =	sadd.s32 $0x10, s21;
	s21 =	smov.u32 s24;
	v21 =	vand.u32 $0x7FFFFFFF, v36;
	v20 =	vld [tilespmem:s23+$0xFFFFFFF0];
	v24 =	vshra.s32 v42, $0x1F;
	[tilespmem:s19+$0xFFFFFFC0] =	vst v19;
	v43 =	vor.u32 s25, v0;
	v7 =	vmovc v42  }
0x146: {  	v44 =	vsel vm12, $0x0, v16;
	v42 =	vxor.u32 v13, v21;
	[tilespmem:v23+s12+$0x0] =	vst.idx.add.s32.msk vm0, v2;
	v21 =	vor.u32 s26, v0  }
0x147: {  	v23 =	vand.u32 $0x7FFFFFFF, v24;
	v19 =	vshra.s32 v42, $0xA;
	v45 =	vshra.s32 v29, $0x1F;
	[tilespmem:v25+s12+$0x0] =	vst.idx.add.s32.msk vm4, v2  }
0x148: {  	v25 =	vand.u32 $0x7FFFFFFF, v45;
	[tilespmem:v26+s13+$0x0] =	vst.idx.msk vm0, v21;
	v26 =	vadd.s32 $0xFFFFFFFF, v31;
	v31 =	vsel vm9, $0x0, v9;
	v9 =	vmovc v40  }
0x149: {  	s24 =	sadd.s32 $0x50, s21;
	v36 =	vxor.u32 v7, v23;
	v40 =	vshra.s32 v41, $0x1F;
	[tilespmem:s19+$0xFFFFFFD0] =	vst v38;
	v38 =	vsel vm11, $0x0, v10;
	v10 =	vmovc v18;
	v16 =	vmovc v41  }
0x14a: {  	v23 =	vand.u32 $0x3FF, v42;
	v18 =	vshra.s32 v36, $0xA;
	v21 =	vld [tilespmem:s23+$0xFFFFFFC0];
	[tilespmem:v34+s13+$0x0] =	vst.idx.msk vm4, v17;
	v17 =	vor.u32 s24, v0  }
0x14b: {  	vm0 =	vlt.s32 v22, v6;
	v34 =	vshra.s32 v9, $0x1F;
	vm2 =	veq.s32 v18, v6;
	[tilespmem:s19+$0x10] =	vst v44  }
0x14c: {  	v42 =	vsel vm0, $0x0, v11;
	v11 =	vmovc v29;
	v22 =	vshra.s32 v20, $0x1F;
	v41 =	vsel vm2, $0x1, v1  }
0x14d: {  	v33 =	vadd.s32 $0xFFFFFFFF, v33;
	v29 =	vshra.s32 v10, $0x1F;
	v24 =	vmpcnt.ones.xlane vm2;
	(xrf0) =	vadd.scan.msk.s32 $0xffff, v41  }
0x14e: {  	vm0 =	veq.s32 v19, v6;
	v22 =	vand.u32 $0x7FFFFFFF, v22;
	v34 =	vand.u32 $0x7FFFFFFF, v34;
	[tilespmem:v26+s13+$0x0] =	vst.idx.msk vm1, v12;
	v12 =	vmovc v28  }
0x14f: {  	v41 =	vmpcnt.ones.xlane vm0;
	v28 =	vadd.s32 $0xFFFFFFFF, v32;
	v26 =	vshra.s32 v21, $0x1F;
	[tilespmem:v27+s13+$0x0] =	vst.idx.msk vm5, v37  }
0x150: {  	v34 =	vxor.u32 v9, v34;
	v32 =	vxor.u32 v20, v22;
	v26 =	vand.u32 $0x7FFFFFFF, v26;
	[tilespmem:s19+$0xFFFFFFE0] =	vst v42  }
0x151: {  	v27 =	vshra.s32 v32, $0xA;
	v37 =	vand.u32 $0x3FF, v34;
	v26 =	vxor.u32 v21, v26;
	[tilespmem:s19+$0x0] =	vst v31  }
0x152: {  	v42 =	vxor.u32 v11, v25;
	v25 =	vand.u32 $0x7FFFFFFF, v40;
	v31 =	vsel vm0, $0x1, v1;
	[tilespmem:v33+s13+$0x0] =	vst.idx.msk vm3, v43  }
0x153: {  	v29 =	vand.u32 $0x7FFFFFFF, v29;
	v22 =	vshra.s32 v42, $0xA;
	v25 =	vxor.u32 v16, v25;
	(xrf0) =	vadd.scan.msk.s32 $0xffff, v31;
	v40, _, _ =	vpop (xrf0)  }
0x154: {  	vm1 =	veq.s32 v22, v6;
	v33 =	vand.u32 $0x3FF, v42;
	v31 =	vshra.s32 v26, $0xA;
	[tilespmem:s19+$0x20] =	vst v38  }
0x155: {  	v42 =	vxor.u32 v10, v29;
	vm6 =	veq.s32 v31, v6;
	v38 =	vsel vm1, $0x1, v1;
	[tilespmem:v28+s13+$0x0] =	vst.idx.msk vm10, v8  }
0x156: {  	v29 =	vshra.s32 v25, $0xA;
	v26 =	vand.u32 $0x3FF, v26;
	v43 =	vmpcnt.ones.xlane vm1;
	v8 =	vmovc v35;
	(xrf0) =	vadd.scan.msk.s32 $0xffff, v38  }
0x157: {  	v35 =	vor.u32 $0x1400, v26;
	v26 =	vmpcnt.ones.xlane vm6;
	v28 =	vshra.s32 v42, $0xA;
	[tilespmem:s19+$0x30] =	vst v39;
	s19 =	smov.u32 s23  }
0x158: {  	vm4 =	veq.s32 v29, v6;
	vm7 =	vlt.s32 v31, v6;
	v39 =	vsel vm6, $0x1, v1  }
0x159: {  	vm8 =	veq.s32 v27, v6;
	v31 =	vsel vm4, $0x1, v1;
	v26 =	vadd.s32 v30, v26;
	(xrf0) =	vadd.scan.msk.s32 $0xffff, v39;
	v38, _, _ =	vpop (xrf0)  }
0x15a: {  	v39 =	vadd.s32 v26, v41;
	v41 =	vmpcnt.ones.xlane vm8;
	v38 =	vadd.s32 v38, v26  }
0x15b: {  	v33 =	vor.u32 $0x1400, v33;
	v26 =	vadd.s32 $0xFFFFFFFF, v38;
	v38 =	vsel vm8, $0x1, v1  }
0x15c: {  	v32 =	vand.u32 $0x3FF, v32;
	v44 =	vor.u32 $0x1400, v37;
	vm3 =	veq.s32 v28, v6;
	v37, _, _ =	vpop (xrf0);
	(xrf0) =	vadd.scan.msk.s32 $0xffff, v38  }
0x15d: {  	v34 =	vshra.s32 v34, $0xA;
	v32 =	vor.u32 $0x1400, v32;
	v46 =	vsel vm3, $0x1, v1;
	(xrf0) =	vadd.scan.msk.s32 $0xffff, v31  }
0x15e: {  	vm5 =	veq.s32 v34, v6;
	v45 =	vmpcnt.ones.xlane vm4;
	v31 =	vadd.s32 v37, v39;
	(xrf0) =	vadd.scan.msk.s32 $0xffff, v46  }
0x15f: {  	v39 =	vadd.s32 v39, v43;
	v43 =	vsel vm5, $0x1, v1;
	v37 =	vand.u32 $0x3FF, v42;
	v38, _, _ =	vpop (xrf0)  }
0x160: {  	v46 =	vmpcnt.ones.xlane vm5;
	v42 =	vor.u32 $0x1400, v37;
	[tilespmem:v35+s12+$0x0] =	vst.idx.add.s32.msk vm6, v2;
	v30 =	vadd.s32 v38, v30  }
.Ltmp12:
0x161: {  	vm9 =	vlt.s32 v34, v6;
	v38 =	vadd.s32 v39, v41;
	v37 =	vadd.s32 $0xFFFFFFFF, v30;
	(xrf0) =	vadd.scan.msk.s32 $0xffff, v43;
	(pc) =	sbr.rel @p0 .LBB2_19-.Ltmp12, $4  }
0x162: {  	v36 =	vand.u32 $0x3FF, v36;
	v41 =	vmpcnt.ones.xlane vm3;
	v30 =	vadd.s32 v38, v46;
	[tilespmem:v32+s12+$0x0] =	vst.idx.add.s32.msk vm8, v2;
	v35, _, _ =	vpop (xrf0)  }
0x163: {  	[tilespmem:v33+s12+$0x0] =	vst.idx.add.s32.msk vm1, v2;
	v33 =	vadd.s32 v35, v39;
	v35 =	vadd.s32 v30, v45;
	v39 =	vor.u32 $0x1400, v36;
	v34, _, _ =	vpop (xrf0)  }
0x164: {  	v36 =	vadd.s32 $0xFFFFFFFF, v33;
	[tilespmem:v44+s12+$0x0] =	vst.idx.add.s32.msk vm5, v2;
	v33 =	vadd.s32 v34, v30;
	v30 =	vadd.s32 v35, v41;
	v32, _, _ =	vpop (xrf0)  }
0x165: {  	s24 =	sadd.s32 $0x30, s21;
	s23 =	sadd.s32 $0x80, s23;
	v34 =	vadd.s32 $0xFFFFFFFF, v33;
	[tilespmem:v42+s12+$0x0] =	vst.idx.add.s32.msk vm3, v2;
	v33 =	vadd.s32 v32, v35;
	v32 =	vadd.s32 v40, v30  }
0x166: {  	v35 =	vmov s20  }
0x167: {  	v14 =	vsub.s32 v15, v14;
	vm10 =	veq.s32 v35, v0  }
0x168: {  	v14 =	vnsel vm10, $0x0, v14  }
0x169: {  	(xrf0) =	vadd.scan.msk.s32 $0xffff, v14;
	_ =	sdelay $0x4  }
0x16a: {  	v46 =	vadd.s32 v30, v24;
	v48, _, _ =	vpop (xrf0)  }
0x16b: {  	v47 =	vxor.u32 $0x80000000, v46;
	v49, _, _ =	vpop (xrf0)  }
0x16c: {  	(xrf0) =	vmax.scan.msk.u32 $0xffff, v47;
	(v2sf) =	vpush v49, $0xF;
	_ =	sdelay $0x3  }
0x16d: {  	v50 =	vor.u32 s24, v0;
	v51 =	vor.u32 $0x1400, v23;
	[tilespmem:v39+s12+$0x0] =	vst.idx.add.s32.msk vm2, v2  }
0x16e: {  	vm15 =	vlt.s32 v27, v6;
	v54 =	vor.u32 s21, v0;
	v57 =	vadd.s32 $0xFFFFFFFF, v31;
	[tilespmem:v36+s13+$0x0] =	vst.idx.msk vm8, v50  }
0x16f: {  	v52 =	vand.u32 $0x3FF, v25;
	v59 =	vadd.s32 $0xFFFFFFFF, v33;
	v20 =	vsel vm15, $0x0, v20;
	[tilespmem:v37+s13+$0x0] =	vst.idx.msk vm6, v54;
	v53, _, _ =	vpop (xrf0)  }
0x170: {  	v55 =	vsel vm7, $0x0, v21;
	v23 =	vor.u32 $0x1400, v52;
	[tilespmem:s19+$0xFFFFFFF0] =	vst v20;
	(v2sf) =	vpush v53, $0xF  }
0x171: {  	[tilespmem:s19+$0xFFFFFFC0] =	vst v55  }
0x172: {  	s30 =	sadd.s32 $0x60, s21;
	[tilespmem:v51+s12+$0x0] =	vst.idx.add.s32.msk vm0, v2  }
0x173: {  	vm12 =	vmmov vm2;
	v62 =	vor.u32 s30, v0;
	[tilespmem:v57+s13+$0x0] =	vst.idx.msk vm1, v12  }
0x174: {  	s28 =	sadd.s32 $0x10, s21;
	v61 =	vadd.s32 $0xFFFFFFFF, v32;
	[tilespmem:v59+s13+$0x0] =	vst.idx.msk vm3, v62  }
0x175: {  	vm13 =	vlt.s32 v22, v6;
	v56 =	vor.u32 s28, v0;
	[tilespmem:v23+s12+$0x0] =	vst.idx.add.s32.msk vm4, v2  }
0x176: {  	vm14 =	vlt.s32 v28, v6;
	v11 =	vsel vm13, $0x0, v11;
	[tilespmem:v26+s13+$0x0] =	vst.idx.msk vm0, v56  }
0x177: {  	v63 =	vsel vm14, $0x0, v10;
	[tilespmem:s19+$0xFFFFFFE0] =	vst v11  }
0x178: {  	vm10 =	vlt.s32 v19, v6;
	v14 =	vadd.s32 v48, v38;
	[tilespmem:s19+$0x20] =	vst v63;
	s31 =	spop (v2sf)  }
0x179: {  	v13 =	vsel vm10, $0x0, v13;
	v14 =	vadd.s32 $0xFFFFFFFF, v14;
	[tilespmem:v61+s13+$0x0] =	vst.idx.msk vm12, v8;
	s18 =	ssub.s32 s18, s31  }
0x17a: {  	vm15 =	vlt.s32 v18, v6;
	[tilespmem:s19+$0xFFFFFFD0] =	vst v13;
	p0 =	slt.s32 s18, $0x1  }
.Ltmp13:
0x17b: {  	vm11 =	vlt.s32 v29, v6;
	v6 =	vsel vm15, $0x0, v7;
	[tilespmem:v34+s13+$0x0] =	vst.idx.msk vm4, v17;
	(pc) =	sbr.rel @p0 .LBB2_23-.Ltmp13, $4  }
0x17c: {  	s29 =	sadd.s32 $0x40, s21;
	v58 =	vsel vm11, $0x0, v16;
	[tilespmem:s19+$0x30] =	vst v6  }
0x17d: {  	s21 =	simm.s32 $0x0;
	s24 =	simm.s32 $0x197F0;
	v60 =	vor.u32 s29, v0;
	[tilespmem:s19+$0x10] =	vst v58  }
0x17e: {  	v9 =	vsel vm9, $0x0, v9;
	s23 =	simm.s32 $0x0;
	s25 =	simm.s32 $0x0;
	s26 =	simm.s32 $0x0;
	[tilespmem:v14+s13+$0x0] =	vst.idx.msk vm5, v60  }
0x17f: {  	s22 =	simm.s32 $0x0;
	[tilespmem:s19+$0x0] =	vst v9;
	s19 =	simm.s32 $0x0;
	s20 =	spop (v2sf)  }
.LBB2_21:
0x180: {  	v6 =	vld [tilespmem:s24+$0xFFFFFF10]  }
0x181: {  	v7 =	vld [tilespmem:s24+$0xFFFFFF20]  }
0x182: {  	v8 =	vld [tilespmem:s24+$0xFFFFFF30]  }
0x183: {  	v9 =	vld [tilespmem:s24+$0xFFFFFF40]  }
0x184: {  	v10 =	vld [tilespmem:s24+$0xFFFFFF50]  }
0x185: {  	v11 =	vld [tilespmem:s24+$0xFFFFFF60]  }
0x186: {  	v6 =	vadd.s32 v6, v7;
	v7 =	vld [tilespmem:s24+$0xFFFFFF70]  }
0x187: {  	v56 =	vld [tilespmem:s24+$0xFFFFFF80];
	v6 =	vadd.s32 v8, v6  }
0x188: {  	v57 =	vld [tilespmem:s24+$0xFFFFFF90];
	v6 =	vadd.s32 v9, v6  }
0x189: {  	v58 =	vld [tilespmem:s24+$0xFFFFFFA0];
	v6 =	vadd.s32 v10, v6  }
0x18a: {  	v59 =	vld [tilespmem:s24+$0xFFFFFFB0];
	v6 =	vadd.s32 v11, v6  }
0x18b: {  	v6 =	vadd.s32 v7, v6;
	v7 =	vld [tilespmem:s24+$0xFFFFFFC0]  }
0x18c: {  	v60 =	vld [tilespmem:s24+$0xFFFFFFD0];
	v6 =	vadd.s32 v56, v6  }
0x18d: {  	v61 =	vld [tilespmem:s24+$0xFFFFFFE0];
	v6 =	vadd.s32 v57, v6  }
0x18e: {  	v62 =	vld [tilespmem:s24+$0xFFFFFFF0];
	v6 =	vadd.s32 v58, v6  }
0x18f: {  	v63 =	vld [tilespmem:s24+$0x0];
	v6 =	vadd.s32 v59, v6  }
0x190: {  	v6 =	vadd.s32 v7, v6  }
0x191: {  	v6 =	vadd.s32 v60, v6  }
0x192: {  	v6 =	vadd.s32 v61, v6  }
0x193: {  	v6 =	vadd.s32 v62, v6  }
0x194: {  	v6 =	vadd.s32 v63, v6  }
0x195: {  	(xrf0) =	vadd.scan.msk.s32 $0xffff, v6;
	_ =	sdelay $0x5  }
0x196: {  	v6, _, _ =	vpop (xrf0)  }
0x197: {  	(v2sf) =	vpush v6, $0xF;
	_ =	sdelay $0xe  }
0x198: {  	s19 =	spop (v2sf)  }
0x199: {  	s22 =	smov.u32 s25;
	p0 =	sgt.u32 s26, $0x2;
	s25 =	sadd.s32 s25, s19  }
0x19a: {  	p1 =	slt.s32 @!p0 s25, s18  }
0x19b: {  	p1 =	por p0, !p1  }
.Ltmp14:
0x19c: {  	_ = 	snop;
	(pc) =	sbr.rel @!p1 .LBB2_21-.Ltmp14, $2  }
0x19d: {  	_ =	sdelay $0x2  }
0x19e: {  	s26 =	sadd.s32 $0x1, s26;
	s23 =	sadd.s32 $0xFFFFFF00, s23;
	s24 =	sadd.s32 $0xFFFFFF00, s24  }
0x19f: {  	s23 =	smov.u32 @p0 s23  }
0x1a0: {  	s22 =	smov.u32 @p0 s22;
	s19 =	smov.u32 s23  }
.LBB2_23:
0x1a1: {  	p0 =	sge.s32 s22, s18  }
.Ltmp15:
0x1a2: {  	_ = 	snop;
	(pc) =	sbr.rel @p0 .LBB2_27-.Ltmp15, $2  }
0x1a3: {  	_ =	sdelay $0x2  }
0x1a4: {  	v6 =	vimm.s32 $0x0  }
0x1a5: {  	s21 =	sshll.u32 s19, $0x2  }
0x1a6: {  	s21 =	sshra.s32 s21, $0x2  }
0x1a7: {  	s24 =	simm.s32 $0x0;
	s23 =	sadd.s32 $0x198F0, s21;
	s21 =	simm.s32 $0x0  }
.LBB2_25:
0x1a8: {  	v6 =	vld [tilespmem:s23+$0x0];
	_ =	sdelay $0x4  }
0x1a9: {  	(xrf0) =	vadd.scan.msk.s32 $0xffff, v6;
	_ =	sdelay $0x5  }
0x1aa: {  	v7, _, _ =	vpop (xrf0)  }
0x1ab: {  	(v2sf) =	vpush v7, $0xF;
	_ =	sdelay $0xe  }
0x1ac: {  	s25 =	spop (v2sf)  }
0x1ad: {  	p0 =	sgt.u32 s24, $0xE;
	s22 =	sadd.s32 s22, s25  }
0x1ae: {  	p1 =	slt.s32 @!p0 s22, s18  }
0x1af: {  	p1 =	por p0, !p1  }
.Ltmp16:
0x1b0: {  	_ = 	snop;
	(pc) =	sbr.rel @!p1 .LBB2_25-.Ltmp16, $2  }
0x1b1: {  	_ =	sdelay $0x2  }
0x1b2: {  	s24 =	sadd.s32 $0x1, s24;
	s21 =	sadd.s32 $0xFFFFFFF0, s21;
	s23 =	sadd.s32 $0xFFFFFFF0, s23  }
0x1b3: {  	s21 =	smov.u32 @p0 s21;
	s22 =	smov.u32 @p0 s22;
	v6 =	vpsel p0, v6, v6  }
.LBB2_27:
0x1b4: {  	s23 =	sadd.s32 $0x8000000F, s20  }
0x1b5: {  	s24 =	sand.u32 $0xF, s23  }
0x1b6: {  	s25 =	sshra.s32 s23, $0x1F;
	p0 =	slt.s32 s23, $0x1;
	p1 =	sne.s32 s24, $0x0  }
0x1b7: {  	s31 =	sshrl.u32 s25, $0x1C;
	p0 =	por !p0, !p1  }
0x1b8: {  	s24 =	simm.s32 $0x1;
	s23 =	sadd.s32 s31, s23;
	p0 =	por !p0, !p0  }
0x1b9: {  	s23 =	sshra.s32 s23, $0x4;
	s24 =	simm.s32 @!p0 $0x0  }
0x1ba: {  	s23 =	ssub.s32 s23, s24  }
0x1bb: {  	p0 =	slt.s32 s23, $0x1  }
.Ltmp17:
0x1bc: {  	_ = 	snop;
	(pc) =	sbr.rel @p0 .LBB2_30-.Ltmp17, $1  }
0x1bd: {  	_ =	sdelay $0x3  }
0x1be: {  	v6 =	vperm.xlane v6, v3;
	_ =	sdelay $0x1  }
0x1bf: {  	(xrf0) =	vadd.scan.msk.s32 $0xffff, v6;
	_ =	sdelay $0x5  }
0x1c0: {  	v7, _, _ =	vpop (xrf0)  }
0x1c1: {  	(v2sf) =	vpush v7, $0xF;
	_ =	sdelay $0xe  }
0x1c2: {  	s24 =	spop (v2sf)  }
0x1c3: {  	s22 =	ssub.s32 s22, s24  }
0x1c4: {  	v7 =	vadd.s32 s22, v7  }
0x1c5: {  	vm0 =	vlt.s32 v7, s18  }
0x1c6: {  	v8 =	vsel vm0, $0x80000010, v4  }
0x1c7: {  	(xrf0) =	vmin.scan.msk.u32 $0xffff, v8;
	_ =	sdelay $0x5  }
0x1c8: {  	v8, _, _ =	vpop (xrf0)  }
0x1c9: {  	(v2sf) =	vpush v8, $0xF;
	_ =	sdelay $0xe  }
0x1ca: {  	s29 =	spop (v2sf)  }
0x1cb: {  	s22 =	sxor.u32 $0x80000000, s29  }
0x1cc: {  	v8 =	vmov s22  }
0x1cd: {  	v6 =	vsub.s32 v7, v6;
	vm15 =	veq.s32 v8, v0  }
0x1ce: {  	v6 =	vnsel vm15, $0x0, v6  }
0x1cf: {  	(xrf0) =	vadd.scan.msk.s32 $0xffff, v6;
	_ =	sdelay $0x5  }
0x1d0: {  	v6, _, _ =	vpop (xrf0)  }
0x1d1: {  	(v2sf) =	vpush v6, $0xF;
	_ =	sdelay $0xc  }
0x1d2: {  	s19 =	sadd.s32 s21, s19  }
0x1d3: {  	s17 =	sshll.u32 s17, $0xA;
	s19 =	ssub.s32 s19, s22  }
0x1d4: {  	s20 =	sxor.u32 $0x80000000, s20;
	s19 =	sadd.s32 $0x50F, s19;
	s30 =	spop (v2sf)  }
0x1d5: {  	v7 =	vmov s20;
	s17 =	sor.u32 s17, s19;
	s31 =	ssub.s32 s18, s30  }
0x1d6: {  	v8 =	vmov s17;
	s17 =	simm.s32 $0x10000;
	v6 =	vimm.s32 $0x0;
	s18 =	simm.s32 $0x0;
	v9 =	vmov s31  }
.LBB2_29:
0x1d7: {  	v10 =	vld [tilespmem:s17+$0x0]  }
0x1d8: {  	v11 =	vor.u32 s18, v0  }
0x1d9: {  	vm0 =	vlt.s32 v11, v7;
	_ =	sdelay $0x5  }
0x1da: {  	v11 =	vld.idx.msk [tilespmem:v10+s2+$0x0], vm0;
	_ =	sdelay $0x4  }
0x1db: {  	v12 =	vshra.s32 v11, $0x1F  }
0x1dc: {  	v12 =	vand.u32 $0x7FFFFFFF, v12  }
0x1dd: {  	v11 =	vxor.u32 v11, v12  }
0x1de: {  	vm1 =	veq.s32 v11, v8  }
0x1df: {  	vm1 =	vmand vm0, vm1  }
0x1e0: {  	v63 =	vsel vm1, $0x1, v1  }
0x1e1: {  	(xrf0) =	vadd.scan.msk.s32 $0xffff, v63;
	_ =	sdelay $0x5  }
0x1e2: {  	v12, _, _ =	vpop (xrf0)  }
0x1e3: {  	v12 =	vadd.s32 v6, v12  }
0x1e4: {  	vm2 =	vle.s32 v12, v9  }
0x1e5: {  	vm3 =	vgt.s32 v11, v8;
	vm2 =	vmand vm1, vm2  }
0x1e6: {  	vm2 =	vmor vm3, vm2  }
0x1e7: {  	vm2 =	vmneg vm2  }
0x1e8: {  	vm0 =	vmand vm0, vm2  }
0x1e9: {  	p0 =	sne.s32 s23, $0x1  }
.Ltmp18:
0x1ea: {  	_ = 	snop;
	(pc) =	sbr.rel @p0 .LBB2_29-.Ltmp18, $3  }
0x1eb: {  	_ = 	snop  }
0x1ec: {  	v11 =	vmpcnt.ones.xlane vm1;
	_ =	sdelay $0x1  }
0x1ed: {  	s17 =	sadd.s32 $0x10, s17;
	s18 =	sadd.s32 $0x10, s18;
	s23 =	sadd.s32 $0xFFFFFFFF, s23;
	v6 =	vadd.s32 v6, v11;
	[tilespmem:v10+s2+$0x0] =	vst.idx.msk vm0, v5  }
.LBB2_30:
0x1ee: {  	[hbm4b:s5+s8] =	stream.strided.scatter [tilespmem:s2], [sflag:$0x2], $0x8000, s9, s8, $0x38;
	[tilespmem:$0x1B000] =	vst v63  }
0x1ef: {  	_ =	swait.ge [sflag:s10], $0x8000  }
0x1f0: {  	[sflag:s10] =	ssyncset.done $0x0  }
0x1f1: {  	s17 =	simm.s32 $0x8040;
	[sflag:s10] =	ssyncadd.s32 $0xFFFF8000  }
0x1f2: {  	v6 =	vld [tilespmem:s17+$0x30]  }
0x1f3: {  	v7 =	vld [tilespmem:s17+$0xFFFFFFD0]  }
0x1f4: {  	v8 =	vld [tilespmem:s17+$0xFFFFFFE0]  }
0x1f5: {  	v9 =	vld [tilespmem:s17+$0xFFFFFFF0]  }
0x1f6: {  	v10 =	vld [tilespmem:s17+$0x0];
	_ =	sdelay $0x1  }
0x1f7: {  	v11 =	vld [tilespmem:s17+$0x10]  }
0x1f8: {  	v14 =	vld [tilespmem:s17+$0x20]  }
0x1f9: {  	v15 =	vld [tilespmem:s17+$0xFFFFFFC0];
	v12 =	vshra.s32 v6, $0x1F;
	v13 =	vshra.s32 v7, $0x1F;
	v16 =	vshra.s32 v8, $0x1F  }
0x1fa: {  	v62 =	vshra.s32 v9, $0x1F;
	v17 =	vshra.s32 v10, $0x1F;
	v12 =	vand.u32 $0x7FF00000, v12  }
0x1fb: {  	v13 =	vand.u32 $0x7FF00000, v13;
	v6 =	vxor.u32 v6, v12;
	v12 =	vand.u32 $0x7FF00000, v16  }
0x1fc: {  	v16 =	vand.u32 $0x7FF00000, v62;
	v13 =	vxor.u32 v7, v13;
	v6 =	vshra.s32 v6, $0x14  }
0x1fd: {  	v7 =	vshra.s32 v11, $0x1F;
	v63 =	vxor.u32 v8, v12;
	v18 =	vadd.s32 $0x2000, v6  }
0x1fe: {  	v8 =	vand.u32 $0x7FF00000, v7;
	v7 =	vshra.s32 v14, $0x1F;
	v12 =	vshra.s32 v15, $0x1F  }
0x1ff: {  	v16 =	vxor.u32 v9, v16;
	v6 =	vand.u32 $0x7FF00000, v17;
	v9 =	vand.u32 $0x7FF00000, v7  }
0x200: {  	v12 =	vand.u32 $0x7FF00000, v12;
	v7 =	vxor.u32 v10, v6;
	v6 =	vxor.u32 v11, v8  }
0x201: {  	v10 =	vxor.u32 v15, v12;
	v8 =	vshra.s32 v13, $0x14;
	v9 =	vxor.u32 v14, v9  }
0x202: {  	s18 =	simm.s32 $0x1A7F0;
	s22 =	simm.s32 $0x80C0;
	s17 =	simm.s32 $0x0;
	v11 =	vshra.s32 v63, $0x14;
	v12 =	vshra.s32 v10, $0x14;
	v10 =	vshra.s32 v16, $0x14;
	[tilespmem:v18+s12+$0x0] =	vst.idx.add.s32.msk $0xffff, v2  }
.LBB2_31:
0x203: {  	v13 =	vld [tilespmem:s22+$0x30];
	s17 =	sadd.s32 $0x80, s17;
	v7 =	vshra.s32 v7, $0x14;
	v6 =	vshra.s32 v6, $0x14;
	v9 =	vshra.s32 v9, $0x14  }
0x204: {  	v12 =	vadd.s32 $0x2000, v12;
	v8 =	vadd.s32 $0x2000, v8;
	v11 =	vadd.s32 $0x2000, v11;
	v14 =	vld [tilespmem:s22+$0xFFFFFFD0];
	p0 =	slt.u32 s17, $0x7F80  }
0x205: {  	v10 =	vadd.s32 $0x2000, v10;
	v7 =	vadd.s32 $0x2000, v7;
	v16 =	vadd.s32 $0x2000, v6;
	v15 =	vld [tilespmem:s22+$0xFFFFFFE0]  }
0x206: {  	v17 =	vadd.s32 $0x2000, v9;
	v6 =	vld [tilespmem:s22+$0xFFFFFFF0]  }
0x207: {  	v9 =	vld [tilespmem:s22+$0x0]  }
0x208: {  	v18 =	vld [tilespmem:s22+$0x10];
	v19 =	vshra.s32 v13, $0x1F  }
0x209: {  	v20 =	vshra.s32 v14, $0x1F;
	v21 =	vld [tilespmem:s22+$0x20];
	v19 =	vand.u32 $0x7FF00000, v19  }
0x20a: {  	v22 =	vld [tilespmem:s22+$0xFFFFFFC0];
	v20 =	vand.u32 $0x7FF00000, v20;
	v23 =	vshra.s32 v15, $0x1F;
	v13 =	vxor.u32 v13, v19  }
0x20b: {  	v19 =	vand.u32 $0x7FF00000, v23;
	v23 =	vshra.s32 v6, $0x1F;
	v13 =	vshra.s32 v13, $0x14;
	[tilespmem:v12+s12+$0x0] =	vst.idx.add.s32.msk $0xffff, v2  }
0x20c: {  	v12 =	vand.u32 $0x7FF00000, v23;
	v23 =	vshra.s32 v9, $0x1F;
	v13 =	vadd.s32 $0x2000, v13;
	[tilespmem:v8+s12+$0x0] =	vst.idx.add.s32.msk $0xffff, v2  }
0x20d: {  	v8 =	vxor.u32 v14, v20;
	v14 =	vand.u32 $0x7FF00000, v23;
	v20 =	vshra.s32 v18, $0x1F;
	[tilespmem:v11+s12+$0x0] =	vst.idx.add.s32.msk $0xffff, v2  }
.Ltmp19:
0x20e: {  	v11 =	vxor.u32 v15, v19;
	v15 =	vand.u32 $0x7FF00000, v20;
	v19 =	vshra.s32 v21, $0x1F;
	[tilespmem:v10+s12+$0x0] =	vst.idx.add.s32.msk $0xffff, v2;
	(pc) =	sbr.rel @p0 .LBB2_31-.Ltmp19, $4  }
0x20f: {  	v20 =	vxor.u32 v6, v12;
	v10 =	vshra.s32 v22, $0x1F;
	v12 =	vand.u32 $0x7FF00000, v19;
	[tilespmem:v7+s12+$0x0] =	vst.idx.add.s32.msk $0xffff, v2  }
0x210: {  	v7 =	vxor.u32 v9, v14;
	v6 =	vxor.u32 v18, v15;
	v10 =	vand.u32 $0x7FF00000, v10;
	[tilespmem:v16+s12+$0x0] =	vst.idx.add.s32.msk $0xffff, v2  }
0x211: {  	s19 =	simm.s32 $0x0;
	s20 =	simm.s32 $0x8000080F;
	s21 =	simm.s32 $0x203C00;
	v8 =	vshra.s32 v8, $0x14;
	v9 =	vxor.u32 v21, v12;
	v10 =	vxor.u32 v22, v10;
	[tilespmem:v13+s12+$0x0] =	vst.idx.add.s32.msk $0xffff, v2  }
0x212: {  	s22 =	sadd.s32 $0x80, s22;
	v11 =	vshra.s32 v11, $0x14;
	v12 =	vshra.s32 v10, $0x14;
	v10 =	vshra.s32 v20, $0x14;
	[tilespmem:v17+s12+$0x0] =	vst.idx.add.s32.msk $0xffff, v2  }
0x213: {  	v12 =	vadd.s32 $0x2000, v12  }
0x214: {  	v8 =	vadd.s32 $0x2000, v8  }
0x215: {  	v11 =	vadd.s32 $0x2000, v11  }
0x216: {  	v7 =	vshra.s32 v7, $0x14;
	v10 =	vadd.s32 $0x2000, v10  }
0x217: {  	v6 =	vshra.s32 v6, $0x14;
	v7 =	vadd.s32 $0x2000, v7  }
0x218: {  	v9 =	vshra.s32 v9, $0x14;
	v6 =	vadd.s32 $0x2000, v6;
	[tilespmem:v12+s12+$0x0] =	vst.idx.add.s32.msk $0xffff, v2  }
0x219: {  	v9 =	vadd.s32 $0x2000, v9;
	[tilespmem:v8+s12+$0x0] =	vst.idx.add.s32.msk $0xffff, v2  }
0x21a: {  	[tilespmem:v11+s12+$0x0] =	vst.idx.add.s32.msk $0xffff, v2  }
0x21b: {  	[tilespmem:v10+s12+$0x0] =	vst.idx.add.s32.msk $0xffff, v2  }
0x21c: {  	[tilespmem:v7+s12+$0x0] =	vst.idx.add.s32.msk $0xffff, v2  }
0x21d: {  	[tilespmem:v6+s12+$0x0] =	vst.idx.add.s32.msk $0xffff, v2  }
0x21e: {  	s23 =	simm.s32 $0x0;
	[tilespmem:v9+s12+$0x0] =	vst.idx.add.s32.msk $0xffff, v2  }
.LBB2_33:
0x21f: {  	s22 =	sadd.s32 $0x1, s23  }
0x220: {  	s17 =	sshll.u32 s22, $0x8  }
0x221: {  	s24 =	ssub.s32 $0x1A800, s17  }
0x222: {  	s31 =	ssub.s32 $0x1A810, s17;
	v6 =	vld [tilespmem:s24+$0x0]  }
0x223: {  	s25 =	ssub.s32 $0x1A820, s17;
	v7 =	vld [tilespmem:s31+$0x0]  }
0x224: {  	s26 =	ssub.s32 $0x1A830, s17;
	v8 =	vld [tilespmem:s25+$0x0]  }
0x225: {  	s29 =	ssub.s32 $0x1A840, s17;
	v9 =	vld [tilespmem:s26+$0x0]  }
0x226: {  	s30 =	ssub.s32 $0x1A850, s17;
	v10 =	vld [tilespmem:s29+$0x0]  }
0x227: {  	v11 =	vld [tilespmem:s30+$0x0];
	s31 =	ssub.s32 $0x1A860, s17  }
0x228: {  	s25 =	ssub.s32 $0x1A870, s17;
	v6 =	vadd.s32 v6, v7;
	v7 =	vld [tilespmem:s31+$0x0]  }
0x229: {  	s26 =	ssub.s32 $0x1A880, s17;
	v56 =	vld [tilespmem:s25+$0x0];
	v6 =	vadd.s32 v8, v6  }
0x22a: {  	s29 =	ssub.s32 $0x1A890, s17;
	v57 =	vld [tilespmem:s26+$0x0];
	v6 =	vadd.s32 v9, v6  }
0x22b: {  	s30 =	ssub.s32 $0x1A8A0, s17;
	v58 =	vld [tilespmem:s29+$0x0];
	v6 =	vadd.s32 v10, v6  }
0x22c: {  	v59 =	vld [tilespmem:s30+$0x0];
	s31 =	ssub.s32 $0x1A8B0, s17;
	v6 =	vadd.s32 v11, v6  }
0x22d: {  	s25 =	ssub.s32 $0x1A8C0, s17;
	v6 =	vadd.s32 v7, v6;
	v7 =	vld [tilespmem:s31+$0x0]  }
0x22e: {  	s26 =	ssub.s32 $0x1A8D0, s17;
	v60 =	vld [tilespmem:s25+$0x0];
	v6 =	vadd.s32 v56, v6  }
0x22f: {  	s29 =	ssub.s32 $0x1A8E0, s17;
	v61 =	vld [tilespmem:s26+$0x0];
	v6 =	vadd.s32 v57, v6  }
0x230: {  	v62 =	vld [tilespmem:s29+$0x0];
	s17 =	ssub.s32 $0x1A8F0, s17;
	v6 =	vadd.s32 v58, v6  }
0x231: {  	v63 =	vld [tilespmem:s17+$0x0];
	v6 =	vadd.s32 v59, v6  }
0x232: {  	v6 =	vadd.s32 v7, v6  }
0x233: {  	v6 =	vadd.s32 v60, v6  }
0x234: {  	v6 =	vadd.s32 v61, v6  }
0x235: {  	v6 =	vadd.s32 v62, v6  }
0x236: {  	v6 =	vadd.s32 v63, v6  }
0x237: {  	(xrf0) =	vadd.scan.msk.s32 $0xffff, v6;
	_ =	sdelay $0x5  }
0x238: {  	v6, _, _ =	vpop (xrf0)  }
0x239: {  	(v2sf) =	vpush v6, $0xF;
	_ =	sdelay $0xe  }
0x23a: {  	s30 =	spop (v2sf)  }
0x23b: {  	p0 =	sgt.u32 s23, $0xE;
	s29 =	sadd.s32 s19, s30  }
0x23c: {  	s28 =	simm.s32 $0x0;
	p1 =	slt.s32 @!p0 s29, $0x100  }
0x23d: {  	s28 =	simm.s32 @p0 $0x0;
	s24 =	smov.u32 s20;
	p1 =	por p0, !p1  }
.Ltmp20:
0x23e: {  	s23 =	smov.u32 s22;
	s24 =	smov.u32 @p0 s20;
	(pc) =	sbr.rel @!p1 .LBB2_33-.Ltmp20, $4  }
0x23f: {  	s25 =	smov.u32 s18;
	s18 =	sadd.s32 $0xFFFFFF00, s18;
	s26 =	smov.u32 s19  }
0x240: {  	s25 =	smov.u32 @p0 s25;
	s26 =	smov.u32 @p0 s19;
	s17 =	smov.u32 s21  }
0x241: {  	s17 =	smov.u32 @p0 s21;
	s31 =	sadd.s32 $0xFFFFFF00, s20;
	s30 =	sadd.s32 $0xFFFC0000, s21  }
0x242: {  	s20 =	smov.u32 s31;
	s21 =	smov.u32 s30;
	s19 =	smov.u32 s29  }
.LBB2_34:
0x243: {  	v6 =	vld [tilespmem:s25+$0x0];
	_ =	sdelay $0x4  }
0x244: {  	(xrf0) =	vadd.scan.msk.s32 $0xffff, v6;
	_ =	sdelay $0x5  }
0x245: {  	v7, _, _ =	vpop (xrf0)  }
0x246: {  	(v2sf) =	vpush v7, $0xF;
	_ =	sdelay $0xe  }
0x247: {  	s18 =	spop (v2sf)  }
0x248: {  	p0 =	sgt.u32 s28, $0xE;
	s26 =	sadd.s32 s26, s18  }
0x249: {  	p1 =	slt.s32 @!p0 s26, $0x100  }
0x24a: {  	p0 =	por p0, !p1  }
.Ltmp21:
0x24b: {  	_ = 	snop;
	(pc) =	sbr.rel @!p0 .LBB2_34-.Ltmp21, $3  }
0x24c: {  	_ =	sdelay $0x1  }
0x24d: {  	s28 =	sadd.s32 $0x1, s28  }
0x24e: {  	s24 =	sadd.s32 $0xFFFFFFF0, s24;
	s17 =	sadd.s32 $0xFFFFC000, s17;
	s25 =	sadd.s32 $0xFFFFFFF0, s25  }
0x24f: {  	v6 =	vperm.xlane v6, v3;
	_ =	sdelay $0x1  }
0x250: {  	(xrf0) =	vadd.scan.msk.s32 $0xffff, v6;
	_ =	sdelay $0x5  }
0x251: {  	v7, _, _ =	vpop (xrf0)  }
0x252: {  	(v2sf) =	vpush v7, $0xF;
	_ =	sdelay $0xe  }
0x253: {  	s18 =	spop (v2sf)  }
0x254: {  	s18 =	ssub.s32 s26, s18  }
0x255: {  	v8 =	vadd.s32 s18, v7  }
0x256: {  	vm0 =	vgt.s32 v8, $0xFF  }
0x257: {  	v7 =	vnsel vm0, $0x80000010, v4  }
0x258: {  	(xrf0) =	vmin.scan.msk.u32 $0xffff, v7;
	_ =	sdelay $0x5  }
0x259: {  	v7, _, _ =	vpop (xrf0)  }
0x25a: {  	s31 =	simm.s32 $0x8040;
	(v2sf) =	vpush v7, $0xF  }
0x25b: {  	v9 =	vld [tilespmem:s31+$0x30]  }
0x25c: {  	v10 =	vld [tilespmem:s31+$0xFFFFFFD0]  }
0x25d: {  	v11 =	vld [tilespmem:s31+$0xFFFFFFE0]  }
0x25e: {  	v13 =	vld [tilespmem:s31+$0x0]  }
0x25f: {  	v18 =	vld [tilespmem:s31+$0xFFFFFFC0];
	_ =	sdelay $0x1  }
0x260: {  	v12 =	vld [tilespmem:s31+$0xFFFFFFF0]  }
0x261: {  	v15 =	vshra.s32 v9, $0x1F  }
0x262: {  	v16 =	vshra.s32 v10, $0x1F;
	v19 =	vshra.s32 v11, $0x1F;
	v21 =	vshra.s32 v13, $0x1F  }
0x263: {  	v17 =	vld [tilespmem:s31+$0x20];
	v22 =	vshra.s32 v18, $0x1F;
	v15 =	vand.u32 $0x7FFFFFFF, v15;
	v16 =	vand.u32 $0x7FFFFFFF, v16  }
0x264: {  	v19 =	vand.u32 $0x7FFFFFFF, v19;
	v22 =	vand.u32 $0x7FFFFFFF, v22;
	v9 =	vxor.u32 v9, v15  }
0x265: {  	v15 =	vshra.s32 v12, $0x1F;
	v20 =	vshra.s32 v9, $0x14;
	v9 =	vshrl.u32 v9, $0xA  }
0x266: {  	v16 =	vxor.u32 v10, v16;
	v11 =	vxor.u32 v11, v19;
	v9 =	vand.u32 $0x3FF, v9  }
0x267: {  	v14 =	vld [tilespmem:s31+$0x10];
	v18 =	vxor.u32 v18, v22;
	v19 =	vshrl.u32 v11, $0xA;
	v23 =	vor.u32 $0x2800, v9  }
0x268: {  	v9 =	vand.u32 $0x7FFFFFFF, v15;
	v15 =	vand.u32 $0x7FFFFFFF, v21;
	v21 =	vshra.s32 v17, $0x1F;
	s21 =	spop (v2sf)  }
0x269: {  	v22 =	vshra.s32 v18, $0x14;
	v21 =	vand.u32 $0x7FFFFFFF, v21;
	v12 =	vxor.u32 v12, v9;
	s19 =	ssub.s32 s24, s21  }
0x26a: {  	v13 =	vxor.u32 v13, v15;
	v15 =	vshrl.u32 v18, $0xA;
	v7 =	vmov s19  }
0x26b: {  	v18 =	vshra.s32 v16, $0x14;
	v9 =	vxor.u32 v17, v21;
	vm15 =	veq.s32 v20, v7  }
0x26c: {  	v21 =	vshrl.u32 v12, $0xA;
	v25 =	vshrl.u32 v13, $0xA;
	v20 =	vshra.s32 v14, $0x1F  }
0x26d: {  	v17 =	vand.u32 $0x3FF, v15;
	v15 =	vand.u32 $0x3FF, v19;
	v20 =	vand.u32 $0x7FFFFFFF, v20  }
0x26e: {  	v19 =	vshra.s32 v12, $0x14;
	v12 =	vshra.s32 v13, $0x14;
	v24 =	vxor.u32 v14, v20  }
0x26f: {  	v10 =	vshrl.u32 v9, $0xA;
	v14 =	vshrl.u32 v16, $0xA;
	v26 =	vshrl.u32 v24, $0xA  }
0x270: {  	v20 =	vand.u32 $0x3FF, v14;
	v14 =	vshra.s32 v11, $0x14;
	v11 =	vand.u32 $0x3FF, v21  }
0x271: {  	s20 =	simm.s32 $0x80C0;
	s18 =	sxor.u32 $0x80000000, s21;
	s19 =	simm.s32 $0x0;
	v21 =	vand.u32 $0x3FF, v25;
	v16 =	vshra.s32 v24, $0x14;
	v13 =	vand.u32 $0x3FF, v26;
	[tilespmem:v23+s12+$0x0] =	vst.idx.add.s32.msk vm15, v2  }
.LBB2_36:
0x272: {  	v23 =	vld [tilespmem:s20+$0x30];
	s19 =	sadd.s32 $0x80, s19;
	vm4 =	veq.s32 v22, v7;
	v9 =	vshra.s32 v9, $0x14;
	v10 =	vand.u32 $0x3FF, v10  }
0x273: {  	v17 =	vor.u32 $0x2800, v17;
	vm6 =	veq.s32 v18, v7;
	v18 =	vor.u32 $0x2800, v20;
	v22 =	vld [tilespmem:s20+$0xFFFFFFD0];
	p0 =	slt.u32 s19, $0x7F80  }
0x274: {  	vm5 =	veq.s32 v14, v7;
	v14 =	vor.u32 $0x2800, v15;
	vm3 =	veq.s32 v19, v7;
	v20 =	vld [tilespmem:s20+$0xFFFFFFE0]  }
0x275: {  	v11 =	vor.u32 $0x2800, v11;
	vm2 =	veq.s32 v12, v7;
	v12 =	vor.u32 $0x2800, v21;
	v15 =	vld [tilespmem:s20+$0xFFFFFFF0]  }
0x276: {  	vm1 =	veq.s32 v16, v7;
	v13 =	vor.u32 $0x2800, v13;
	vm0 =	veq.s32 v9, v7;
	v19 =	vld [tilespmem:s20+$0x0]  }
0x277: {  	v10 =	vor.u32 $0x2800, v10;
	v9 =	vld [tilespmem:s20+$0x10];
	v16 =	vshra.s32 v23, $0x1F  }
0x278: {  	v21 =	vshra.s32 v22, $0x1F;
	v24 =	vld [tilespmem:s20+$0x20];
	v16 =	vand.u32 $0x7FFFFFFF, v16  }
0x279: {  	v25 =	vld [tilespmem:s20+$0xFFFFFFC0];
	v21 =	vand.u32 $0x7FFFFFFF, v21;
	v26 =	vshra.s32 v20, $0x1F;
	v16 =	vxor.u32 v23, v16  }
0x27a: {  	v23 =	vshra.s32 v15, $0x1F;
	v27 =	vshra.s32 v16, $0x14;
	v16 =	vshrl.u32 v16, $0xA;
	[tilespmem:v17+s12+$0x0] =	vst.idx.add.s32.msk vm4, v2  }
0x27b: {  	v17 =	vshra.s32 v19, $0x1F;
	vm4 =	veq.s32 v27, v7;
	v16 =	vand.u32 $0x3FF, v16;
	[tilespmem:v18+s12+$0x0] =	vst.idx.add.s32.msk vm6, v2  }
0x27c: {  	v18 =	vand.u32 $0x7FFFFFFF, v26;
	v26 =	vshra.s32 v9, $0x1F;
	v16 =	vor.u32 $0x2800, v16;
	[tilespmem:v14+s12+$0x0] =	vst.idx.add.s32.msk vm5, v2  }
0x27d: {  	v14 =	vand.u32 $0x7FFFFFFF, v23;
	v17 =	vand.u32 $0x7FFFFFFF, v17;
	v23 =	vshra.s32 v24, $0x1F;
	[tilespmem:v11+s12+$0x0] =	vst.idx.add.s32.msk vm3, v2  }
0x27e: {  	v26 =	vand.u32 $0x7FFFFFFF, v26;
	v11 =	vshra.s32 v25, $0x1F;
	v23 =	vand.u32 $0x7FFFFFFF, v23;
	[tilespmem:v12+s12+$0x0] =	vst.idx.add.s32.msk vm2, v2  }
0x27f: {  	v12 =	vxor.u32 v22, v21;
	v21 =	vxor.u32 v20, v18;
	v11 =	vand.u32 $0x7FFFFFFF, v11;
	[tilespmem:v13+s12+$0x0] =	vst.idx.add.s32.msk vm1, v2  }
0x280: {  	v13 =	vxor.u32 v15, v14;
	v11 =	vxor.u32 v25, v11;
	v25 =	vxor.u32 v19, v17  }
0x281: {  	v26 =	vxor.u32 v9, v26;
	v9 =	vxor.u32 v24, v23;
	v14 =	vshrl.u32 v11, $0xA;
	[tilespmem:v16+s12+$0x0] =	vst.idx.add.s32.msk vm4, v2  }
0x282: {  	v15 =	vshrl.u32 v12, $0xA;
	v23 =	vshrl.u32 v13, $0xA;
	v16 =	vshrl.u32 v21, $0xA;
	[tilespmem:v10+s12+$0x0] =	vst.idx.add.s32.msk vm0, v2  }
.Ltmp22:
0x283: {  	v27 =	vshrl.u32 v26, $0xA;
	v24 =	vshrl.u32 v25, $0xA;
	v10 =	vshrl.u32 v9, $0xA;
	(pc) =	sbr.rel @p0 .LBB2_36-.Ltmp22, $4  }
0x284: {  	v18 =	vshra.s32 v12, $0x14;
	v22 =	vshra.s32 v11, $0x14;
	v17 =	vand.u32 $0x3FF, v14  }
0x285: {  	v20 =	vand.u32 $0x3FF, v15;
	v14 =	vshra.s32 v21, $0x14;
	v15 =	vand.u32 $0x3FF, v16  }
0x286: {  	v19 =	vshra.s32 v13, $0x14;
	v11 =	vand.u32 $0x3FF, v23;
	v12 =	vshra.s32 v25, $0x14  }
0x287: {  	s20 =	sadd.s32 $0x80, s20;
	v13 =	vand.u32 $0x3FF, v27;
	v21 =	vand.u32 $0x3FF, v24;
	v16 =	vshra.s32 v26, $0x14  }
0x288: {  	v23 =	vmov s18  }
0x289: {  	v6 =	vsub.s32 v8, v6;
	vm0 =	veq.s32 v23, v0  }
0x28a: {  	v6 =	vnsel vm0, $0x0, v6  }
0x28b: {  	(xrf0) =	vadd.scan.msk.s32 $0xffff, v6;
	_ =	sdelay $0x5  }
0x28c: {  	v6, _, _ =	vpop (xrf0)  }
0x28d: {  	(v2sf) =	vpush v6, $0xF;
	_ =	sdelay $0x9  }
0x28e: {  	vm1 =	veq.s32 v18, v7  }
0x28f: {  	vm15 =	veq.s32 v22, v7;
	v61 =	vor.u32 $0x2800, v20  }
0x290: {  	vm2 =	veq.s32 v14, v7;
	v6 =	vor.u32 $0x2800, v17  }
0x291: {  	v62 =	vor.u32 $0x2800, v15;
	vm3 =	veq.s32 v19, v7  }
0x292: {  	v11 =	vor.u32 $0x2800, v11;
	vm4 =	veq.s32 v12, v7  }
0x293: {  	v9 =	vshra.s32 v9, $0x14;
	v63 =	vor.u32 $0x2800, v21;
	vm5 =	veq.s32 v16, v7;
	s31 =	spop (v2sf)  }
0x294: {  	v10 =	vand.u32 $0x3FF, v10;
	v13 =	vor.u32 $0x2800, v13;
	vm6 =	veq.s32 v9, v7;
	[tilespmem:v61+s12+$0x0] =	vst.idx.add.s32.msk vm1, v2;
	s18 =	ssub.s32 $0x100, s31  }
0x295: {  	[tilespmem:v6+s12+$0x0] =	vst.idx.add.s32.msk vm15, v2;
	v6 =	vor.u32 $0x2800, v10;
	p0 =	slt.s32 s18, $0x1  }
.Ltmp23:
0x296: {  	[tilespmem:v62+s12+$0x0] =	vst.idx.add.s32.msk vm2, v2;
	(pc) =	sbr.rel @p0 .LBB2_40-.Ltmp23, $4  }
0x297: {  	[tilespmem:v11+s12+$0x0] =	vst.idx.add.s32.msk vm3, v2  }
0x298: {  	s22 =	simm.s32 $0x0;
	[tilespmem:v63+s12+$0x0] =	vst.idx.add.s32.msk vm4, v2  }
0x299: {  	s23 =	simm.s32 $0x1ABF0;
	s19 =	simm.s32 $0x0;
	s25 =	simm.s32 $0x0;
	[tilespmem:v13+s12+$0x0] =	vst.idx.add.s32.msk vm5, v2  }
0x29a: {  	s26 =	simm.s32 $0x0;
	s24 =	simm.s32 $0x0;
	s20 =	simm.s32 $0x0;
	[tilespmem:v6+s12+$0x0] =	vst.idx.add.s32.msk vm6, v2  }
.LBB2_38:
0x29b: {  	v6 =	vld [tilespmem:s23+$0xFFFFFF10]  }
0x29c: {  	v7 =	vld [tilespmem:s23+$0xFFFFFF20]  }
0x29d: {  	v8 =	vld [tilespmem:s23+$0xFFFFFF30]  }
0x29e: {  	v9 =	vld [tilespmem:s23+$0xFFFFFF40]  }
0x29f: {  	v10 =	vld [tilespmem:s23+$0xFFFFFF50]  }
0x2a0: {  	v11 =	vld [tilespmem:s23+$0xFFFFFF60]  }
0x2a1: {  	v6 =	vadd.s32 v6, v7;
	v7 =	vld [tilespmem:s23+$0xFFFFFF70]  }
0x2a2: {  	v56 =	vld [tilespmem:s23+$0xFFFFFF80];
	v6 =	vadd.s32 v8, v6  }
0x2a3: {  	v57 =	vld [tilespmem:s23+$0xFFFFFF90];
	v6 =	vadd.s32 v9, v6  }
0x2a4: {  	v58 =	vld [tilespmem:s23+$0xFFFFFFA0];
	v6 =	vadd.s32 v10, v6  }
0x2a5: {  	v59 =	vld [tilespmem:s23+$0xFFFFFFB0];
	v6 =	vadd.s32 v11, v6  }
0x2a6: {  	v6 =	vadd.s32 v7, v6;
	v7 =	vld [tilespmem:s23+$0xFFFFFFC0]  }
0x2a7: {  	v60 =	vld [tilespmem:s23+$0xFFFFFFD0];
	v6 =	vadd.s32 v56, v6  }
0x2a8: {  	v61 =	vld [tilespmem:s23+$0xFFFFFFE0];
	v6 =	vadd.s32 v57, v6  }
0x2a9: {  	v62 =	vld [tilespmem:s23+$0xFFFFFFF0];
	v6 =	vadd.s32 v58, v6  }
0x2aa: {  	v63 =	vld [tilespmem:s23+$0x0];
	v6 =	vadd.s32 v59, v6  }
0x2ab: {  	v6 =	vadd.s32 v7, v6  }
0x2ac: {  	v6 =	vadd.s32 v60, v6  }
0x2ad: {  	v6 =	vadd.s32 v61, v6  }
0x2ae: {  	v6 =	vadd.s32 v62, v6  }
0x2af: {  	v6 =	vadd.s32 v63, v6  }
0x2b0: {  	(xrf0) =	vadd.scan.msk.s32 $0xffff, v6;
	_ =	sdelay $0x5  }
0x2b1: {  	v6, _, _ =	vpop (xrf0)  }
0x2b2: {  	(v2sf) =	vpush v6, $0xF;
	_ =	sdelay $0xe  }
0x2b3: {  	s24 =	spop (v2sf)  }
0x2b4: {  	s20 =	smov.u32 s25;
	p0 =	sgt.u32 s26, $0x2;
	s25 =	sadd.s32 s25, s24  }
0x2b5: {  	p1 =	slt.s32 @!p0 s25, s18  }
0x2b6: {  	p1 =	por p0, !p1  }
.Ltmp24:
0x2b7: {  	_ = 	snop;
	(pc) =	sbr.rel @!p1 .LBB2_38-.Ltmp24, $2  }
0x2b8: {  	_ =	sdelay $0x2  }
0x2b9: {  	s26 =	sadd.s32 $0x1, s26;
	s19 =	sadd.s32 $0xFFFFFF00, s19;
	s23 =	sadd.s32 $0xFFFFFF00, s23  }
0x2ba: {  	s19 =	smov.u32 @p0 s19  }
0x2bb: {  	s20 =	smov.u32 @p0 s20;
	s24 =	smov.u32 s19  }
.LBB2_40:
0x2bc: {  	p0 =	sge.s32 s20, s18  }
.Ltmp25:
0x2bd: {  	_ = 	snop;
	(pc) =	sbr.rel @p0 .LBB2_41-.Ltmp25, $2  }
0x2be: {  	_ =	sdelay $0x2  }
0x2bf: {  	v30 =	vimm.s32 $0x0  }
0x2c0: {  	s19 =	sshll.u32 s24, $0x2  }
0x2c1: {  	s19 =	sshra.s32 s19, $0x2  }
0x2c2: {  	s22 =	simm.s32 $0x0;
	s23 =	simm.s32 $0x0;
	s19 =	sadd.s32 $0x1ACF0, s19  }
.LBB2_43:
0x2c3: {  	v6 =	vld [tilespmem:s19+$0x0];
	_ =	sdelay $0x4  }
0x2c4: {  	(xrf0) =	vadd.scan.msk.s32 $0xffff, v6;
	_ =	sdelay $0x5  }
0x2c5: {  	v7, _, _ =	vpop (xrf0)  }
0x2c6: {  	(v2sf) =	vpush v7, $0xF;
	_ =	sdelay $0xe  }
0x2c7: {  	s25 =	spop (v2sf)  }
0x2c8: {  	p0 =	sgt.u32 s23, $0xE;
	s20 =	sadd.s32 s20, s25  }
0x2c9: {  	p1 =	slt.s32 @!p0 s20, s18  }
0x2ca: {  	p1 =	por p0, !p1  }
.Ltmp26:
0x2cb: {  	_ = 	snop;
	(pc) =	sbr.rel @!p1 .LBB2_43-.Ltmp26, $2  }
0x2cc: {  	_ =	sdelay $0x2  }
0x2cd: {  	s23 =	sadd.s32 $0x1, s23;
	s22 =	sadd.s32 $0xFFFFFFF0, s22;
	s19 =	sadd.s32 $0xFFFFFFF0, s19  }
.Ltmp27:
0x2ce: {  	(pc) =	sbr.rel .LBB2_45-.Ltmp27, $2  }
0x2cf: {  	_ =	sdelay $0x2  }
0x2d0: {  	s22 =	smov.u32 @p0 s22;
	s20 =	smov.u32 @p0 s20;
	v6 =	vpsel p0, v6, v6  }
.LBB2_41:
0x2d1: {  	v6 =	vimm.s32 $0x0  }
.LBB2_45:
0x2d2: {  	v14 =	vperm.xlane v6, v3;
	_ =	sdelay $0x1  }
0x2d3: {  	(xrf0) =	vadd.scan.msk.s32 $0xffff, v14;
	_ =	sdelay $0x5  }
0x2d4: {  	v6, _, _ =	vpop (xrf0)  }
0x2d5: {  	(v2sf) =	vpush v6, $0xF;
	_ =	sdelay $0xe  }
0x2d6: {  	s19 =	spop (v2sf)  }
0x2d7: {  	s19 =	ssub.s32 s20, s19  }
0x2d8: {  	v15 =	vadd.s32 s19, v6  }
0x2d9: {  	vm0 =	vlt.s32 v15, s18  }
0x2da: {  	v6 =	vsel vm0, $0x80000010, v4  }
0x2db: {  	(xrf0) =	vmin.scan.msk.u32 $0xffff, v6;
	_ =	sdelay $0x5  }
0x2dc: {  	s19 =	simm.s32 $0x8040;
	v6, _, _ =	vpop (xrf0)  }
0x2dd: {  	v13 =	vld [tilespmem:s19+$0xFFFFFFD0];
	(v2sf) =	vpush v6, $0xF  }
0x2de: {  	v7 =	vld [tilespmem:s19+$0x30]  }
0x2df: {  	v11 =	vld [tilespmem:s19+$0xFFFFFFE0]  }
0x2e0: {  	v9 =	vld [tilespmem:s19+$0x0]  }
0x2e1: {  	v16 =	vld [tilespmem:s19+$0x10]  }
0x2e2: {  	v10 =	vld [tilespmem:s19+$0x20]  }
0x2e3: {  	v20 =	vld [tilespmem:s19+$0xFFFFFFF0];
	_ =	sdelay $0x1  }
0x2e4: {  	s29 =	simm.s32 $0x70;
	s30 =	simm.s32 $0x20  }
0x2e5: {  	v8 =	vor.u32 s29, v0;
	v12 =	vor.u32 s30, v0;
	v17 =	vshra.s32 v13, $0x1F  }
0x2e6: {  	v18 =	vshra.s32 v7, $0x1F;
	v21 =	vshra.s32 v11, $0x1F;
	v25 =	vshra.s32 v16, $0x1F  }
0x2e7: {  	v26 =	vshra.s32 v9, $0x1F;
	v27 =	vshra.s32 v20, $0x1F;
	v29 =	vshra.s32 v10, $0x1F  }
0x2e8: {  	v17 =	vand.u32 $0x7FFFFFFF, v17;
	v18 =	vand.u32 $0x7FFFFFFF, v18;
	v22 =	vand.u32 $0x7FFFFFFF, v21  }
0x2e9: {  	v27 =	vand.u32 $0x7FFFFFFF, v27;
	v26 =	vand.u32 $0x7FFFFFFF, v26;
	v25 =	vand.u32 $0x7FFFFFFF, v25  }
0x2ea: {  	v29 =	vand.u32 $0x7FFFFFFF, v29;
	v17 =	vxor.u32 v13, v17;
	v32 =	vxor.u32 v7, v18  }
0x2eb: {  	v34 =	vxor.u32 v20, v27;
	v35 =	vxor.u32 v9, v26;
	v36 =	vxor.u32 v11, v22;
	s28 =	spop (v2sf)  }
0x2ec: {  	s22 =	sadd.s32 s22, s24;
	s31 =	simm.s32 $0x50;
	v25 =	vxor.u32 v16, v25;
	v38 =	vxor.u32 v10, v29;
	v19 =	vshra.s32 v17, $0xA;
	s20 =	sxor.u32 $0x80000000, s28  }
0x2ed: {  	s21 =	sshll.u32 s21, $0xA;
	v21 =	vld [tilespmem:s19+$0xFFFFFFC0];
	v23 =	vand.u32 $0x3FF, v17;
	v18 =	vshra.s32 v32, $0xA;
	v17 =	vor.u32 s31, v0;
	s22 =	ssub.s32 s22, s20  }
0x2ee: {  	s17 =	ssub.s32 s17, s21;
	v27 =	vshra.s32 v34, $0xA;
	v22 =	vshra.s32 v36, $0xA;
	v36 =	vand.u32 $0x3FF, v36;
	s22 =	sadd.s32 $0x50F, s22  }
0x2ef: {  	v29 =	vshra.s32 v25, $0xA;
	v34 =	vand.u32 $0x3FF, v34;
	v55 =	vand.u32 $0x3FF, v38;
	s17 =	sor.u32 s17, s22  }
0x2f0: {  	v32 =	vand.u32 $0x3FF, v32;
	v36 =	vor.u32 $0x2C00, v36;
	v6 =	vmov s17  }
0x2f1: {  	v34 =	vor.u32 $0x2C00, v34;
	v58 =	vor.u32 $0x2C00, v55;
	vm2 =	veq.s32 v18, v6  }
0x2f2: {  	v31 =	vshra.s32 v21, $0x1F;
	vm0 =	veq.s32 v19, v6;
	v28 =	vsel vm2, $0x1, v1  }
0x2f3: {  	v31 =	vand.u32 $0x7FFFFFFF, v31;
	vm1 =	veq.s32 v22, v6;
	(xrf0) =	vadd.scan.msk.s32 $0xffff, v28;
	v28 =	vsel vm0, $0x1, v1  }
0x2f4: {  	v26 =	vxor.u32 v21, v31;
	v31 =	vand.u32 $0x3FF, v35;
	(xrf0) =	vadd.scan.msk.s32 $0xffff, v28;
	v28 =	vsel vm1, $0x1, v1  }
0x2f5: {  	v35 =	vshra.s32 v35, $0xA;
	v37 =	vshra.s32 v26, $0xA;
	v26 =	vand.u32 $0x3FF, v26;
	(xrf0) =	vadd.scan.msk.s32 $0xffff, v28  }
0x2f6: {  	v44 =	vor.u32 $0x2C00, v31;
	v40 =	vor.u32 $0x2C00, v26;
	vm6 =	veq.s32 v37, v6  }
0x2f7: {  	vm7 =	vlt.s32 v37, v6;
	vm4 =	veq.s32 v29, v6;
	v42 =	vsel vm6, $0x1, v1  }
0x2f8: {  	vm8 =	veq.s32 v27, v6;
	vm5 =	veq.s32 v35, v6;
	vm9 =	vlt.s32 v35, v6;
	(xrf0) =	vadd.scan.msk.s32 $0xffff, v42  }
0x2f9: {  	v24 =	vmpcnt.ones.xlane vm2;
	v52 =	vsel vm8, $0x1, v1;
	v28 =	vshra.s32 v38, $0xA;
	v41, _, _ =	vpop (xrf0)  }
0x2fa: {  	v26 =	vmpcnt.ones.xlane vm6;
	v50 =	vsel vm4, $0x1, v1;
	vm3 =	veq.s32 v28, v6;
	v51, _, _ =	vpop (xrf0);
	(xrf0) =	vadd.scan.msk.s32 $0xffff, v52  }
0x2fb: {  	v33 =	vmpcnt.ones.xlane vm0;
	v39 =	vmpcnt.ones.xlane vm1;
	v53 =	vsel vm3, $0x1, v1;
	v31, _, _ =	vpop (xrf0);
	(xrf0) =	vadd.scan.msk.s32 $0xffff, v50  }
0x2fc: {  	v43 =	vmpcnt.ones.xlane vm8;
	v45 =	vmpcnt.ones.xlane vm4;
	v26 =	vadd.s32 v30, v26;
	(xrf0) =	vadd.scan.msk.s32 $0xffff, v53  }
0x2fd: {  	v54 =	vsel vm5, $0x1, v1;
	v57 =	vmpcnt.ones.xlane vm5;
	v33 =	vadd.s32 v26, v33;
	[tilespmem:v40+s12+$0x0] =	vst.idx.add.s32.msk vm6, v2  }
0x2fe: {  	[tilespmem:v34+s12+$0x0] =	vst.idx.add.s32.msk vm8, v2;
	v59 =	vmpcnt.ones.xlane vm3;
	v31 =	vadd.s32 v31, v33;
	v33 =	vadd.s32 v33, v39;
	v56, _, _ =	vpop (xrf0)  }
0x2ff: {  	v42 =	vadd.s32 v51, v26;
	v30 =	vadd.s32 v56, v30;
	v38 =	vadd.s32 v33, v43  }
0x300: {  	v26 =	vadd.s32 $0xFFFFFFFF, v42;
	(xrf0) =	vadd.scan.msk.s32 $0xffff, v54;
	v37 =	vadd.s32 $0xFFFFFFFF, v30;
	v30 =	vadd.s32 v38, v57;
	v60, _, _ =	vpop (xrf0)  }
0x301: {  	[tilespmem:v36+s12+$0x0] =	vst.idx.add.s32.msk vm1, v2;
	v39 =	vor.u32 $0x2C00, v32;
	v61 =	vadd.s32 v30, v45;
	v33 =	vadd.s32 v60, v33;
	v62, _, _ =	vpop (xrf0)  }
0x302: {  	s24 =	simm.s32 $0x30;
	[tilespmem:v44+s12+$0x0] =	vst.idx.add.s32.msk vm5, v2;
	v36 =	vadd.s32 $0xFFFFFFFF, v33;
	v32 =	vadd.s32 v62, v30;
	v30 =	vadd.s32 v61, v59;
	v63, _, _ =	vpop (xrf0)  }
0x303: {  	s23 =	simm.s32 $0x80C0;
	s21 =	simm.s32 $0x0;
	s22 =	simm.s32 $0x80;
	[tilespmem:v58+s12+$0x0] =	vst.idx.add.s32.msk vm3, v2;
	v34 =	vadd.s32 $0xFFFFFFFF, v32;
	v33 =	vadd.s32 v63, v61;
	v32 =	vadd.s32 v41, v30  }
.LBB2_46:
0x304: {  	s25 =	sadd.s32 $0x70, s22;
	v41 =	vor.u32 s24, v0  }
0x305: {  	v40 =	vld [tilespmem:s23+$0x0];
	p0 =	slt.u32 s22, $0x7F80;
	vm11 =	vlt.s32 v27, v6;
	v30 =	vadd.s32 v30, v24;
	vm10 =	vmmov vm2;
	s24 =	smov.u32 s22;
	s22 =	sadd.s32 $0x80, s22  }
0x306: {  	v24 =	vld [tilespmem:s23+$0xFFFFFFD0];
	s26 =	sadd.s32 $0x20, s24;
	v35 =	vor.u32 s25, v0;
	v20 =	vsel vm11, $0x0, v20;
	vm11 =	vlt.s32 v28, v6;
	v27, _, _ =	vpop (xrf0)  }
0x307: {  	vm12 =	vlt.s32 v29, v6;
	v28 =	vor.u32 s26, v0;
	v42 =	vld [tilespmem:s23+$0x30];
	v27 =	vadd.s32 v27, v38  }
0x308: {  	v23 =	vor.u32 $0x2C00, v23;
	v25 =	vand.u32 $0x3FF, v25;
	v27 =	vadd.s32 $0xFFFFFFFF, v27;
	[tilespmem:v39+s12+$0x0] =	vst.idx.add.s32.msk vm2, v2  }
0x309: {  	v25 =	vor.u32 $0x2C00, v25;
	vm2 =	vlt.s32 v19, v6;
	v29 =	vld [tilespmem:s23+$0xFFFFFFE0];
	[tilespmem:v36+s13+$0x0] =	vst.idx.msk vm8, v41;
	vm8 =	vlt.s32 v18, v6  }
0x30a: {  	s25 =	sadd.s32 $0x40, s21;
	v19 =	vor.u32 s21, v0;
	v38 =	vsel vm2, $0x0, v13;
	v18 =	vld [tilespmem:s23+$0x20];
	[tilespmem:s19+$0xFFFFFFF0] =	vst v20;
	v39 =	vsel vm8, $0x0, v7  }
0x30b: {  	v36 =	vshra.s32 v24, $0x1F;
	v41 =	vld [tilespmem:s23+$0x10];
	[tilespmem:v37+s13+$0x0] =	vst.idx.msk vm6, v19;
	v19 =	vsel vm7, $0x0, v21;
	v37 =	vor.u32 s25, v0;
	s25 =	sadd.s32 $0x60, s21;
	v13 =	vmovc v24  }
0x30c: {  	s26 =	sadd.s32 $0x10, s21;
	s21 =	smov.u32 s24;
	v21 =	vand.u32 $0x7FFFFFFF, v36;
	v20 =	vld [tilespmem:s23+$0xFFFFFFF0];
	v24 =	vshra.s32 v42, $0x1F;
	[tilespmem:s19+$0xFFFFFFC0] =	vst v19;
	v43 =	vor.u32 s25, v0;
	v7 =	vmovc v42  }
0x30d: {  	v44 =	vsel vm12, $0x0, v16;
	v42 =	vxor.u32 v13, v21;
	[tilespmem:v23+s12+$0x0] =	vst.idx.add.s32.msk vm0, v2;
	v21 =	vor.u32 s26, v0  }
0x30e: {  	v23 =	vand.u32 $0x7FFFFFFF, v24;
	v19 =	vshra.s32 v42, $0xA;
	v45 =	vshra.s32 v29, $0x1F;
	[tilespmem:v25+s12+$0x0] =	vst.idx.add.s32.msk vm4, v2  }
0x30f: {  	v25 =	vand.u32 $0x7FFFFFFF, v45;
	[tilespmem:v26+s13+$0x0] =	vst.idx.msk vm0, v21;
	v26 =	vadd.s32 $0xFFFFFFFF, v31;
	v31 =	vsel vm9, $0x0, v9;
	v9 =	vmovc v40  }
0x310: {  	s24 =	sadd.s32 $0x50, s21;
	v36 =	vxor.u32 v7, v23;
	v40 =	vshra.s32 v41, $0x1F;
	[tilespmem:s19+$0xFFFFFFD0] =	vst v38;
	v38 =	vsel vm11, $0x0, v10;
	v10 =	vmovc v18;
	v16 =	vmovc v41  }
0x311: {  	v23 =	vand.u32 $0x3FF, v42;
	v18 =	vshra.s32 v36, $0xA;
	v21 =	vld [tilespmem:s23+$0xFFFFFFC0];
	[tilespmem:v34+s13+$0x0] =	vst.idx.msk vm4, v17;
	v17 =	vor.u32 s24, v0  }
0x312: {  	vm0 =	vlt.s32 v22, v6;
	v34 =	vshra.s32 v9, $0x1F;
	vm2 =	veq.s32 v18, v6;
	[tilespmem:s19+$0x10] =	vst v44  }
0x313: {  	v42 =	vsel vm0, $0x0, v11;
	v11 =	vmovc v29;
	v22 =	vshra.s32 v20, $0x1F;
	v41 =	vsel vm2, $0x1, v1  }
0x314: {  	v33 =	vadd.s32 $0xFFFFFFFF, v33;
	v29 =	vshra.s32 v10, $0x1F;
	v24 =	vmpcnt.ones.xlane vm2;
	(xrf0) =	vadd.scan.msk.s32 $0xffff, v41  }
0x315: {  	vm0 =	veq.s32 v19, v6;
	v22 =	vand.u32 $0x7FFFFFFF, v22;
	v34 =	vand.u32 $0x7FFFFFFF, v34;
	[tilespmem:v26+s13+$0x0] =	vst.idx.msk vm1, v12;
	v12 =	vmovc v28  }
0x316: {  	v41 =	vmpcnt.ones.xlane vm0;
	v28 =	vadd.s32 $0xFFFFFFFF, v32;
	v26 =	vshra.s32 v21, $0x1F;
	[tilespmem:v27+s13+$0x0] =	vst.idx.msk vm5, v37  }
0x317: {  	v34 =	vxor.u32 v9, v34;
	v32 =	vxor.u32 v20, v22;
	v26 =	vand.u32 $0x7FFFFFFF, v26;
	[tilespmem:s19+$0xFFFFFFE0] =	vst v42  }
0x318: {  	v27 =	vshra.s32 v32, $0xA;
	v37 =	vand.u32 $0x3FF, v34;
	v26 =	vxor.u32 v21, v26;
	[tilespmem:s19+$0x0] =	vst v31  }
0x319: {  	v42 =	vxor.u32 v11, v25;
	v25 =	vand.u32 $0x7FFFFFFF, v40;
	v31 =	vsel vm0, $0x1, v1;
	[tilespmem:v33+s13+$0x0] =	vst.idx.msk vm3, v43  }
0x31a: {  	v29 =	vand.u32 $0x7FFFFFFF, v29;
	v22 =	vshra.s32 v42, $0xA;
	v25 =	vxor.u32 v16, v25;
	(xrf0) =	vadd.scan.msk.s32 $0xffff, v31;
	v40, _, _ =	vpop (xrf0)  }
0x31b: {  	vm1 =	veq.s32 v22, v6;
	v33 =	vand.u32 $0x3FF, v42;
	v31 =	vshra.s32 v26, $0xA;
	[tilespmem:s19+$0x20] =	vst v38  }
0x31c: {  	v42 =	vxor.u32 v10, v29;
	vm6 =	veq.s32 v31, v6;
	v38 =	vsel vm1, $0x1, v1;
	[tilespmem:v28+s13+$0x0] =	vst.idx.msk vm10, v8  }
0x31d: {  	v29 =	vshra.s32 v25, $0xA;
	v26 =	vand.u32 $0x3FF, v26;
	v43 =	vmpcnt.ones.xlane vm1;
	v8 =	vmovc v35;
	(xrf0) =	vadd.scan.msk.s32 $0xffff, v38  }
0x31e: {  	v35 =	vor.u32 $0x2C00, v26;
	v26 =	vmpcnt.ones.xlane vm6;
	v28 =	vshra.s32 v42, $0xA;
	[tilespmem:s19+$0x30] =	vst v39;
	s19 =	smov.u32 s23  }
0x31f: {  	vm4 =	veq.s32 v29, v6;
	vm7 =	vlt.s32 v31, v6;
	v39 =	vsel vm6, $0x1, v1  }
0x320: {  	vm8 =	veq.s32 v27, v6;
	v31 =	vsel vm4, $0x1, v1;
	v26 =	vadd.s32 v30, v26;
	(xrf0) =	vadd.scan.msk.s32 $0xffff, v39;
	v38, _, _ =	vpop (xrf0)  }
0x321: {  	v39 =	vadd.s32 v26, v41;
	v41 =	vmpcnt.ones.xlane vm8;
	v38 =	vadd.s32 v38, v26  }
0x322: {  	v33 =	vor.u32 $0x2C00, v33;
	v26 =	vadd.s32 $0xFFFFFFFF, v38;
	v38 =	vsel vm8, $0x1, v1  }
0x323: {  	v32 =	vand.u32 $0x3FF, v32;
	v44 =	vor.u32 $0x2C00, v37;
	vm3 =	veq.s32 v28, v6;
	v37, _, _ =	vpop (xrf0);
	(xrf0) =	vadd.scan.msk.s32 $0xffff, v38  }
0x324: {  	v34 =	vshra.s32 v34, $0xA;
	v32 =	vor.u32 $0x2C00, v32;
	v46 =	vsel vm3, $0x1, v1;
	(xrf0) =	vadd.scan.msk.s32 $0xffff, v31  }
0x325: {  	vm5 =	veq.s32 v34, v6;
	v45 =	vmpcnt.ones.xlane vm4;
	v31 =	vadd.s32 v37, v39;
	(xrf0) =	vadd.scan.msk.s32 $0xffff, v46  }
0x326: {  	v39 =	vadd.s32 v39, v43;
	v43 =	vsel vm5, $0x1, v1;
	v37 =	vand.u32 $0x3FF, v42;
	v38, _, _ =	vpop (xrf0)  }
0x327: {  	v46 =	vmpcnt.ones.xlane vm5;
	v42 =	vor.u32 $0x2C00, v37;
	[tilespmem:v35+s12+$0x0] =	vst.idx.add.s32.msk vm6, v2;
	v30 =	vadd.s32 v38, v30  }
.Ltmp28:
0x328: {  	vm9 =	vlt.s32 v34, v6;
	v38 =	vadd.s32 v39, v41;
	v37 =	vadd.s32 $0xFFFFFFFF, v30;
	(xrf0) =	vadd.scan.msk.s32 $0xffff, v43;
	(pc) =	sbr.rel @p0 .LBB2_46-.Ltmp28, $4  }
0x329: {  	v36 =	vand.u32 $0x3FF, v36;
	v41 =	vmpcnt.ones.xlane vm3;
	v30 =	vadd.s32 v38, v46;
	[tilespmem:v32+s12+$0x0] =	vst.idx.add.s32.msk vm8, v2;
	v35, _, _ =	vpop (xrf0)  }
0x32a: {  	[tilespmem:v33+s12+$0x0] =	vst.idx.add.s32.msk vm1, v2;
	v33 =	vadd.s32 v35, v39;
	v35 =	vadd.s32 v30, v45;
	v39 =	vor.u32 $0x2C00, v36;
	v34, _, _ =	vpop (xrf0)  }
0x32b: {  	v36 =	vadd.s32 $0xFFFFFFFF, v33;
	[tilespmem:v44+s12+$0x0] =	vst.idx.add.s32.msk vm5, v2;
	v33 =	vadd.s32 v34, v30;
	v30 =	vadd.s32 v35, v41;
	v32, _, _ =	vpop (xrf0)  }
0x32c: {  	s24 =	sadd.s32 $0x30, s21;
	s23 =	sadd.s32 $0x80, s23;
	v34 =	vadd.s32 $0xFFFFFFFF, v33;
	[tilespmem:v42+s12+$0x0] =	vst.idx.add.s32.msk vm3, v2;
	v33 =	vadd.s32 v32, v35;
	v32 =	vadd.s32 v40, v30  }
0x32d: {  	v35 =	vmov s20  }
0x32e: {  	v14 =	vsub.s32 v15, v14;
	vm10 =	veq.s32 v35, v0  }
0x32f: {  	v14 =	vnsel vm10, $0x0, v14  }
0x330: {  	(xrf0) =	vadd.scan.msk.s32 $0xffff, v14;
	_ =	sdelay $0x4  }
0x331: {  	v46 =	vadd.s32 v30, v24;
	v48, _, _ =	vpop (xrf0)  }
0x332: {  	v47 =	vxor.u32 $0x80000000, v46;
	v49, _, _ =	vpop (xrf0)  }
0x333: {  	(xrf0) =	vmax.scan.msk.u32 $0xffff, v47;
	(v2sf) =	vpush v49, $0xF;
	_ =	sdelay $0x3  }
0x334: {  	v50 =	vor.u32 s24, v0;
	v51 =	vor.u32 $0x2C00, v23;
	[tilespmem:v39+s12+$0x0] =	vst.idx.add.s32.msk vm2, v2  }
0x335: {  	vm15 =	vlt.s32 v27, v6;
	v54 =	vor.u32 s21, v0;
	v57 =	vadd.s32 $0xFFFFFFFF, v31;
	[tilespmem:v36+s13+$0x0] =	vst.idx.msk vm8, v50  }
0x336: {  	v52 =	vand.u32 $0x3FF, v25;
	v59 =	vadd.s32 $0xFFFFFFFF, v33;
	v20 =	vsel vm15, $0x0, v20;
	[tilespmem:v37+s13+$0x0] =	vst.idx.msk vm6, v54;
	v53, _, _ =	vpop (xrf0)  }
0x337: {  	v55 =	vsel vm7, $0x0, v21;
	v23 =	vor.u32 $0x2C00, v52;
	[tilespmem:s19+$0xFFFFFFF0] =	vst v20;
	(v2sf) =	vpush v53, $0xF  }
0x338: {  	[tilespmem:s19+$0xFFFFFFC0] =	vst v55  }
0x339: {  	s30 =	sadd.s32 $0x60, s21;
	[tilespmem:v51+s12+$0x0] =	vst.idx.add.s32.msk vm0, v2  }
0x33a: {  	vm12 =	vmmov vm2;
	v62 =	vor.u32 s30, v0;
	[tilespmem:v57+s13+$0x0] =	vst.idx.msk vm1, v12  }
0x33b: {  	s28 =	sadd.s32 $0x10, s21;
	v61 =	vadd.s32 $0xFFFFFFFF, v32;
	[tilespmem:v59+s13+$0x0] =	vst.idx.msk vm3, v62  }
0x33c: {  	vm13 =	vlt.s32 v22, v6;
	v56 =	vor.u32 s28, v0;
	[tilespmem:v23+s12+$0x0] =	vst.idx.add.s32.msk vm4, v2  }
0x33d: {  	vm14 =	vlt.s32 v28, v6;
	v11 =	vsel vm13, $0x0, v11;
	[tilespmem:v26+s13+$0x0] =	vst.idx.msk vm0, v56  }
0x33e: {  	v63 =	vsel vm14, $0x0, v10;
	[tilespmem:s19+$0xFFFFFFE0] =	vst v11  }
0x33f: {  	vm10 =	vlt.s32 v19, v6;
	v14 =	vadd.s32 v48, v38;
	[tilespmem:s19+$0x20] =	vst v63;
	s31 =	spop (v2sf)  }
0x340: {  	v13 =	vsel vm10, $0x0, v13;
	v14 =	vadd.s32 $0xFFFFFFFF, v14;
	[tilespmem:v61+s13+$0x0] =	vst.idx.msk vm12, v8;
	s18 =	ssub.s32 s18, s31  }
0x341: {  	vm15 =	vlt.s32 v18, v6;
	[tilespmem:s19+$0xFFFFFFD0] =	vst v13;
	p0 =	slt.s32 s18, $0x1  }
.Ltmp29:
0x342: {  	vm11 =	vlt.s32 v29, v6;
	v6 =	vsel vm15, $0x0, v7;
	[tilespmem:v34+s13+$0x0] =	vst.idx.msk vm4, v17;
	(pc) =	sbr.rel @p0 .LBB2_50-.Ltmp29, $4  }
0x343: {  	s29 =	sadd.s32 $0x40, s21;
	v58 =	vsel vm11, $0x0, v16;
	[tilespmem:s19+$0x30] =	vst v6  }
0x344: {  	s21 =	simm.s32 $0x0;
	s24 =	simm.s32 $0x1AFF0;
	v60 =	vor.u32 s29, v0;
	[tilespmem:s19+$0x10] =	vst v58  }
0x345: {  	v9 =	vsel vm9, $0x0, v9;
	s23 =	simm.s32 $0x0;
	s25 =	simm.s32 $0x0;
	s26 =	simm.s32 $0x0;
	[tilespmem:v14+s13+$0x0] =	vst.idx.msk vm5, v60  }
0x346: {  	s22 =	simm.s32 $0x0;
	[tilespmem:s19+$0x0] =	vst v9;
	s19 =	simm.s32 $0x0;
	s20 =	spop (v2sf)  }
.LBB2_48:
0x347: {  	v6 =	vld [tilespmem:s24+$0xFFFFFF10]  }
0x348: {  	v7 =	vld [tilespmem:s24+$0xFFFFFF20]  }
0x349: {  	v8 =	vld [tilespmem:s24+$0xFFFFFF30]  }
0x34a: {  	v9 =	vld [tilespmem:s24+$0xFFFFFF40]  }
0x34b: {  	v10 =	vld [tilespmem:s24+$0xFFFFFF50]  }
0x34c: {  	v11 =	vld [tilespmem:s24+$0xFFFFFF60]  }
0x34d: {  	v6 =	vadd.s32 v6, v7;
	v7 =	vld [tilespmem:s24+$0xFFFFFF70]  }
0x34e: {  	v56 =	vld [tilespmem:s24+$0xFFFFFF80];
	v6 =	vadd.s32 v8, v6  }
0x34f: {  	v57 =	vld [tilespmem:s24+$0xFFFFFF90];
	v6 =	vadd.s32 v9, v6  }
0x350: {  	v58 =	vld [tilespmem:s24+$0xFFFFFFA0];
	v6 =	vadd.s32 v10, v6  }
0x351: {  	v59 =	vld [tilespmem:s24+$0xFFFFFFB0];
	v6 =	vadd.s32 v11, v6  }
0x352: {  	v6 =	vadd.s32 v7, v6;
	v7 =	vld [tilespmem:s24+$0xFFFFFFC0]  }
0x353: {  	v60 =	vld [tilespmem:s24+$0xFFFFFFD0];
	v6 =	vadd.s32 v56, v6  }
0x354: {  	v61 =	vld [tilespmem:s24+$0xFFFFFFE0];
	v6 =	vadd.s32 v57, v6  }
0x355: {  	v62 =	vld [tilespmem:s24+$0xFFFFFFF0];
	v6 =	vadd.s32 v58, v6  }
0x356: {  	v63 =	vld [tilespmem:s24+$0x0];
	v6 =	vadd.s32 v59, v6  }
0x357: {  	v6 =	vadd.s32 v7, v6  }
0x358: {  	v6 =	vadd.s32 v60, v6  }
0x359: {  	v6 =	vadd.s32 v61, v6  }
0x35a: {  	v6 =	vadd.s32 v62, v6  }
0x35b: {  	v6 =	vadd.s32 v63, v6  }
0x35c: {  	(xrf0) =	vadd.scan.msk.s32 $0xffff, v6;
	_ =	sdelay $0x5  }
0x35d: {  	v6, _, _ =	vpop (xrf0)  }
0x35e: {  	(v2sf) =	vpush v6, $0xF;
	_ =	sdelay $0xe  }
0x35f: {  	s19 =	spop (v2sf)  }
0x360: {  	s22 =	smov.u32 s25;
	p0 =	sgt.u32 s26, $0x2;
	s25 =	sadd.s32 s25, s19  }
0x361: {  	p1 =	slt.s32 @!p0 s25, s18  }
0x362: {  	p1 =	por p0, !p1  }
.Ltmp30:
0x363: {  	_ = 	snop;
	(pc) =	sbr.rel @!p1 .LBB2_48-.Ltmp30, $2  }
0x364: {  	_ =	sdelay $0x2  }
0x365: {  	s26 =	sadd.s32 $0x1, s26;
	s23 =	sadd.s32 $0xFFFFFF00, s23;
	s24 =	sadd.s32 $0xFFFFFF00, s24  }
0x366: {  	s23 =	smov.u32 @p0 s23  }
0x367: {  	s22 =	smov.u32 @p0 s22;
	s19 =	smov.u32 s23  }
.LBB2_50:
0x368: {  	p0 =	sge.s32 s22, s18  }
.Ltmp31:
0x369: {  	_ = 	snop;
	(pc) =	sbr.rel @p0 .LBB2_54-.Ltmp31, $2  }
0x36a: {  	_ =	sdelay $0x2  }
0x36b: {  	v6 =	vimm.s32 $0x0  }
0x36c: {  	s21 =	sshll.u32 s19, $0x2  }
0x36d: {  	s21 =	sshra.s32 s21, $0x2  }
0x36e: {  	s24 =	simm.s32 $0x0;
	s23 =	sadd.s32 $0x1B0F0, s21;
	s21 =	simm.s32 $0x0  }
.LBB2_52:
0x36f: {  	v6 =	vld [tilespmem:s23+$0x0];
	_ =	sdelay $0x4  }
0x370: {  	(xrf0) =	vadd.scan.msk.s32 $0xffff, v6;
	_ =	sdelay $0x5  }
0x371: {  	v7, _, _ =	vpop (xrf0)  }
0x372: {  	(v2sf) =	vpush v7, $0xF;
	_ =	sdelay $0xe  }
0x373: {  	s25 =	spop (v2sf)  }
0x374: {  	p0 =	sgt.u32 s24, $0xE;
	s22 =	sadd.s32 s22, s25  }
0x375: {  	p1 =	slt.s32 @!p0 s22, s18  }
0x376: {  	p1 =	por p0, !p1  }
.Ltmp32:
0x377: {  	_ = 	snop;
	(pc) =	sbr.rel @!p1 .LBB2_52-.Ltmp32, $2  }
0x378: {  	_ =	sdelay $0x2  }
0x379: {  	s24 =	sadd.s32 $0x1, s24;
	s21 =	sadd.s32 $0xFFFFFFF0, s21;
	s23 =	sadd.s32 $0xFFFFFFF0, s23  }
0x37a: {  	s21 =	smov.u32 @p0 s21;
	s22 =	smov.u32 @p0 s22;
	v6 =	vpsel p0, v6, v6  }
.LBB2_54:
0x37b: {  	s23 =	sadd.s32 $0x8000000F, s20  }
0x37c: {  	s24 =	sand.u32 $0xF, s23  }
0x37d: {  	s25 =	sshra.s32 s23, $0x1F;
	p0 =	slt.s32 s23, $0x1;
	p1 =	sne.s32 s24, $0x0  }
0x37e: {  	s31 =	sshrl.u32 s25, $0x1C;
	p0 =	por !p0, !p1  }
0x37f: {  	s24 =	simm.s32 $0x1;
	s23 =	sadd.s32 s31, s23;
	p0 =	por !p0, !p0  }
0x380: {  	s23 =	sshra.s32 s23, $0x4;
	s24 =	simm.s32 @!p0 $0x0  }
0x381: {  	s23 =	ssub.s32 s23, s24  }
0x382: {  	p0 =	slt.s32 s23, $0x1  }
.Ltmp33:
0x383: {  	_ = 	snop;
	(pc) =	sbr.rel @p0 .LBB2_57-.Ltmp33, $1  }
0x384: {  	_ =	sdelay $0x3  }
0x385: {  	v6 =	vperm.xlane v6, v3;
	_ =	sdelay $0x1  }
0x386: {  	(xrf0) =	vadd.scan.msk.s32 $0xffff, v6;
	_ =	sdelay $0x5  }
0x387: {  	v7, _, _ =	vpop (xrf0)  }
0x388: {  	(v2sf) =	vpush v7, $0xF;
	_ =	sdelay $0xe  }
0x389: {  	s24 =	spop (v2sf)  }
0x38a: {  	s22 =	ssub.s32 s22, s24  }
0x38b: {  	v7 =	vadd.s32 s22, v7  }
0x38c: {  	vm0 =	vlt.s32 v7, s18  }
0x38d: {  	v8 =	vsel vm0, $0x80000010, v4  }
0x38e: {  	(xrf0) =	vmin.scan.msk.u32 $0xffff, v8;
	_ =	sdelay $0x5  }
0x38f: {  	v8, _, _ =	vpop (xrf0)  }
0x390: {  	(v2sf) =	vpush v8, $0xF;
	_ =	sdelay $0xe  }
0x391: {  	s29 =	spop (v2sf)  }
0x392: {  	s22 =	sxor.u32 $0x80000000, s29  }
0x393: {  	v8 =	vmov s22  }
0x394: {  	v6 =	vsub.s32 v7, v6;
	vm15 =	veq.s32 v8, v0  }
0x395: {  	v6 =	vnsel vm15, $0x0, v6  }
0x396: {  	(xrf0) =	vadd.scan.msk.s32 $0xffff, v6;
	_ =	sdelay $0x5  }
0x397: {  	v6, _, _ =	vpop (xrf0)  }
0x398: {  	(v2sf) =	vpush v6, $0xF;
	_ =	sdelay $0xc  }
0x399: {  	s19 =	sadd.s32 s21, s19  }
0x39a: {  	s17 =	sshll.u32 s17, $0xA;
	s19 =	ssub.s32 s19, s22  }
0x39b: {  	s20 =	sxor.u32 $0x80000000, s20;
	s19 =	sadd.s32 $0x50F, s19;
	s30 =	spop (v2sf)  }
0x39c: {  	v7 =	vmov s20;
	s17 =	sor.u32 s17, s19;
	s31 =	ssub.s32 s18, s30  }
0x39d: {  	v8 =	vmov s17;
	s17 =	simm.s32 $0x10000;
	v6 =	vimm.s32 $0x0;
	s18 =	simm.s32 $0x0;
	v9 =	vmov s31  }
.LBB2_56:
0x39e: {  	v10 =	vld [tilespmem:s17+$0x0]  }
0x39f: {  	v11 =	vor.u32 s18, v0  }
0x3a0: {  	vm0 =	vlt.s32 v11, v7;
	_ =	sdelay $0x5  }
0x3a1: {  	v11 =	vld.idx.msk [tilespmem:v10+s11+$0x0], vm0;
	_ =	sdelay $0x4  }
0x3a2: {  	v12 =	vshra.s32 v11, $0x1F  }
0x3a3: {  	v12 =	vand.u32 $0x7FFFFFFF, v12  }
0x3a4: {  	v11 =	vxor.u32 v11, v12  }
0x3a5: {  	vm1 =	veq.s32 v11, v8  }
0x3a6: {  	vm1 =	vmand vm0, vm1  }
0x3a7: {  	v63 =	vsel vm1, $0x1, v1  }
0x3a8: {  	(xrf0) =	vadd.scan.msk.s32 $0xffff, v63;
	_ =	sdelay $0x5  }
0x3a9: {  	v12, _, _ =	vpop (xrf0)  }
0x3aa: {  	v12 =	vadd.s32 v6, v12  }
0x3ab: {  	vm2 =	vle.s32 v12, v9  }
0x3ac: {  	vm3 =	vgt.s32 v11, v8;
	vm2 =	vmand vm1, vm2  }
0x3ad: {  	vm2 =	vmor vm3, vm2  }
0x3ae: {  	vm2 =	vmneg vm2  }
0x3af: {  	vm0 =	vmand vm0, vm2  }
0x3b0: {  	p0 =	sne.s32 s23, $0x1  }
.Ltmp34:
0x3b1: {  	_ = 	snop;
	(pc) =	sbr.rel @p0 .LBB2_56-.Ltmp34, $3  }
0x3b2: {  	_ = 	snop  }
0x3b3: {  	v11 =	vmpcnt.ones.xlane vm1;
	_ =	sdelay $0x1  }
0x3b4: {  	s17 =	sadd.s32 $0x10, s17;
	s18 =	sadd.s32 $0x10, s18;
	s23 =	sadd.s32 $0xFFFFFFFF, s23;
	v6 =	vadd.s32 v6, v11;
	[tilespmem:v10+s11+$0x0] =	vst.idx.msk vm0, v5  }
.Ltmp35:
0x3b5: {  	_ = 	snop;
	(pc) =	sbr.rel .LBB2_57-.Ltmp35, $1  }
0x3b6: {  	_ =	sdelay $0x3  }
.LBB2_58:
0x3b7: {  	_ =	sfence.sel $0x180000  }
0x3b8: {  	[bflag:$0x0] =	sbarrier.arrive $0xFFFF  }
0x3b9: {  	p0 =	sne.s32 s1, $0x0;
	_ =	strace $0x90000047  }
0x3ba: {  	s0 =	sadd.s32 @!p0 $0x100000, s0;
	[bflag:$0x2] =	sbarrier.arrive $0xFFFF  }
0x3bb: {  	[sflag:s0] =	ssyncadd.tile.s32 @!p0 $0x1;
	_ =	shalt  }
.Lfunc_end2:
_tile_overlayer_lowered:
.L_overlay_start_2:
0x3bc: {  	(tag) =	ssettag $0x2  }
0x3bd: {  	s0 =	rddreg [dreg:$0x0];
	s2 =	stileid.u32  }
0x3be: {  	s1 =	rddreg [dreg:$0x1];
	p0 =	sne.s32 s2, $0x0  }
0x3bf: {  	s3 =	rddreg [dreg:$0x2];
	[bflag:$0x3] =	sbarrier.arrive $0xFFFF;
	s2 =	simm.s32 @!p0 $0x1C03  }
0x3c0: {  	[timem:s3], [sflag:s2] =	dma.local @!p0 [hbm:s0], s1  }
0x3c1: {  	s0 =	simm.s32 @!p0 $0x3  }
0x3c2: {  	_ =	swait.ge @!p0 [sflag:s0], s1  }
0x3c3: {  	s1 =	ssub.s32 @!p0 $0x0, s1;
	[sflag:s0] =	ssyncset.done @!p0 $0x0  }
0x3c4: {  	[sflag:s0] =	ssyncadd.s32 @!p0 s1  }
0x3c5: {  	[bflag:$0x3] =	sbarrier.arrive $0xFFFF  }
0x3c6: {  	_ =	shalt  }

</sc_bundles>
